<compile_context>
chip_gen: v7x
topology: tpu7x:2x2x1
jax: 0.10.2.dev20260603
libtpu: 0.0.44.dev20260713+nightly
codegen_flags: <defaults>
</compile_context>

<pallas_src>
import functools
import math

import numpy as np
import jax
import jax.numpy as jnp
from jax import lax
from jax.experimental import pallas as pl
from jax.experimental.pallas import tpu as pltpu
from jax.experimental.pallas import tpu_sc as plsc

L1_, L2_, LO_ = 2, 2, 2
B_ = 8192
C_ = 32
M_IN = (L1_ + 1) ** 2
M_OUT = (LO_ + 1) ** 2


def _cg_cplx(j1, m1, j2, m2, j3, m3):
    if m1 + m2 != m3:
        return 0.0
    f = math.factorial
    pref = math.sqrt((2 * j3 + 1) * f(j3 + j1 - j2) * f(j3 - j1 + j2) * f(j1 + j2 - j3) / f(j1 + j2 + j3 + 1))
    pref *= math.sqrt(f(j3 + m3) * f(j3 - m3) * f(j1 - m1) * f(j1 + m1) * f(j2 - m2) * f(j2 + m2))
    kmin = max(0, j2 - j3 - m1, j1 - j3 + m2)
    kmax = min(j1 + j2 - j3, j1 - m1, j2 + m2)
    s = 0.0
    for k in range(kmin, kmax + 1):
        s += (-1.0) ** k / (f(k) * f(j1 + j2 - j3 - k) * f(j1 - m1 - k) * f(j2 + m2 - k) * f(j3 - j2 + m1 + k) * f(j3 - j1 - m2 + k))
    return pref * s


def _qm(l):
    q = np.zeros((2 * l + 1, 2 * l + 1), dtype=np.complex128)
    for m in range(-l, 0):
        q[l + m, l + abs(m)] = 1.0 / math.sqrt(2.0)
        q[l + m, l - abs(m)] = -1j / math.sqrt(2.0)
    q[l, l] = 1.0
    for m in range(1, l + 1):
        q[l + m, l + abs(m)] = ((-1) ** m) / math.sqrt(2.0)
        q[l + m, l - abs(m)] = 1j * ((-1) ** m) / math.sqrt(2.0)
    return ((-1j) ** l) * q


def _rcg(l1, l2, l3):
    Cc = np.zeros((2 * l1 + 1, 2 * l2 + 1, 2 * l3 + 1), dtype=np.complex128)
    for m1 in range(-l1, l1 + 1):
        for m2 in range(-l2, l2 + 1):
            m3 = m1 + m2
            if -l3 <= m3 <= l3:
                Cc[l1 + m1, l2 + m2, l3 + m3] = _cg_cplx(l1, m1, l2, m2, l3, m3)
    T = np.einsum('am,bn,co,mno->abc', _qm(l1), _qm(l2), np.conj(_qm(l3)), Cc)
    if np.abs(T.real).sum() >= np.abs(T.imag).sum():
        R = T.real.copy()
    else:
        R = T.imag.copy()
    R[np.abs(R) < 1e-12] = 0.0
    return R


def _coo_table():
    entries = []
    l_counter = 0
    for lo in range(LO_ + 1):
        for l1 in range(L1_ + 1):
            for l2 in range(L2_ + 1):
                if abs(l1 - l2) <= lo <= l1 + l2:
                    R = _rcg(l1, l2, lo)
                    for i1 in range(2 * l1 + 1):
                        for i2 in range(2 * l2 + 1):
                            for io in range(2 * lo + 1):
                                v = R[i1, i2, io]
                                if abs(v) > 1e-10:
                                    entries.append((lo * lo + io, l1 * l1 + i1, l2 * l2 + i2, l_counter, float(v)))
                    l_counter += 1
    entries.sort(key=lambda e: (e[0], e[3], e[1], e[2]))
    return entries, l_counter


_ENTRIES, NUM_W = _coo_table()

_PROGRAM = []
for _seg in range(M_OUT):
    groups = {}
    order = []
    for (s, m1, m2, l, v) in _ENTRIES:
        if s != _seg:
            continue
        if l not in groups:
            groups[l] = []
            order.append(l)
        groups[l].append((m1, m2, np.float32(v)))
    _PROGRAM.append([(l, groups[l]) for l in order])

NW_ = 32
PER_W = B_ // NW_
CHUNK = 32
NCHUNK = PER_W // CHUNK


def _tp_body(x1_hbm, x2_hbm, w_hbm, out_hbm, x1_v, x2_v, w_v, out_v):
    cid = lax.axis_index("c")
    sid = lax.axis_index("s")
    wid = sid * 2 + cid
    base = wid * PER_W

    def chunk_body(ci, _):
        b0 = base + ci * CHUNK
        pltpu.sync_copy(x1_hbm.at[pl.ds(b0, CHUNK)], x1_v)
        pltpu.sync_copy(x2_hbm.at[pl.ds(b0, CHUNK)], x2_v)
        pltpu.sync_copy(w_hbm.at[pl.ds(b0, CHUNK)], w_v)

        def batch_body(b, _):
            for h in range(2):
                sl = pl.ds(16 * h, 16)
                x1r = [x1_v[b, m, sl] for m in range(M_IN)]
                x2r = [x2_v[b, m, sl] for m in range(M_IN)]
                wr = [w_v[b, l, sl] for l in range(NUM_W)]
                for seg in range(M_OUT):
                    acc = None
                    for (l, terms) in _PROGRAM[seg]:
                        inner = None
                        for (m1, m2, cg) in terms:
                            t = (x1r[m1] * x2r[m2]) * cg
                            inner = t if inner is None else inner + t
                        contrib = inner * wr[l]
                        acc = contrib if acc is None else acc + contrib
                    out_v[b, seg, sl] = acc
            return ()

        lax.fori_loop(0, CHUNK, batch_body, (), unroll=False)
        pltpu.sync_copy(out_v, out_hbm.at[pl.ds(b0, CHUNK)])
        return ()

    lax.fori_loop(0, NCHUNK, chunk_body, (), unroll=False)


@jax.jit
def _tp_call(x1, x2, weight):
    mesh = plsc.VectorSubcoreMesh(core_axis_name="c", subcore_axis_name="s")
    return pl.kernel(
        _tp_body,
        out_type=jax.ShapeDtypeStruct((B_, M_OUT, C_), jnp.float32),
        mesh=mesh,
        scratch_types=[
            pltpu.VMEM((CHUNK, M_IN, C_), jnp.float32),
            pltpu.VMEM((CHUNK, M_IN, C_), jnp.float32),
            pltpu.VMEM((CHUNK, NUM_W, C_), jnp.float32),
            pltpu.VMEM((CHUNK, M_OUT, C_), jnp.float32),
        ],
        compiler_params=pltpu.CompilerParams(use_tc_tiling_on_sc=False),
    )(x1, x2, weight)


def kernel(x1, x2, weight, CG_vals, M1, M2, l_ind, M_seg):
    return _tp_call(x1, x2, weight)

# --- scband reference (transcript-rebuilt; emitter-appended) ---
"""Pipeline reference for scband-weighted-tensor-product-13254269075604 (READ-ONLY COPY).

The authoritative reference and input builder live on the scoring server;
editing this copy changes nothing except your own understanding.
"""

import jax, jax.numpy as jnp
import numpy as np
import math

L_IN1, L_IN2, L_OUT = 2, 2, 2
B, C = 8192, 32


def _cg_complex(j1, m1, j2, m2, j3, m3):
    if m1 + m2 != m3:
        return 0.0
    f = math.factorial
    pref = math.sqrt((2 * j3 + 1) * f(j3 + j1 - j2) * f(j3 - j1 + j2) * f(j1 + j2 - j3) / f(j1 + j2 + j3 + 1))
    pref *= math.sqrt(f(j3 + m3) * f(j3 - m3) * f(j1 - m1) * f(j1 + m1) * f(j2 - m2) * f(j2 + m2))
    kmin = max(0, j2 - j3 - m1, j1 - j3 + m2)
    kmax = min(j1 + j2 - j3, j1 - m1, j2 + m2)
    s = 0.0
    for k in range(kmin, kmax + 1):
        s += (-1.0) ** k / (f(k) * f(j1 + j2 - j3 - k) * f(j1 - m1 - k) * f(j2 + m2 - k) * f(j3 - j2 + m1 + k) * f(j3 - j1 - m2 + k))
    return pref * s


def _q_mat(l):
    q = np.zeros((2 * l + 1, 2 * l + 1), dtype=np.complex128)
    for m in range(-l, 0):
        q[l + m, l + abs(m)] = 1.0 / math.sqrt(2.0)
        q[l + m, l - abs(m)] = -1j / math.sqrt(2.0)
    q[l, l] = 1.0
    for m in range(1, l + 1):
        q[l + m, l + abs(m)] = ((-1) ** m) / math.sqrt(2.0)
        q[l + m, l - abs(m)] = 1j * ((-1) ** m) / math.sqrt(2.0)
    return ((-1j) ** l) * q


def _real_cg(l1, l2, l3):
    Cc = np.zeros((2 * l1 + 1, 2 * l2 + 1, 2 * l3 + 1), dtype=np.complex128)
    for m1 in range(-l1, l1 + 1):
        for m2 in range(-l2, l2 + 1):
            m3 = m1 + m2
            if -l3 <= m3 <= l3:
                Cc[l1 + m1, l2 + m2, l3 + m3] = _cg_complex(l1, m1, l2, m2, l3, m3)
    T = np.einsum('am,bn,co,mno->abc', _q_mat(l1), _q_mat(l2), np.conj(_q_mat(l3)), Cc)
    if np.abs(T.real).sum() >= np.abs(T.imag).sum():
        R = T.real.copy()
    else:
        R = T.imag.copy()
    R[np.abs(R) < 1e-12] = 0.0
    return R


def _coo_cg(L_out, L_in1, L_in2):
    entries = []
    l_ind_counter = 0
    for lo in range(L_out + 1):
        for l1 in range(L_in1 + 1):
            for l2 in range(L_in2 + 1):
                if abs(l1 - l2) <= lo <= l1 + l2:
                    R = _real_cg(l1, l2, lo)
                    for i1 in range(2 * l1 + 1):
                        for i2 in range(2 * l2 + 1):
                            for io in range(2 * lo + 1):
                                v = R[i1, i2, io]
                                if abs(v) > 1e-10:
                                    entries.append((lo * lo + io, l1 * l1 + i1, l2 * l2 + i2, l_ind_counter, float(v)))
                    l_ind_counter += 1
    entries.sort(key=lambda e: (e[0], e[3], e[1], e[2]))
    M_seg = np.array([e[0] for e in entries], dtype=np.int32)
    M1 = np.array([e[1] for e in entries], dtype=np.int32)
    M2 = np.array([e[2] for e in entries], dtype=np.int32)
    l_ind = np.array([e[3] for e in entries], dtype=np.int32)
    CG_vals = np.array([e[4] for e in entries], dtype=np.float32)
    return CG_vals, M_seg, M1, M2, l_ind, l_ind_counter


def setup_inputs(seed: int = 0):
    CG_vals, M_seg, M1, M2, l_ind, num_w = _coo_cg(L_OUT, L_IN1, L_IN2)
    key = jax.random.key(seed)
    k1, k2, k3 = jax.random.split(key, 3)
    x1 = jax.random.normal(k1, (B, (L_IN1 + 1) ** 2, C), dtype=jnp.float32)
    x2 = jax.random.normal(k2, (B, (L_IN2 + 1) ** 2, C), dtype=jnp.float32)
    weight = jax.random.normal(k3, (B, num_w, C), dtype=jnp.float32)
    return {'x1': x1, 'x2': x2, 'weight': weight, 'CG_vals': jnp.asarray(CG_vals, dtype=jnp.float32), 'M1': jnp.asarray(M1), 'M2': jnp.asarray(M2), 'l_ind': jnp.asarray(l_ind), 'M_seg': jnp.asarray(M_seg)}


def reference(x1, x2, weight, CG_vals, M1, M2, l_ind, M_seg):
    x1g = jnp.take(x1, M1, axis=1)
    x2g = jnp.take(x2, M2, axis=1)
    inter = x2g * x1g * CG_vals[None, :, None]
    w = jnp.take(weight, l_ind, axis=1)
    ret = inter * w
    seg = jax.ops.segment_sum(jnp.moveaxis(ret, 1, 0), M_seg, num_segments=(L_OUT + 1) ** 2)
    return jnp.moveaxis(seg, 0, 1)

if __name__ == "__main__":
    import jax
    _d = setup_inputs()
    print(jax.jit(kernel)(*tuple(_d.values())))

</pallas_src>

<mosaic_0001>
#map = affine_map<(d0, d1) -> (0, 0, 0)>
module attributes {stable_mosaic.version = 14 : i64} {
  func.func @_tp_body(%arg0: i32, %arg1: i32, %arg2: memref<8192x9x32xf32, #tpu.memory_space<hbm>>, %arg3: memref<8192x9x32xf32, #tpu.memory_space<hbm>>, %arg4: memref<8192x15x32xf32, #tpu.memory_space<hbm>>, %arg5: memref<8192x9x32xf32, #tpu.memory_space<hbm>>, %arg6: memref<32x9x32xf32, #tpu.memory_space<vmem>>, %arg7: memref<32x9x32xf32, #tpu.memory_space<vmem>>, %arg8: memref<32x15x32xf32, #tpu.memory_space<vmem>>, %arg9: memref<32x9x32xf32, #tpu.memory_space<vmem>>) attributes {dimension_semantics = [#tpu.dimension_semantics<core_parallel>, #tpu.dimension_semantics<subcore_parallel>], iteration_bounds = array<i64: 2, 16>, scalar_prefetch = 0 : i64, scratch_operands = 4 : i64, tpu.core_type = #tpu.core_type<sc_vector_subcore>, window_params = [{transform_indices = #map}, {transform_indices = #map}, {transform_indices = #map}, {transform_indices = #map}]} {
    %mul3A = arith.constant 2 : i32
    %mul3A_0 = arith.muli %arg1, %mul3A : i32
    %add3A = arith.addi %mul3A_0, %arg0 : i32
    %mul3A_1 = arith.constant 256 : i32
    %mul3A_2 = arith.muli %add3A, %mul3A_1 : i32
    %scan3A = arith.constant 0 : i32
    %scan3A_3 = arith.constant 8 : i32
    %scan3A_4 = arith.addi %scan3A, %scan3A_3 : i32
    %scan3A_5 = arith.constant 1 : i32
    scf.for %scan3A_7 = %scan3A to %scan3A_4 step %scan3A_5  : i32 {
      %mul3A_8 = arith.constant 32 : i32
      %mul3A_9 = arith.muli %scan3A_7, %mul3A_8 : i32
      %add3A_10 = arith.addi %mul3A_2, %mul3A_9 : i32
      "tpu.region"() ({
        %run_scoped3A = tpu.sem_alloc : memref<!tpu.dma_semaphore, #tpu.memory_space<semaphore_mem>>
        %dma_start3A = arith.constant 0 : i32
        %dma_start3A_16 = arith.constant 0 : i32
        %dma_start3A_17 = tpu.memref_slice %arg2[%add3A_10, %dma_start3A, %dma_start3A_16] : memref<8192x9x32xf32, #tpu.memory_space<hbm>> -> memref<32x9x32xf32, #tpu.memory_space<hbm>>
        %dma_start3A_18 = arith.constant 0 : i32
        %dma_start3A_19 = arith.constant 0 : i32
        %dma_start3A_20 = tpu.memref_slice %arg2[%add3A_10, %dma_start3A_18, %dma_start3A_19] : memref<8192x9x32xf32, #tpu.memory_space<hbm>> -> memref<32x9x32xf32, #tpu.memory_space<hbm>>
        tpu.enqueue_dma source(%dma_start3A_20 : memref<32x9x32xf32, #tpu.memory_space<hbm>>) target(%arg6 : memref<32x9x32xf32, #tpu.memory_space<vmem>>) target_semaphore(%run_scoped3A : memref<!tpu.dma_semaphore, #tpu.memory_space<semaphore_mem>>)
        %dma_wait3A = arith.constant 0 : i32
        %dma_wait3A_21 = arith.constant 0 : i32
        %dma_wait3A_22 = tpu.memref_slice %arg2[%add3A_10, %dma_wait3A, %dma_wait3A_21] : memref<8192x9x32xf32, #tpu.memory_space<hbm>> -> memref<32x9x32xf32, #tpu.memory_space<hbm>>
        %dma_wait3A_23 = arith.constant 0 : i32
        %dma_wait3A_24 = arith.constant 0 : i32
        %dma_wait3A_25 = tpu.memref_slice %arg2[%add3A_10, %dma_wait3A_23, %dma_wait3A_24] : memref<8192x9x32xf32, #tpu.memory_space<hbm>> -> memref<32x9x32xf32, #tpu.memory_space<hbm>>
        tpu.wait_dma2 semaphore(%run_scoped3A : memref<!tpu.dma_semaphore, #tpu.memory_space<semaphore_mem>>) src(%dma_wait3A_25 : memref<32x9x32xf32, #tpu.memory_space<hbm>>) dst(%arg6 : memref<32x9x32xf32, #tpu.memory_space<vmem>>)
        tpu.yield
      }) : () -> ()
      "tpu.region"() ({
        %run_scoped3A = tpu.sem_alloc : memref<!tpu.dma_semaphore, #tpu.memory_space<semaphore_mem>>
        %dma_start3A = arith.constant 0 : i32
        %dma_start3A_16 = arith.constant 0 : i32
        %dma_start3A_17 = tpu.memref_slice %arg3[%add3A_10, %dma_start3A, %dma_start3A_16] : memref<8192x9x32xf32, #tpu.memory_space<hbm>> -> memref<32x9x32xf32, #tpu.memory_space<hbm>>
        %dma_start3A_18 = arith.constant 0 : i32
        %dma_start3A_19 = arith.constant 0 : i32
        %dma_start3A_20 = tpu.memref_slice %arg3[%add3A_10, %dma_start3A_18, %dma_start3A_19] : memref<8192x9x32xf32, #tpu.memory_space<hbm>> -> memref<32x9x32xf32, #tpu.memory_space<hbm>>
        tpu.enqueue_dma source(%dma_start3A_20 : memref<32x9x32xf32, #tpu.memory_space<hbm>>) target(%arg7 : memref<32x9x32xf32, #tpu.memory_space<vmem>>) target_semaphore(%run_scoped3A : memref<!tpu.dma_semaphore, #tpu.memory_space<semaphore_mem>>)
        %dma_wait3A = arith.constant 0 : i32
        %dma_wait3A_21 = arith.constant 0 : i32
        %dma_wait3A_22 = tpu.memref_slice %arg3[%add3A_10, %dma_wait3A, %dma_wait3A_21] : memref<8192x9x32xf32, #tpu.memory_space<hbm>> -> memref<32x9x32xf32, #tpu.memory_space<hbm>>
        %dma_wait3A_23 = arith.constant 0 : i32
        %dma_wait3A_24 = arith.constant 0 : i32
        %dma_wait3A_25 = tpu.memref_slice %arg3[%add3A_10, %dma_wait3A_23, %dma_wait3A_24] : memref<8192x9x32xf32, #tpu.memory_space<hbm>> -> memref<32x9x32xf32, #tpu.memory_space<hbm>>
        tpu.wait_dma2 semaphore(%run_scoped3A : memref<!tpu.dma_semaphore, #tpu.memory_space<semaphore_mem>>) src(%dma_wait3A_25 : memref<32x9x32xf32, #tpu.memory_space<hbm>>) dst(%arg7 : memref<32x9x32xf32, #tpu.memory_space<vmem>>)
        tpu.yield
      }) : () -> ()
      "tpu.region"() ({
        %run_scoped3A = tpu.sem_alloc : memref<!tpu.dma_semaphore, #tpu.memory_space<semaphore_mem>>
        %dma_start3A = arith.constant 0 : i32
        %dma_start3A_16 = arith.constant 0 : i32
        %dma_start3A_17 = tpu.memref_slice %arg4[%add3A_10, %dma_start3A, %dma_start3A_16] : memref<8192x15x32xf32, #tpu.memory_space<hbm>> -> memref<32x15x32xf32, #tpu.memory_space<hbm>>
        %dma_start3A_18 = arith.constant 0 : i32
        %dma_start3A_19 = arith.constant 0 : i32
        %dma_start3A_20 = tpu.memref_slice %arg4[%add3A_10, %dma_start3A_18, %dma_start3A_19] : memref<8192x15x32xf32, #tpu.memory_space<hbm>> -> memref<32x15x32xf32, #tpu.memory_space<hbm>>
        tpu.enqueue_dma source(%dma_start3A_20 : memref<32x15x32xf32, #tpu.memory_space<hbm>>) target(%arg8 : memref<32x15x32xf32, #tpu.memory_space<vmem>>) target_semaphore(%run_scoped3A : memref<!tpu.dma_semaphore, #tpu.memory_space<semaphore_mem>>)
        %dma_wait3A = arith.constant 0 : i32
        %dma_wait3A_21 = arith.constant 0 : i32
        %dma_wait3A_22 = tpu.memref_slice %arg4[%add3A_10, %dma_wait3A, %dma_wait3A_21] : memref<8192x15x32xf32, #tpu.memory_space<hbm>> -> memref<32x15x32xf32, #tpu.memory_space<hbm>>
        %dma_wait3A_23 = arith.constant 0 : i32
        %dma_wait3A_24 = arith.constant 0 : i32
        %dma_wait3A_25 = tpu.memref_slice %arg4[%add3A_10, %dma_wait3A_23, %dma_wait3A_24] : memref<8192x15x32xf32, #tpu.memory_space<hbm>> -> memref<32x15x32xf32, #tpu.memory_space<hbm>>
        tpu.wait_dma2 semaphore(%run_scoped3A : memref<!tpu.dma_semaphore, #tpu.memory_space<semaphore_mem>>) src(%dma_wait3A_25 : memref<32x15x32xf32, #tpu.memory_space<hbm>>) dst(%arg8 : memref<32x15x32xf32, #tpu.memory_space<vmem>>)
        tpu.yield
      }) : () -> ()
      %scan3A_11 = arith.constant 0 : i32
      %scan3A_12 = arith.constant 32 : i32
      %scan3A_13 = arith.addi %scan3A_11, %scan3A_12 : i32
      %scan3A_14 = arith.constant 1 : i32
      scf.for %scan3A_16 = %scan3A_11 to %scan3A_13 step %scan3A_14  : i32 {
        %get3A = arith.constant 0 : i32
        %get3A_17 = arith.index_cast %scan3A_16 : i32 to index
        %get3A_18 = arith.index_cast %get3A : i32 to index
        %get3A_19 = arith.constant 0 : index
        %get3A_20 = tpu.vector_load %arg6[%get3A_17, %get3A_18, %get3A_19] {strides = array<i32>} : memref<32x9x32xf32, #tpu.memory_space<vmem>>, vector<1x1x16xf32>,
        %get3A_21 = vector.shape_cast %get3A_20 : vector<1x1x16xf32> to vector<16xf32>
        %get3A_22 = arith.constant 1 : i32
        %get3A_23 = arith.index_cast %scan3A_16 : i32 to index
        %get3A_24 = arith.index_cast %get3A_22 : i32 to index
        %get3A_25 = arith.constant 0 : index
        %get3A_26 = tpu.vector_load %arg6[%get3A_23, %get3A_24, %get3A_25] {strides = array<i32>} : memref<32x9x32xf32, #tpu.memory_space<vmem>>, vector<1x1x16xf32>,
        %get3A_27 = vector.shape_cast %get3A_26 : vector<1x1x16xf32> to vector<16xf32>
        %get3A_28 = arith.constant 2 : i32
        %get3A_29 = arith.index_cast %scan3A_16 : i32 to index
        %get3A_30 = arith.index_cast %get3A_28 : i32 to index
        %get3A_31 = arith.constant 0 : index
        %get3A_32 = tpu.vector_load %arg6[%get3A_29, %get3A_30, %get3A_31] {strides = array<i32>} : memref<32x9x32xf32, #tpu.memory_space<vmem>>, vector<1x1x16xf32>,
        %get3A_33 = vector.shape_cast %get3A_32 : vector<1x1x16xf32> to vector<16xf32>
        %get3A_34 = arith.constant 3 : i32
        %get3A_35 = arith.index_cast %scan3A_16 : i32 to index
        %get3A_36 = arith.index_cast %get3A_34 : i32 to index
        %get3A_37 = arith.constant 0 : index
        %get3A_38 = tpu.vector_load %arg6[%get3A_35, %get3A_36, %get3A_37] {strides = array<i32>} : memref<32x9x32xf32, #tpu.memory_space<vmem>>, vector<1x1x16xf32>,
        %get3A_39 = vector.shape_cast %get3A_38 : vector<1x1x16xf32> to vector<16xf32>
        %get3A_40 = arith.constant 4 : i32
        %get3A_41 = arith.index_cast %scan3A_16 : i32 to index
        %get3A_42 = arith.index_cast %get3A_40 : i32 to index
        %get3A_43 = arith.constant 0 : index
        %get3A_44 = tpu.vector_load %arg6[%get3A_41, %get3A_42, %get3A_43] {strides = array<i32>} : memref<32x9x32xf32, #tpu.memory_space<vmem>>, vector<1x1x16xf32>,
        %get3A_45 = vector.shape_cast %get3A_44 : vector<1x1x16xf32> to vector<16xf32>
        %get3A_46 = arith.constant 5 : i32
        %get3A_47 = arith.index_cast %scan3A_16 : i32 to index
        %get3A_48 = arith.index_cast %get3A_46 : i32 to index
        %get3A_49 = arith.constant 0 : index
        %get3A_50 = tpu.vector_load %arg6[%get3A_47, %get3A_48, %get3A_49] {strides = array<i32>} : memref<32x9x32xf32, #tpu.memory_space<vmem>>, vector<1x1x16xf32>,
        %get3A_51 = vector.shape_cast %get3A_50 : vector<1x1x16xf32> to vector<16xf32>
        %get3A_52 = arith.constant 6 : i32
        %get3A_53 = arith.index_cast %scan3A_16 : i32 to index
        %get3A_54 = arith.index_cast %get3A_52 : i32 to index
        %get3A_55 = arith.constant 0 : index
        %get3A_56 = tpu.vector_load %arg6[%get3A_53, %get3A_54, %get3A_55] {strides = array<i32>} : memref<32x9x32xf32, #tpu.memory_space<vmem>>, vector<1x1x16xf32>,
        %get3A_57 = vector.shape_cast %get3A_56 : vector<1x1x16xf32> to vector<16xf32>
        %get3A_58 = arith.constant 7 : i32
        %get3A_59 = arith.index_cast %scan3A_16 : i32 to index
        %get3A_60 = arith.index_cast %get3A_58 : i32 to index
        %get3A_61 = arith.constant 0 : index
        %get3A_62 = tpu.vector_load %arg6[%get3A_59, %get3A_60, %get3A_61] {strides = array<i32>} : memref<32x9x32xf32, #tpu.memory_space<vmem>>, vector<1x1x16xf32>,
        %get3A_63 = vector.shape_cast %get3A_62 : vector<1x1x16xf32> to vector<16xf32>
        %get3A_64 = arith.constant 8 : i32
        %get3A_65 = arith.index_cast %scan3A_16 : i32 to index
        %get3A_66 = arith.index_cast %get3A_64 : i32 to index
        %get3A_67 = arith.constant 0 : index
        %get3A_68 = tpu.vector_load %arg6[%get3A_65, %get3A_66, %get3A_67] {strides = array<i32>} : memref<32x9x32xf32, #tpu.memory_space<vmem>>, vector<1x1x16xf32>,
        %get3A_69 = vector.shape_cast %get3A_68 : vector<1x1x16xf32> to vector<16xf32>
        %get3A_70 = arith.constant 0 : i32
        %get3A_71 = arith.index_cast %scan3A_16 : i32 to index
        %get3A_72 = arith.index_cast %get3A_70 : i32 to index
        %get3A_73 = arith.constant 0 : index
        %get3A_74 = tpu.vector_load %arg7[%get3A_71, %get3A_72, %get3A_73] {strides = array<i32>} : memref<32x9x32xf32, #tpu.memory_space<vmem>>, vector<1x1x16xf32>,
        %get3A_75 = vector.shape_cast %get3A_74 : vector<1x1x16xf32> to vector<16xf32>
        %get3A_76 = arith.constant 1 : i32
        %get3A_77 = arith.index_cast %scan3A_16 : i32 to index
        %get3A_78 = arith.index_cast %get3A_76 : i32 to index
        %get3A_79 = arith.constant 0 : index
        %get3A_80 = tpu.vector_load %arg7[%get3A_77, %get3A_78, %get3A_79] {strides = array<i32>} : memref<32x9x32xf32, #tpu.memory_space<vmem>>, vector<1x1x16xf32>,
        %get3A_81 = vector.shape_cast %get3A_80 : vector<1x1x16xf32> to vector<16xf32>
        %get3A_82 = arith.constant 2 : i32
        %get3A_83 = arith.index_cast %scan3A_16 : i32 to index
        %get3A_84 = arith.index_cast %get3A_82 : i32 to index
        %get3A_85 = arith.constant 0 : index
        %get3A_86 = tpu.vector_load %arg7[%get3A_83, %get3A_84, %get3A_85] {strides = array<i32>} : memref<32x9x32xf32, #tpu.memory_space<vmem>>, vector<1x1x16xf32>,
        %get3A_87 = vector.shape_cast %get3A_86 : vector<1x1x16xf32> to vector<16xf32>
        %get3A_88 = arith.constant 3 : i32
        %get3A_89 = arith.index_cast %scan3A_16 : i32 to index
        %get3A_90 = arith.index_cast %get3A_88 : i32 to index
        %get3A_91 = arith.constant 0 : index
        %get3A_92 = tpu.vector_load %arg7[%get3A_89, %get3A_90, %get3A_91] {strides = array<i32>} : memref<32x9x32xf32, #tpu.memory_space<vmem>>, vector<1x1x16xf32>,
        %get3A_93 = vector.shape_cast %get3A_92 : vector<1x1x16xf32> to vector<16xf32>
        %get3A_94 = arith.constant 4 : i32
        %get3A_95 = arith.index_cast %scan3A_16 : i32 to index
        %get3A_96 = arith.index_cast %get3A_94 : i32 to index
        %get3A_97 = arith.constant 0 : index
        %get3A_98 = tpu.vector_load %arg7[%get3A_95, %get3A_96, %get3A_97] {strides = array<i32>} : memref<32x9x32xf32, #tpu.memory_space<vmem>>, vector<1x1x16xf32>,
        %get3A_99 = vector.shape_cast %get3A_98 : vector<1x1x16xf32> to vector<16xf32>
        %get3A_100 = arith.constant 5 : i32
        %get3A_101 = arith.index_cast %scan3A_16 : i32 to index
        %get3A_102 = arith.index_cast %get3A_100 : i32 to index
        %get3A_103 = arith.constant 0 : index
        %get3A_104 = tpu.vector_load %arg7[%get3A_101, %get3A_102, %get3A_103] {strides = array<i32>} : memref<32x9x32xf32, #tpu.memory_space<vmem>>, vector<1x1x16xf32>,
        %get3A_105 = vector.shape_cast %get3A_104 : vector<1x1x16xf32> to vector<16xf32>
        %get3A_106 = arith.constant 6 : i32
        %get3A_107 = arith.index_cast %scan3A_16 : i32 to index
        %get3A_108 = arith.index_cast %get3A_106 : i32 to index
        %get3A_109 = arith.constant 0 : index
        %get3A_110 = tpu.vector_load %arg7[%get3A_107, %get3A_108, %get3A_109] {strides = array<i32>} : memref<32x9x32xf32, #tpu.memory_space<vmem>>, vector<1x1x16xf32>,
        %get3A_111 = vector.shape_cast %get3A_110 : vector<1x1x16xf32> to vector<16xf32>
        %get3A_112 = arith.constant 7 : i32
        %get3A_113 = arith.index_cast %scan3A_16 : i32 to index
        %get3A_114 = arith.index_cast %get3A_112 : i32 to index
        %get3A_115 = arith.constant 0 : index
        %get3A_116 = tpu.vector_load %arg7[%get3A_113, %get3A_114, %get3A_115] {strides = array<i32>} : memref<32x9x32xf32, #tpu.memory_space<vmem>>, vector<1x1x16xf32>,
        %get3A_117 = vector.shape_cast %get3A_116 : vector<1x1x16xf32> to vector<16xf32>
        %get3A_118 = arith.constant 8 : i32
        %get3A_119 = arith.index_cast %scan3A_16 : i32 to index
        %get3A_120 = arith.index_cast %get3A_118 : i32 to index
        %get3A_121 = arith.constant 0 : index
        %get3A_122 = tpu.vector_load %arg7[%get3A_119, %get3A_120, %get3A_121] {strides = array<i32>} : memref<32x9x32xf32, #tpu.memory_space<vmem>>, vector<1x1x16xf32>,
        %get3A_123 = vector.shape_cast %get3A_122 : vector<1x1x16xf32> to vector<16xf32>
        %get3A_124 = arith.constant 0 : i32
        %get3A_125 = arith.index_cast %scan3A_16 : i32 to index
        %get3A_126 = arith.index_cast %get3A_124 : i32 to index
        %get3A_127 = arith.constant 0 : index
        %get3A_128 = tpu.vector_load %arg8[%get3A_125, %get3A_126, %get3A_127] {strides = array<i32>} : memref<32x15x32xf32, #tpu.memory_space<vmem>>, vector<1x1x16xf32>,
        %get3A_129 = vector.shape_cast %get3A_128 : vector<1x1x16xf32> to vector<16xf32>
        %get3A_130 = arith.constant 1 : i32
        %get3A_131 = arith.index_cast %scan3A_16 : i32 to index
        %get3A_132 = arith.index_cast %get3A_130 : i32 to index
        %get3A_133 = arith.constant 0 : index
        %get3A_134 = tpu.vector_load %arg8[%get3A_131, %get3A_132, %get3A_133] {strides = array<i32>} : memref<32x15x32xf32, #tpu.memory_space<vmem>>, vector<1x1x16xf32>,
        %get3A_135 = vector.shape_cast %get3A_134 : vector<1x1x16xf32> to vector<16xf32>
        %get3A_136 = arith.constant 2 : i32
        %get3A_137 = arith.index_cast %scan3A_16 : i32 to index
        %get3A_138 = arith.index_cast %get3A_136 : i32 to index
        %get3A_139 = arith.constant 0 : index
        %get3A_140 = tpu.vector_load %arg8[%get3A_137, %get3A_138, %get3A_139] {strides = array<i32>} : memref<32x15x32xf32, #tpu.memory_space<vmem>>, vector<1x1x16xf32>,
        %get3A_141 = vector.shape_cast %get3A_140 : vector<1x1x16xf32> to vector<16xf32>
        %get3A_142 = arith.constant 3 : i32
        %get3A_143 = arith.index_cast %scan3A_16 : i32 to index
        %get3A_144 = arith.index_cast %get3A_142 : i32 to index
        %get3A_145 = arith.constant 0 : index
        %get3A_146 = tpu.vector_load %arg8[%get3A_143, %get3A_144, %get3A_145] {strides = array<i32>} : memref<32x15x32xf32, #tpu.memory_space<vmem>>, vector<1x1x16xf32>,
        %get3A_147 = vector.shape_cast %get3A_146 : vector<1x1x16xf32> to vector<16xf32>
        %get3A_148 = arith.constant 4 : i32
        %get3A_149 = arith.index_cast %scan3A_16 : i32 to index
        %get3A_150 = arith.index_cast %get3A_148 : i32 to index
        %get3A_151 = arith.constant 0 : index
        %get3A_152 = tpu.vector_load %arg8[%get3A_149, %get3A_150, %get3A_151] {strides = array<i32>} : memref<32x15x32xf32, #tpu.memory_space<vmem>>, vector<1x1x16xf32>,
        %get3A_153 = vector.shape_cast %get3A_152 : vector<1x1x16xf32> to vector<16xf32>
        %get3A_154 = arith.constant 5 : i32
        %get3A_155 = arith.index_cast %scan3A_16 : i32 to index
        %get3A_156 = arith.index_cast %get3A_154 : i32 to index
        %get3A_157 = arith.constant 0 : index
        %get3A_158 = tpu.vector_load %arg8[%get3A_155, %get3A_156, %get3A_157] {strides = array<i32>} : memref<32x15x32xf32, #tpu.memory_space<vmem>>, vector<1x1x16xf32>,
        %get3A_159 = vector.shape_cast %get3A_158 : vector<1x1x16xf32> to vector<16xf32>
        %get3A_160 = arith.constant 6 : i32
        %get3A_161 = arith.index_cast %scan3A_16 : i32 to index
        %get3A_162 = arith.index_cast %get3A_160 : i32 to index
        %get3A_163 = arith.constant 0 : index
        %get3A_164 = tpu.vector_load %arg8[%get3A_161, %get3A_162, %get3A_163] {strides = array<i32>} : memref<32x15x32xf32, #tpu.memory_space<vmem>>, vector<1x1x16xf32>,
        %get3A_165 = vector.shape_cast %get3A_164 : vector<1x1x16xf32> to vector<16xf32>
        %get3A_166 = arith.constant 7 : i32
        %get3A_167 = arith.index_cast %scan3A_16 : i32 to index
        %get3A_168 = arith.index_cast %get3A_166 : i32 to index
        %get3A_169 = arith.constant 0 : index
        %get3A_170 = tpu.vector_load %arg8[%get3A_167, %get3A_168, %get3A_169] {strides = array<i32>} : memref<32x15x32xf32, #tpu.memory_space<vmem>>, vector<1x1x16xf32>,
        %get3A_171 = vector.shape_cast %get3A_170 : vector<1x1x16xf32> to vector<16xf32>
        %get3A_172 = arith.constant 8 : i32
        %get3A_173 = arith.index_cast %scan3A_16 : i32 to index
        %get3A_174 = arith.index_cast %get3A_172 : i32 to index
        %get3A_175 = arith.constant 0 : index
        %get3A_176 = tpu.vector_load %arg8[%get3A_173, %get3A_174, %get3A_175] {strides = array<i32>} : memref<32x15x32xf32, #tpu.memory_space<vmem>>, vector<1x1x16xf32>,
        %get3A_177 = vector.shape_cast %get3A_176 : vector<1x1x16xf32> to vector<16xf32>
        %get3A_178 = arith.constant 9 : i32
        %get3A_179 = arith.index_cast %scan3A_16 : i32 to index
        %get3A_180 = arith.index_cast %get3A_178 : i32 to index
        %get3A_181 = arith.constant 0 : index
        %get3A_182 = tpu.vector_load %arg8[%get3A_179, %get3A_180, %get3A_181] {strides = array<i32>} : memref<32x15x32xf32, #tpu.memory_space<vmem>>, vector<1x1x16xf32>,
        %get3A_183 = vector.shape_cast %get3A_182 : vector<1x1x16xf32> to vector<16xf32>
        %get3A_184 = arith.constant 10 : i32
        %get3A_185 = arith.index_cast %scan3A_16 : i32 to index
        %get3A_186 = arith.index_cast %get3A_184 : i32 to index
        %get3A_187 = arith.constant 0 : index
        %get3A_188 = tpu.vector_load %arg8[%get3A_185, %get3A_186, %get3A_187] {strides = array<i32>} : memref<32x15x32xf32, #tpu.memory_space<vmem>>, vector<1x1x16xf32>,
        %get3A_189 = vector.shape_cast %get3A_188 : vector<1x1x16xf32> to vector<16xf32>
        %get3A_190 = arith.constant 11 : i32
        %get3A_191 = arith.index_cast %scan3A_16 : i32 to index
        %get3A_192 = arith.index_cast %get3A_190 : i32 to index
        %get3A_193 = arith.constant 0 : index
        %get3A_194 = tpu.vector_load %arg8[%get3A_191, %get3A_192, %get3A_193] {strides = array<i32>} : memref<32x15x32xf32, #tpu.memory_space<vmem>>, vector<1x1x16xf32>,
        %get3A_195 = vector.shape_cast %get3A_194 : vector<1x1x16xf32> to vector<16xf32>
        %get3A_196 = arith.constant 12 : i32
        %get3A_197 = arith.index_cast %scan3A_16 : i32 to index
        %get3A_198 = arith.index_cast %get3A_196 : i32 to index
        %get3A_199 = arith.constant 0 : index
        %get3A_200 = tpu.vector_load %arg8[%get3A_197, %get3A_198, %get3A_199] {strides = array<i32>} : memref<32x15x32xf32, #tpu.memory_space<vmem>>, vector<1x1x16xf32>,
        %get3A_201 = vector.shape_cast %get3A_200 : vector<1x1x16xf32> to vector<16xf32>
        %get3A_202 = arith.constant 13 : i32
        %get3A_203 = arith.index_cast %scan3A_16 : i32 to index
        %get3A_204 = arith.index_cast %get3A_202 : i32 to index
        %get3A_205 = arith.constant 0 : index
        %get3A_206 = tpu.vector_load %arg8[%get3A_203, %get3A_204, %get3A_205] {strides = array<i32>} : memref<32x15x32xf32, #tpu.memory_space<vmem>>, vector<1x1x16xf32>,
        %get3A_207 = vector.shape_cast %get3A_206 : vector<1x1x16xf32> to vector<16xf32>
        %get3A_208 = arith.constant 14 : i32
        %get3A_209 = arith.index_cast %scan3A_16 : i32 to index
        %get3A_210 = arith.index_cast %get3A_208 : i32 to index
        %get3A_211 = arith.constant 0 : index
        %get3A_212 = tpu.vector_load %arg8[%get3A_209, %get3A_210, %get3A_211] {strides = array<i32>} : memref<32x15x32xf32, #tpu.memory_space<vmem>>, vector<1x1x16xf32>,
        %get3A_213 = vector.shape_cast %get3A_212 : vector<1x1x16xf32> to vector<16xf32>
        %mul3A_214 = arith.mulf %get3A_21, %get3A_75 : vector<16xf32>
        %mul3A_215 = arith.constant 1.000000e+00 : f32
        %mul3A_216 = vector.broadcast %mul3A_215 : f32 to vector<16xf32>
        %mul3A_217 = arith.mulf %mul3A_214, %mul3A_216 : vector<16xf32>
        %mul3A_218 = arith.mulf %mul3A_217, %get3A_129 : vector<16xf32>
        %mul3A_219 = arith.mulf %get3A_27, %get3A_81 : vector<16xf32>
        %mul3A_220 = arith.constant 0.577350259 : f32
        %mul3A_221 = vector.broadcast %mul3A_220 : f32 to vector<16xf32>
        %mul3A_222 = arith.mulf %mul3A_219, %mul3A_221 : vector<16xf32>
        %mul3A_223 = arith.mulf %get3A_39, %get3A_93 : vector<16xf32>
        %mul3A_224 = arith.constant -0.577350259 : f32
        %mul3A_225 = vector.broadcast %mul3A_224 : f32 to vector<16xf32>
        %mul3A_226 = arith.mulf %mul3A_223, %mul3A_225 : vector<16xf32>
        %add3A_227 = arith.addf %mul3A_222, %mul3A_226 : vector<16xf32>
        %mul3A_228 = arith.mulf %add3A_227, %get3A_135 : vector<16xf32>
        %add3A_229 = arith.addf %mul3A_218, %mul3A_228 : vector<16xf32>
        %mul3A_230 = arith.mulf %get3A_45, %get3A_99 : vector<16xf32>
        %mul3A_231 = arith.constant -0.44721359 : f32
        %mul3A_232 = vector.broadcast %mul3A_231 : f32 to vector<16xf32>
        %mul3A_233 = arith.mulf %mul3A_230, %mul3A_232 : vector<16xf32>
        %mul3A_234 = arith.mulf %get3A_51, %get3A_105 : vector<16xf32>
        %mul3A_235 = arith.constant 0.44721359 : f32
        %mul3A_236 = vector.broadcast %mul3A_235 : f32 to vector<16xf32>
        %mul3A_237 = arith.mulf %mul3A_234, %mul3A_236 : vector<16xf32>
        %add3A_238 = arith.addf %mul3A_233, %mul3A_237 : vector<16xf32>
        %mul3A_239 = arith.mulf %get3A_63, %get3A_117 : vector<16xf32>
        %mul3A_240 = arith.constant -0.44721359 : f32
        %mul3A_241 = vector.broadcast %mul3A_240 : f32 to vector<16xf32>
        %mul3A_242 = arith.mulf %mul3A_239, %mul3A_241 : vector<16xf32>
        %add3A_243 = arith.addf %add3A_238, %mul3A_242 : vector<16xf32>
        %mul3A_244 = arith.mulf %get3A_69, %get3A_123 : vector<16xf32>
        %mul3A_245 = arith.constant 0.44721359 : f32
        %mul3A_246 = vector.broadcast %mul3A_245 : f32 to vector<16xf32>
        %mul3A_247 = arith.mulf %mul3A_244, %mul3A_246 : vector<16xf32>
        %add3A_248 = arith.addf %add3A_243, %mul3A_247 : vector<16xf32>
        %mul3A_249 = arith.mulf %add3A_248, %get3A_141 : vector<16xf32>
        %add3A_250 = arith.addf %add3A_229, %mul3A_249 : vector<16xf32>
        %swap3A = arith.constant 0 : i32
        %swap3A_251 = arith.index_cast %scan3A_16 : i32 to index
        %swap3A_252 = arith.index_cast %swap3A : i32 to index
        %swap3A_253 = arith.constant 0 : index
        %swap3A_254 = tpu.vector_load %arg9[%swap3A_251, %swap3A_252, %swap3A_253] {strides = array<i32>} : memref<32x9x32xf32, #tpu.memory_space<vmem>>, vector<1x1x16xf32>,
        %swap3A_255 = vector.shape_cast %swap3A_254 : vector<1x1x16xf32> to vector<16xf32>
        %swap3A_256 = vector.shape_cast %add3A_250 : vector<16xf32> to vector<1x1x16xf32>
        tpu.vector_store %arg9[%swap3A_251, %swap3A_252, %swap3A_253], %swap3A_256 {strides = array<i32>} : memref<32x9x32xf32, #tpu.memory_space<vmem>>, vector<1x1x16xf32>,
        %mul3A_257 = arith.mulf %get3A_21, %get3A_81 : vector<16xf32>
        %mul3A_258 = arith.constant 1.000000e+00 : f32
        %mul3A_259 = vector.broadcast %mul3A_258 : f32 to vector<16xf32>
        %mul3A_260 = arith.mulf %mul3A_257, %mul3A_259 : vector<16xf32>
        %mul3A_261 = arith.mulf %mul3A_260, %get3A_147 : vector<16xf32>
        %mul3A_262 = arith.mulf %get3A_27, %get3A_75 : vector<16xf32>
        %mul3A_263 = arith.constant 1.000000e+00 : f32
        %mul3A_264 = vector.broadcast %mul3A_263 : f32 to vector<16xf32>
        %mul3A_265 = arith.mulf %mul3A_262, %mul3A_264 : vector<16xf32>
        %mul3A_266 = arith.mulf %mul3A_265, %get3A_153 : vector<16xf32>
        %add3A_267 = arith.addf %mul3A_261, %mul3A_266 : vector<16xf32>
        %mul3A_268 = arith.mulf %get3A_33, %get3A_93 : vector<16xf32>
        %mul3A_269 = arith.constant -0.707106769 : f32
        %mul3A_270 = vector.broadcast %mul3A_269 : f32 to vector<16xf32>
        %mul3A_271 = arith.mulf %mul3A_268, %mul3A_270 : vector<16xf32>
        %mul3A_272 = arith.mulf %get3A_39, %get3A_87 : vector<16xf32>
        %mul3A_273 = arith.constant 0.707106769 : f32
        %mul3A_274 = vector.broadcast %mul3A_273 : f32 to vector<16xf32>
        %mul3A_275 = arith.mulf %mul3A_272, %mul3A_274 : vector<16xf32>
        %add3A_276 = arith.addf %mul3A_271, %mul3A_275 : vector<16xf32>
        %mul3A_277 = arith.mulf %add3A_276, %get3A_159 : vector<16xf32>
        %add3A_278 = arith.addf %add3A_267, %mul3A_277 : vector<16xf32>
        %mul3A_279 = arith.mulf %get3A_27, %get3A_99 : vector<16xf32>
        %mul3A_280 = arith.constant -0.273861289 : f32
        %mul3A_281 = vector.broadcast %mul3A_280 : f32 to vector<16xf32>
        %mul3A_282 = arith.mulf %mul3A_279, %mul3A_281 : vector<16xf32>
        %mul3A_283 = arith.mulf %get3A_27, %get3A_111 : vector<16xf32>
        %mul3A_284 = arith.constant -0.316227764 : f32
        %mul3A_285 = vector.broadcast %mul3A_284 : f32 to vector<16xf32>
        %mul3A_286 = arith.mulf %mul3A_283, %mul3A_285 : vector<16xf32>
        %add3A_287 = arith.addf %mul3A_282, %mul3A_286 : vector<16xf32>
        %mul3A_288 = arith.mulf %get3A_27, %get3A_123 : vector<16xf32>
        %mul3A_289 = arith.constant 0.273861289 : f32
        %mul3A_290 = vector.broadcast %mul3A_289 : f32 to vector<16xf32>
        %mul3A_291 = arith.mulf %mul3A_288, %mul3A_290 : vector<16xf32>
        %add3A_292 = arith.addf %add3A_287, %mul3A_291 : vector<16xf32>
        %mul3A_293 = arith.mulf %get3A_33, %get3A_105 : vector<16xf32>
        %mul3A_294 = arith.constant 0.547722578 : f32
        %mul3A_295 = vector.broadcast %mul3A_294 : f32 to vector<16xf32>
        %mul3A_296 = arith.mulf %mul3A_293, %mul3A_295 : vector<16xf32>
        %add3A_297 = arith.addf %add3A_292, %mul3A_296 : vector<16xf32>
        %mul3A_298 = arith.mulf %get3A_39, %get3A_99 : vector<16xf32>
        %mul3A_299 = arith.constant 0.273861289 : f32
        %mul3A_300 = vector.broadcast %mul3A_299 : f32 to vector<16xf32>
        %mul3A_301 = arith.mulf %mul3A_298, %mul3A_300 : vector<16xf32>
        %add3A_302 = arith.addf %add3A_297, %mul3A_301 : vector<16xf32>
        %mul3A_303 = arith.mulf %get3A_39, %get3A_123 : vector<16xf32>
        %mul3A_304 = arith.constant -0.273861289 : f32
        %mul3A_305 = vector.broadcast %mul3A_304 : f32 to vector<16xf32>
        %mul3A_306 = arith.mulf %mul3A_303, %mul3A_305 : vector<16xf32>
        %add3A_307 = arith.addf %add3A_302, %mul3A_306 : vector<16xf32>
        %mul3A_308 = arith.mulf %add3A_307, %get3A_165 : vector<16xf32>
        %add3A_309 = arith.addf %add3A_278, %mul3A_308 : vector<16xf32>
        %mul3A_310 = arith.mulf %get3A_45, %get3A_81 : vector<16xf32>
        %mul3A_311 = arith.constant -0.273861289 : f32
        %mul3A_312 = vector.broadcast %mul3A_311 : f32 to vector<16xf32>
        %mul3A_313 = arith.mulf %mul3A_310, %mul3A_312 : vector<16xf32>
        %mul3A_314 = arith.mulf %get3A_45, %get3A_93 : vector<16xf32>
        %mul3A_315 = arith.constant 0.273861289 : f32
        %mul3A_316 = vector.broadcast %mul3A_315 : f32 to vector<16xf32>
        %mul3A_317 = arith.mulf %mul3A_314, %mul3A_316 : vector<16xf32>
        %add3A_318 = arith.addf %mul3A_313, %mul3A_317 : vector<16xf32>
        %mul3A_319 = arith.mulf %get3A_51, %get3A_87 : vector<16xf32>
        %mul3A_320 = arith.constant 0.547722578 : f32
        %mul3A_321 = vector.broadcast %mul3A_320 : f32 to vector<16xf32>
        %mul3A_322 = arith.mulf %mul3A_319, %mul3A_321 : vector<16xf32>
        %add3A_323 = arith.addf %add3A_318, %mul3A_322 : vector<16xf32>
        %mul3A_324 = arith.mulf %get3A_57, %get3A_81 : vector<16xf32>
        %mul3A_325 = arith.constant -0.316227764 : f32
        %mul3A_326 = vector.broadcast %mul3A_325 : f32 to vector<16xf32>
        %mul3A_327 = arith.mulf %mul3A_324, %mul3A_326 : vector<16xf32>
        %add3A_328 = arith.addf %add3A_323, %mul3A_327 : vector<16xf32>
        %mul3A_329 = arith.mulf %get3A_69, %get3A_81 : vector<16xf32>
        %mul3A_330 = arith.constant 0.273861289 : f32
        %mul3A_331 = vector.broadcast %mul3A_330 : f32 to vector<16xf32>
        %mul3A_332 = arith.mulf %mul3A_329, %mul3A_331 : vector<16xf32>
        %add3A_333 = arith.addf %add3A_328, %mul3A_332 : vector<16xf32>
        %mul3A_334 = arith.mulf %get3A_69, %get3A_93 : vector<16xf32>
        %mul3A_335 = arith.constant -0.273861289 : f32
        %mul3A_336 = vector.broadcast %mul3A_335 : f32 to vector<16xf32>
        %mul3A_337 = arith.mulf %mul3A_334, %mul3A_336 : vector<16xf32>
        %add3A_338 = arith.addf %add3A_333, %mul3A_337 : vector<16xf32>
        %mul3A_339 = arith.mulf %add3A_338, %get3A_171 : vector<16xf32>
        %add3A_340 = arith.addf %add3A_309, %mul3A_339 : vector<16xf32>
        %mul3A_341 = arith.mulf %get3A_45, %get3A_105 : vector<16xf32>
        %mul3A_342 = arith.constant -0.158113882 : f32
        %mul3A_343 = vector.broadcast %mul3A_342 : f32 to vector<16xf32>
        %mul3A_344 = arith.mulf %mul3A_341, %mul3A_343 : vector<16xf32>
        %mul3A_345 = arith.mulf %get3A_45, %get3A_117 : vector<16xf32>
        %mul3A_346 = arith.constant 0.158113882 : f32
        %mul3A_347 = vector.broadcast %mul3A_346 : f32 to vector<16xf32>
        %mul3A_348 = arith.mulf %mul3A_345, %mul3A_347 : vector<16xf32>
        %add3A_349 = arith.addf %mul3A_344, %mul3A_348 : vector<16xf32>
        %mul3A_350 = arith.mulf %get3A_51, %get3A_99 : vector<16xf32>
        %mul3A_351 = arith.constant 0.158113882 : f32
        %mul3A_352 = vector.broadcast %mul3A_351 : f32 to vector<16xf32>
        %mul3A_353 = arith.mulf %mul3A_350, %mul3A_352 : vector<16xf32>
        %add3A_354 = arith.addf %add3A_349, %mul3A_353 : vector<16xf32>
        %mul3A_355 = arith.mulf %get3A_51, %get3A_123 : vector<16xf32>
        %mul3A_356 = arith.constant -0.158113882 : f32
        %mul3A_357 = vector.broadcast %mul3A_356 : f32 to vector<16xf32>
        %mul3A_358 = arith.mulf %mul3A_355, %mul3A_357 : vector<16xf32>
        %add3A_359 = arith.addf %add3A_354, %mul3A_358 : vector<16xf32>
        %mul3A_360 = arith.mulf %get3A_57, %get3A_117 : vector<16xf32>
        %mul3A_361 = arith.constant -0.547722578 : f32
        %mul3A_362 = vector.broadcast %mul3A_361 : f32 to vector<16xf32>
        %mul3A_363 = arith.mulf %mul3A_360, %mul3A_362 : vector<16xf32>
        %add3A_364 = arith.addf %add3A_359, %mul3A_363 : vector<16xf32>
        %mul3A_365 = arith.mulf %get3A_63, %get3A_99 : vector<16xf32>
        %mul3A_366 = arith.constant -0.158113882 : f32
        %mul3A_367 = vector.broadcast %mul3A_366 : f32 to vector<16xf32>
        %mul3A_368 = arith.mulf %mul3A_365, %mul3A_367 : vector<16xf32>
        %add3A_369 = arith.addf %add3A_364, %mul3A_368 : vector<16xf32>
        %mul3A_370 = arith.mulf %get3A_63, %get3A_111 : vector<16xf32>
        %mul3A_371 = arith.constant 0.547722578 : f32
        %mul3A_372 = vector.broadcast %mul3A_371 : f32 to vector<16xf32>
        %mul3A_373 = arith.mulf %mul3A_370, %mul3A_372 : vector<16xf32>
        %add3A_374 = arith.addf %add3A_369, %mul3A_373 : vector<16xf32>
        %mul3A_375 = arith.mulf %get3A_63, %get3A_123 : vector<16xf32>
        %mul3A_376 = arith.constant 0.158113882 : f32
        %mul3A_377 = vector.broadcast %mul3A_376 : f32 to vector<16xf32>
        %mul3A_378 = arith.mulf %mul3A_375, %mul3A_377 : vector<16xf32>
        %add3A_379 = arith.addf %add3A_374, %mul3A_378 : vector<16xf32>
        %mul3A_380 = arith.mulf %get3A_69, %get3A_105 : vector<16xf32>
        %mul3A_381 = arith.constant 0.158113882 : f32
        %mul3A_382 = vector.broadcast %mul3A_381 : f32 to vector<16xf32>
        %mul3A_383 = arith.mulf %mul3A_380, %mul3A_382 : vector<16xf32>
        %add3A_384 = arith.addf %add3A_379, %mul3A_383 : vector<16xf32>
        %mul3A_385 = arith.mulf %get3A_69, %get3A_117 : vector<16xf32>
        %mul3A_386 = arith.constant -0.158113882 : f32
        %mul3A_387 = vector.broadcast %mul3A_386 : f32 to vector<16xf32>
        %mul3A_388 = arith.mulf %mul3A_385, %mul3A_387 : vector<16xf32>
        %add3A_389 = arith.addf %add3A_384, %mul3A_388 : vector<16xf32>
        %mul3A_390 = arith.mulf %add3A_389, %get3A_177 : vector<16xf32>
        %add3A_391 = arith.addf %add3A_340, %mul3A_390 : vector<16xf32>
        %swap3A_392 = arith.constant 1 : i32
        %swap3A_393 = arith.index_cast %scan3A_16 : i32 to index
        %swap3A_394 = arith.index_cast %swap3A_392 : i32 to index
        %swap3A_395 = arith.constant 0 : index
        %swap3A_396 = tpu.vector_load %arg9[%swap3A_393, %swap3A_394, %swap3A_395] {strides = array<i32>} : memref<32x9x32xf32, #tpu.memory_space<vmem>>, vector<1x1x16xf32>,
        %swap3A_397 = vector.shape_cast %swap3A_396 : vector<1x1x16xf32> to vector<16xf32>
        %swap3A_398 = vector.shape_cast %add3A_391 : vector<16xf32> to vector<1x1x16xf32>
        tpu.vector_store %arg9[%swap3A_393, %swap3A_394, %swap3A_395], %swap3A_398 {strides = array<i32>} : memref<32x9x32xf32, #tpu.memory_space<vmem>>, vector<1x1x16xf32>,
        %mul3A_399 = arith.mulf %get3A_21, %get3A_87 : vector<16xf32>
        %mul3A_400 = arith.constant 1.000000e+00 : f32
        %mul3A_401 = vector.broadcast %mul3A_400 : f32 to vector<16xf32>
        %mul3A_402 = arith.mulf %mul3A_399, %mul3A_401 : vector<16xf32>
        %mul3A_403 = arith.mulf %mul3A_402, %get3A_147 : vector<16xf32>
        %mul3A_404 = arith.mulf %get3A_33, %get3A_75 : vector<16xf32>
        %mul3A_405 = arith.constant 1.000000e+00 : f32
        %mul3A_406 = vector.broadcast %mul3A_405 : f32 to vector<16xf32>
        %mul3A_407 = arith.mulf %mul3A_404, %mul3A_406 : vector<16xf32>
        %mul3A_408 = arith.mulf %mul3A_407, %get3A_153 : vector<16xf32>
        %add3A_409 = arith.addf %mul3A_403, %mul3A_408 : vector<16xf32>
        %mul3A_410 = arith.mulf %get3A_33, %get3A_111 : vector<16xf32>
        %mul3A_411 = arith.constant 0.632455527 : f32
        %mul3A_412 = vector.broadcast %mul3A_411 : f32 to vector<16xf32>
        %mul3A_413 = arith.mulf %mul3A_410, %mul3A_412 : vector<16xf32>
        %mul3A_414 = arith.mulf %mul3A_413, %get3A_165 : vector<16xf32>
        %add3A_415 = arith.addf %add3A_409, %mul3A_414 : vector<16xf32>
        %mul3A_416 = arith.mulf %get3A_57, %get3A_87 : vector<16xf32>
        %mul3A_417 = arith.constant 0.632455527 : f32
        %mul3A_418 = vector.broadcast %mul3A_417 : f32 to vector<16xf32>
        %mul3A_419 = arith.mulf %mul3A_416, %mul3A_418 : vector<16xf32>
        %mul3A_420 = arith.mulf %mul3A_419, %get3A_171 : vector<16xf32>
        %add3A_421 = arith.addf %add3A_415, %mul3A_420 : vector<16xf32>
        %swap3A_422 = arith.constant 2 : i32
        %swap3A_423 = arith.index_cast %scan3A_16 : i32 to index
        %swap3A_424 = arith.index_cast %swap3A_422 : i32 to index
        %swap3A_425 = arith.constant 0 : index
        %swap3A_426 = tpu.vector_load %arg9[%swap3A_423, %swap3A_424, %swap3A_425] {strides = array<i32>} : memref<32x9x32xf32, #tpu.memory_space<vmem>>, vector<1x1x16xf32>,
        %swap3A_427 = vector.shape_cast %swap3A_426 : vector<1x1x16xf32> to vector<16xf32>
        %swap3A_428 = vector.shape_cast %add3A_421 : vector<16xf32> to vector<1x1x16xf32>
        tpu.vector_store %arg9[%swap3A_423, %swap3A_424, %swap3A_425], %swap3A_428 {strides = array<i32>} : memref<32x9x32xf32, #tpu.memory_space<vmem>>, vector<1x1x16xf32>,
        %mul3A_429 = arith.mulf %get3A_21, %get3A_93 : vector<16xf32>
        %mul3A_430 = arith.constant 1.000000e+00 : f32
        %mul3A_431 = vector.broadcast %mul3A_430 : f32 to vector<16xf32>
        %mul3A_432 = arith.mulf %mul3A_429, %mul3A_431 : vector<16xf32>
        %mul3A_433 = arith.mulf %mul3A_432, %get3A_147 : vector<16xf32>
        %mul3A_434 = arith.mulf %get3A_39, %get3A_75 : vector<16xf32>
        %mul3A_435 = arith.constant 1.000000e+00 : f32
        %mul3A_436 = vector.broadcast %mul3A_435 : f32 to vector<16xf32>
        %mul3A_437 = arith.mulf %mul3A_434, %mul3A_436 : vector<16xf32>
        %mul3A_438 = arith.mulf %mul3A_437, %get3A_153 : vector<16xf32>
        %add3A_439 = arith.addf %mul3A_433, %mul3A_438 : vector<16xf32>
        %mul3A_440 = arith.mulf %get3A_27, %get3A_87 : vector<16xf32>
        %mul3A_441 = arith.constant 0.707106769 : f32
        %mul3A_442 = vector.broadcast %mul3A_441 : f32 to vector<16xf32>
        %mul3A_443 = arith.mulf %mul3A_440, %mul3A_442 : vector<16xf32>
        %mul3A_444 = arith.mulf %get3A_33, %get3A_81 : vector<16xf32>
        %mul3A_445 = arith.constant -0.707106769 : f32
        %mul3A_446 = vector.broadcast %mul3A_445 : f32 to vector<16xf32>
        %mul3A_447 = arith.mulf %mul3A_444, %mul3A_446 : vector<16xf32>
        %add3A_448 = arith.addf %mul3A_443, %mul3A_447 : vector<16xf32>
        %mul3A_449 = arith.mulf %add3A_448, %get3A_159 : vector<16xf32>
        %add3A_450 = arith.addf %add3A_439, %mul3A_449 : vector<16xf32>
        %mul3A_451 = arith.mulf %get3A_27, %get3A_99 : vector<16xf32>
        %mul3A_452 = arith.constant -0.273861289 : f32
        %mul3A_453 = vector.broadcast %mul3A_452 : f32 to vector<16xf32>
        %mul3A_454 = arith.mulf %mul3A_451, %mul3A_453 : vector<16xf32>
        %mul3A_455 = arith.mulf %get3A_27, %get3A_123 : vector<16xf32>
        %mul3A_456 = arith.constant 0.273861289 : f32
        %mul3A_457 = vector.broadcast %mul3A_456 : f32 to vector<16xf32>
        %mul3A_458 = arith.mulf %mul3A_455, %mul3A_457 : vector<16xf32>
        %add3A_459 = arith.addf %mul3A_454, %mul3A_458 : vector<16xf32>
        %mul3A_460 = arith.mulf %get3A_33, %get3A_117 : vector<16xf32>
        %mul3A_461 = arith.constant 0.547722578 : f32
        %mul3A_462 = vector.broadcast %mul3A_461 : f32 to vector<16xf32>
        %mul3A_463 = arith.mulf %mul3A_460, %mul3A_462 : vector<16xf32>
        %add3A_464 = arith.addf %add3A_459, %mul3A_463 : vector<16xf32>
        %mul3A_465 = arith.mulf %get3A_39, %get3A_99 : vector<16xf32>
        %mul3A_466 = arith.constant 0.273861289 : f32
        %mul3A_467 = vector.broadcast %mul3A_466 : f32 to vector<16xf32>
        %mul3A_468 = arith.mulf %mul3A_465, %mul3A_467 : vector<16xf32>
        %add3A_469 = arith.addf %add3A_464, %mul3A_468 : vector<16xf32>
        %mul3A_470 = arith.mulf %get3A_39, %get3A_111 : vector<16xf32>
        %mul3A_471 = arith.constant -0.316227764 : f32
        %mul3A_472 = vector.broadcast %mul3A_471 : f32 to vector<16xf32>
        %mul3A_473 = arith.mulf %mul3A_470, %mul3A_472 : vector<16xf32>
        %add3A_474 = arith.addf %add3A_469, %mul3A_473 : vector<16xf32>
        %mul3A_475 = arith.mulf %get3A_39, %get3A_123 : vector<16xf32>
        %mul3A_476 = arith.constant -0.273861289 : f32
        %mul3A_477 = vector.broadcast %mul3A_476 : f32 to vector<16xf32>
        %mul3A_478 = arith.mulf %mul3A_475, %mul3A_477 : vector<16xf32>
        %add3A_479 = arith.addf %add3A_474, %mul3A_478 : vector<16xf32>
        %mul3A_480 = arith.mulf %add3A_479, %get3A_165 : vector<16xf32>
        %add3A_481 = arith.addf %add3A_450, %mul3A_480 : vector<16xf32>
        %mul3A_482 = arith.mulf %get3A_45, %get3A_81 : vector<16xf32>
        %mul3A_483 = arith.constant -0.273861289 : f32
        %mul3A_484 = vector.broadcast %mul3A_483 : f32 to vector<16xf32>
        %mul3A_485 = arith.mulf %mul3A_482, %mul3A_484 : vector<16xf32>
        %mul3A_486 = arith.mulf %get3A_45, %get3A_93 : vector<16xf32>
        %mul3A_487 = arith.constant 0.273861289 : f32
        %mul3A_488 = vector.broadcast %mul3A_487 : f32 to vector<16xf32>
        %mul3A_489 = arith.mulf %mul3A_486, %mul3A_488 : vector<16xf32>
        %add3A_490 = arith.addf %mul3A_485, %mul3A_489 : vector<16xf32>
        %mul3A_491 = arith.mulf %get3A_57, %get3A_93 : vector<16xf32>
        %mul3A_492 = arith.constant -0.316227764 : f32
        %mul3A_493 = vector.broadcast %mul3A_492 : f32 to vector<16xf32>
        %mul3A_494 = arith.mulf %mul3A_491, %mul3A_493 : vector<16xf32>
        %add3A_495 = arith.addf %add3A_490, %mul3A_494 : vector<16xf32>
        %mul3A_496 = arith.mulf %get3A_63, %get3A_87 : vector<16xf32>
        %mul3A_497 = arith.constant 0.547722578 : f32
        %mul3A_498 = vector.broadcast %mul3A_497 : f32 to vector<16xf32>
        %mul3A_499 = arith.mulf %mul3A_496, %mul3A_498 : vector<16xf32>
        %add3A_500 = arith.addf %add3A_495, %mul3A_499 : vector<16xf32>
        %mul3A_501 = arith.mulf %get3A_69, %get3A_81 : vector<16xf32>
        %mul3A_502 = arith.constant 0.273861289 : f32
        %mul3A_503 = vector.broadcast %mul3A_502 : f32 to vector<16xf32>
        %mul3A_504 = arith.mulf %mul3A_501, %mul3A_503 : vector<16xf32>
        %add3A_505 = arith.addf %add3A_500, %mul3A_504 : vector<16xf32>
        %mul3A_506 = arith.mulf %get3A_69, %get3A_93 : vector<16xf32>
        %mul3A_507 = arith.constant -0.273861289 : f32
        %mul3A_508 = vector.broadcast %mul3A_507 : f32 to vector<16xf32>
        %mul3A_509 = arith.mulf %mul3A_506, %mul3A_508 : vector<16xf32>
        %add3A_510 = arith.addf %add3A_505, %mul3A_509 : vector<16xf32>
        %mul3A_511 = arith.mulf %add3A_510, %get3A_171 : vector<16xf32>
        %add3A_512 = arith.addf %add3A_481, %mul3A_511 : vector<16xf32>
        %mul3A_513 = arith.mulf %get3A_45, %get3A_105 : vector<16xf32>
        %mul3A_514 = arith.constant -0.158113882 : f32
        %mul3A_515 = vector.broadcast %mul3A_514 : f32 to vector<16xf32>
        %mul3A_516 = arith.mulf %mul3A_513, %mul3A_515 : vector<16xf32>
        %mul3A_517 = arith.mulf %get3A_45, %get3A_117 : vector<16xf32>
        %mul3A_518 = arith.constant 0.158113882 : f32
        %mul3A_519 = vector.broadcast %mul3A_518 : f32 to vector<16xf32>
        %mul3A_520 = arith.mulf %mul3A_517, %mul3A_519 : vector<16xf32>
        %add3A_521 = arith.addf %mul3A_516, %mul3A_520 : vector<16xf32>
        %mul3A_522 = arith.mulf %get3A_51, %get3A_99 : vector<16xf32>
        %mul3A_523 = arith.constant 0.158113882 : f32
        %mul3A_524 = vector.broadcast %mul3A_523 : f32 to vector<16xf32>
        %mul3A_525 = arith.mulf %mul3A_522, %mul3A_524 : vector<16xf32>
        %add3A_526 = arith.addf %add3A_521, %mul3A_525 : vector<16xf32>
        %mul3A_527 = arith.mulf %get3A_51, %get3A_111 : vector<16xf32>
        %mul3A_528 = arith.constant 0.547722578 : f32
        %mul3A_529 = vector.broadcast %mul3A_528 : f32 to vector<16xf32>
        %mul3A_530 = arith.mulf %mul3A_527, %mul3A_529 : vector<16xf32>
        %add3A_531 = arith.addf %add3A_526, %mul3A_530 : vector<16xf32>
        %mul3A_532 = arith.mulf %get3A_51, %get3A_123 : vector<16xf32>
        %mul3A_533 = arith.constant -0.158113882 : f32
        %mul3A_534 = vector.broadcast %mul3A_533 : f32 to vector<16xf32>
        %mul3A_535 = arith.mulf %mul3A_532, %mul3A_534 : vector<16xf32>
        %add3A_536 = arith.addf %add3A_531, %mul3A_535 : vector<16xf32>
        %mul3A_537 = arith.mulf %get3A_57, %get3A_105 : vector<16xf32>
        %mul3A_538 = arith.constant -0.547722578 : f32
        %mul3A_539 = vector.broadcast %mul3A_538 : f32 to vector<16xf32>
        %mul3A_540 = arith.mulf %mul3A_537, %mul3A_539 : vector<16xf32>
        %add3A_541 = arith.addf %add3A_536, %mul3A_540 : vector<16xf32>
        %mul3A_542 = arith.mulf %get3A_63, %get3A_99 : vector<16xf32>
        %mul3A_543 = arith.constant -0.158113882 : f32
        %mul3A_544 = vector.broadcast %mul3A_543 : f32 to vector<16xf32>
        %mul3A_545 = arith.mulf %mul3A_542, %mul3A_544 : vector<16xf32>
        %add3A_546 = arith.addf %add3A_541, %mul3A_545 : vector<16xf32>
        %mul3A_547 = arith.mulf %get3A_63, %get3A_123 : vector<16xf32>
        %mul3A_548 = arith.constant 0.158113882 : f32
        %mul3A_549 = vector.broadcast %mul3A_548 : f32 to vector<16xf32>
        %mul3A_550 = arith.mulf %mul3A_547, %mul3A_549 : vector<16xf32>
        %add3A_551 = arith.addf %add3A_546, %mul3A_550 : vector<16xf32>
        %mul3A_552 = arith.mulf %get3A_69, %get3A_105 : vector<16xf32>
        %mul3A_553 = arith.constant 0.158113882 : f32
        %mul3A_554 = vector.broadcast %mul3A_553 : f32 to vector<16xf32>
        %mul3A_555 = arith.mulf %mul3A_552, %mul3A_554 : vector<16xf32>
        %add3A_556 = arith.addf %add3A_551, %mul3A_555 : vector<16xf32>
        %mul3A_557 = arith.mulf %get3A_69, %get3A_117 : vector<16xf32>
        %mul3A_558 = arith.constant -0.158113882 : f32
        %mul3A_559 = vector.broadcast %mul3A_558 : f32 to vector<16xf32>
        %mul3A_560 = arith.mulf %mul3A_557, %mul3A_559 : vector<16xf32>
        %add3A_561 = arith.addf %add3A_556, %mul3A_560 : vector<16xf32>
        %mul3A_562 = arith.mulf %add3A_561, %get3A_177 : vector<16xf32>
        %add3A_563 = arith.addf %add3A_512, %mul3A_562 : vector<16xf32>
        %swap3A_564 = arith.constant 3 : i32
        %swap3A_565 = arith.index_cast %scan3A_16 : i32 to index
        %swap3A_566 = arith.index_cast %swap3A_564 : i32 to index
        %swap3A_567 = arith.constant 0 : index
        %swap3A_568 = tpu.vector_load %arg9[%swap3A_565, %swap3A_566, %swap3A_567] {strides = array<i32>} : memref<32x9x32xf32, #tpu.memory_space<vmem>>, vector<1x1x16xf32>,
        %swap3A_569 = vector.shape_cast %swap3A_568 : vector<1x1x16xf32> to vector<16xf32>
        %swap3A_570 = vector.shape_cast %add3A_563 : vector<16xf32> to vector<1x1x16xf32>
        tpu.vector_store %arg9[%swap3A_565, %swap3A_566, %swap3A_567], %swap3A_570 {strides = array<i32>} : memref<32x9x32xf32, #tpu.memory_space<vmem>>, vector<1x1x16xf32>,
        %mul3A_571 = arith.mulf %get3A_21, %get3A_99 : vector<16xf32>
        %mul3A_572 = arith.constant 1.000000e+00 : f32
        %mul3A_573 = vector.broadcast %mul3A_572 : f32 to vector<16xf32>
        %mul3A_574 = arith.mulf %mul3A_571, %mul3A_573 : vector<16xf32>
        %mul3A_575 = arith.mulf %mul3A_574, %get3A_183 : vector<16xf32>
        %mul3A_576 = arith.mulf %get3A_27, %get3A_81 : vector<16xf32>
        %mul3A_577 = arith.constant 0.353553385 : f32
        %mul3A_578 = vector.broadcast %mul3A_577 : f32 to vector<16xf32>
        %mul3A_579 = arith.mulf %mul3A_576, %mul3A_578 : vector<16xf32>
        %mul3A_580 = arith.mulf %get3A_27, %get3A_93 : vector<16xf32>
        %mul3A_581 = arith.constant -0.353553385 : f32
        %mul3A_582 = vector.broadcast %mul3A_581 : f32 to vector<16xf32>
        %mul3A_583 = arith.mulf %mul3A_580, %mul3A_582 : vector<16xf32>
        %add3A_584 = arith.addf %mul3A_579, %mul3A_583 : vector<16xf32>
        %mul3A_585 = arith.mulf %get3A_39, %get3A_81 : vector<16xf32>
        %mul3A_586 = arith.constant -0.353553385 : f32
        %mul3A_587 = vector.broadcast %mul3A_586 : f32 to vector<16xf32>
        %mul3A_588 = arith.mulf %mul3A_585, %mul3A_587 : vector<16xf32>
        %add3A_589 = arith.addf %add3A_584, %mul3A_588 : vector<16xf32>
        %mul3A_590 = arith.mulf %get3A_39, %get3A_93 : vector<16xf32>
        %mul3A_591 = arith.constant 0.353553385 : f32
        %mul3A_592 = vector.broadcast %mul3A_591 : f32 to vector<16xf32>
        %mul3A_593 = arith.mulf %mul3A_590, %mul3A_592 : vector<16xf32>
        %add3A_594 = arith.addf %add3A_589, %mul3A_593 : vector<16xf32>
        %mul3A_595 = arith.mulf %add3A_594, %get3A_189 : vector<16xf32>
        %add3A_596 = arith.addf %mul3A_575, %mul3A_595 : vector<16xf32>
        %mul3A_597 = arith.mulf %get3A_27, %get3A_105 : vector<16xf32>
        %mul3A_598 = arith.constant -0.204124153 : f32
        %mul3A_599 = vector.broadcast %mul3A_598 : f32 to vector<16xf32>
        %mul3A_600 = arith.mulf %mul3A_597, %mul3A_599 : vector<16xf32>
        %mul3A_601 = arith.mulf %get3A_27, %get3A_117 : vector<16xf32>
        %mul3A_602 = arith.constant 0.204124153 : f32
        %mul3A_603 = vector.broadcast %mul3A_602 : f32 to vector<16xf32>
        %mul3A_604 = arith.mulf %mul3A_601, %mul3A_603 : vector<16xf32>
        %add3A_605 = arith.addf %mul3A_600, %mul3A_604 : vector<16xf32>
        %mul3A_606 = arith.mulf %get3A_33, %get3A_123 : vector<16xf32>
        %mul3A_607 = arith.constant 0.816496611 : f32
        %mul3A_608 = vector.broadcast %mul3A_607 : f32 to vector<16xf32>
        %mul3A_609 = arith.mulf %mul3A_606, %mul3A_608 : vector<16xf32>
        %add3A_610 = arith.addf %add3A_605, %mul3A_609 : vector<16xf32>
        %mul3A_611 = arith.mulf %get3A_39, %get3A_105 : vector<16xf32>
        %mul3A_612 = arith.constant 0.204124153 : f32
        %mul3A_613 = vector.broadcast %mul3A_612 : f32 to vector<16xf32>
        %mul3A_614 = arith.mulf %mul3A_611, %mul3A_613 : vector<16xf32>
        %add3A_615 = arith.addf %add3A_610, %mul3A_614 : vector<16xf32>
        %mul3A_616 = arith.mulf %get3A_39, %get3A_117 : vector<16xf32>
        %mul3A_617 = arith.constant -0.204124153 : f32
        %mul3A_618 = vector.broadcast %mul3A_617 : f32 to vector<16xf32>
        %mul3A_619 = arith.mulf %mul3A_616, %mul3A_618 : vector<16xf32>
        %add3A_620 = arith.addf %add3A_615, %mul3A_619 : vector<16xf32>
        %mul3A_621 = arith.mulf %add3A_620, %get3A_195 : vector<16xf32>
        %add3A_622 = arith.addf %add3A_596, %mul3A_621 : vector<16xf32>
        %mul3A_623 = arith.mulf %get3A_45, %get3A_75 : vector<16xf32>
        %mul3A_624 = arith.constant 1.000000e+00 : f32
        %mul3A_625 = vector.broadcast %mul3A_624 : f32 to vector<16xf32>
        %mul3A_626 = arith.mulf %mul3A_623, %mul3A_625 : vector<16xf32>
        %mul3A_627 = arith.mulf %mul3A_626, %get3A_201 : vector<16xf32>
        %add3A_628 = arith.addf %add3A_622, %mul3A_627 : vector<16xf32>
        %mul3A_629 = arith.mulf %get3A_51, %get3A_81 : vector<16xf32>
        %mul3A_630 = arith.constant 0.204124153 : f32
        %mul3A_631 = vector.broadcast %mul3A_630 : f32 to vector<16xf32>
        %mul3A_632 = arith.mulf %mul3A_629, %mul3A_631 : vector<16xf32>
        %mul3A_633 = arith.mulf %get3A_51, %get3A_93 : vector<16xf32>
        %mul3A_634 = arith.constant -0.204124153 : f32
        %mul3A_635 = vector.broadcast %mul3A_634 : f32 to vector<16xf32>
        %mul3A_636 = arith.mulf %mul3A_633, %mul3A_635 : vector<16xf32>
        %add3A_637 = arith.addf %mul3A_632, %mul3A_636 : vector<16xf32>
        %mul3A_638 = arith.mulf %get3A_63, %get3A_81 : vector<16xf32>
        %mul3A_639 = arith.constant -0.204124153 : f32
        %mul3A_640 = vector.broadcast %mul3A_639 : f32 to vector<16xf32>
        %mul3A_641 = arith.mulf %mul3A_638, %mul3A_640 : vector<16xf32>
        %add3A_642 = arith.addf %add3A_637, %mul3A_641 : vector<16xf32>
        %mul3A_643 = arith.mulf %get3A_63, %get3A_93 : vector<16xf32>
        %mul3A_644 = arith.constant 0.204124153 : f32
        %mul3A_645 = vector.broadcast %mul3A_644 : f32 to vector<16xf32>
        %mul3A_646 = arith.mulf %mul3A_643, %mul3A_645 : vector<16xf32>
        %add3A_647 = arith.addf %add3A_642, %mul3A_646 : vector<16xf32>
        %mul3A_648 = arith.mulf %get3A_69, %get3A_87 : vector<16xf32>
        %mul3A_649 = arith.constant -0.816496611 : f32
        %mul3A_650 = vector.broadcast %mul3A_649 : f32 to vector<16xf32>
        %mul3A_651 = arith.mulf %mul3A_648, %mul3A_650 : vector<16xf32>
        %add3A_652 = arith.addf %add3A_647, %mul3A_651 : vector<16xf32>
        %mul3A_653 = arith.mulf %add3A_652, %get3A_207 : vector<16xf32>
        %add3A_654 = arith.addf %add3A_628, %mul3A_653 : vector<16xf32>
        %mul3A_655 = arith.mulf %get3A_45, %get3A_111 : vector<16xf32>
        %mul3A_656 = arith.constant -0.534522474 : f32
        %mul3A_657 = vector.broadcast %mul3A_656 : f32 to vector<16xf32>
        %mul3A_658 = arith.mulf %mul3A_655, %mul3A_657 : vector<16xf32>
        %mul3A_659 = arith.mulf %get3A_51, %get3A_105 : vector<16xf32>
        %mul3A_660 = arith.constant 0.231455028 : f32
        %mul3A_661 = vector.broadcast %mul3A_660 : f32 to vector<16xf32>
        %mul3A_662 = arith.mulf %mul3A_659, %mul3A_661 : vector<16xf32>
        %add3A_663 = arith.addf %mul3A_658, %mul3A_662 : vector<16xf32>
        %mul3A_664 = arith.mulf %get3A_51, %get3A_117 : vector<16xf32>
        %mul3A_665 = arith.constant -0.231455028 : f32
        %mul3A_666 = vector.broadcast %mul3A_665 : f32 to vector<16xf32>
        %mul3A_667 = arith.mulf %mul3A_664, %mul3A_666 : vector<16xf32>
        %add3A_668 = arith.addf %add3A_663, %mul3A_667 : vector<16xf32>
        %mul3A_669 = arith.mulf %get3A_57, %get3A_99 : vector<16xf32>
        %mul3A_670 = arith.constant -0.534522474 : f32
        %mul3A_671 = vector.broadcast %mul3A_670 : f32 to vector<16xf32>
        %mul3A_672 = arith.mulf %mul3A_669, %mul3A_671 : vector<16xf32>
        %add3A_673 = arith.addf %add3A_668, %mul3A_672 : vector<16xf32>
        %mul3A_674 = arith.mulf %get3A_63, %get3A_105 : vector<16xf32>
        %mul3A_675 = arith.constant -0.231455028 : f32
        %mul3A_676 = vector.broadcast %mul3A_675 : f32 to vector<16xf32>
        %mul3A_677 = arith.mulf %mul3A_674, %mul3A_676 : vector<16xf32>
        %add3A_678 = arith.addf %add3A_673, %mul3A_677 : vector<16xf32>
        %mul3A_679 = arith.mulf %get3A_63, %get3A_117 : vector<16xf32>
        %mul3A_680 = arith.constant 0.231455028 : f32
        %mul3A_681 = vector.broadcast %mul3A_680 : f32 to vector<16xf32>
        %mul3A_682 = arith.mulf %mul3A_679, %mul3A_681 : vector<16xf32>
        %add3A_683 = arith.addf %add3A_678, %mul3A_682 : vector<16xf32>
        %mul3A_684 = arith.mulf %add3A_683, %get3A_213 : vector<16xf32>
        %add3A_685 = arith.addf %add3A_654, %mul3A_684 : vector<16xf32>
        %swap3A_686 = arith.constant 4 : i32
        %swap3A_687 = arith.index_cast %scan3A_16 : i32 to index
        %swap3A_688 = arith.index_cast %swap3A_686 : i32 to index
        %swap3A_689 = arith.constant 0 : index
        %swap3A_690 = tpu.vector_load %arg9[%swap3A_687, %swap3A_688, %swap3A_689] {strides = array<i32>} : memref<32x9x32xf32, #tpu.memory_space<vmem>>, vector<1x1x16xf32>,
        %swap3A_691 = vector.shape_cast %swap3A_690 : vector<1x1x16xf32> to vector<16xf32>
        %swap3A_692 = vector.shape_cast %add3A_685 : vector<16xf32> to vector<1x1x16xf32>
        tpu.vector_store %arg9[%swap3A_687, %swap3A_688, %swap3A_689], %swap3A_692 {strides = array<i32>} : memref<32x9x32xf32, #tpu.memory_space<vmem>>, vector<1x1x16xf32>,
        %mul3A_693 = arith.mulf %get3A_21, %get3A_105 : vector<16xf32>
        %mul3A_694 = arith.constant 1.000000e+00 : f32
        %mul3A_695 = vector.broadcast %mul3A_694 : f32 to vector<16xf32>
        %mul3A_696 = arith.mulf %mul3A_693, %mul3A_695 : vector<16xf32>
        %mul3A_697 = arith.mulf %mul3A_696, %get3A_183 : vector<16xf32>
        %mul3A_698 = arith.mulf %get3A_27, %get3A_87 : vector<16xf32>
        %mul3A_699 = arith.constant 0.707106769 : f32
        %mul3A_700 = vector.broadcast %mul3A_699 : f32 to vector<16xf32>
        %mul3A_701 = arith.mulf %mul3A_698, %mul3A_700 : vector<16xf32>
        %mul3A_702 = arith.mulf %get3A_33, %get3A_81 : vector<16xf32>
        %mul3A_703 = arith.constant 0.707106769 : f32
        %mul3A_704 = vector.broadcast %mul3A_703 : f32 to vector<16xf32>
        %mul3A_705 = arith.mulf %mul3A_702, %mul3A_704 : vector<16xf32>
        %add3A_706 = arith.addf %mul3A_701, %mul3A_705 : vector<16xf32>
        %mul3A_707 = arith.mulf %add3A_706, %get3A_189 : vector<16xf32>
        %add3A_708 = arith.addf %mul3A_697, %mul3A_707 : vector<16xf32>
        %mul3A_709 = arith.mulf %get3A_27, %get3A_99 : vector<16xf32>
        %mul3A_710 = arith.constant -0.204124153 : f32
        %mul3A_711 = vector.broadcast %mul3A_710 : f32 to vector<16xf32>
        %mul3A_712 = arith.mulf %mul3A_709, %mul3A_711 : vector<16xf32>
        %mul3A_713 = arith.mulf %get3A_27, %get3A_123 : vector<16xf32>
        %mul3A_714 = arith.constant 0.204124153 : f32
        %mul3A_715 = vector.broadcast %mul3A_714 : f32 to vector<16xf32>
        %mul3A_716 = arith.mulf %mul3A_713, %mul3A_715 : vector<16xf32>
        %add3A_717 = arith.addf %mul3A_712, %mul3A_716 : vector<16xf32>
        %mul3A_718 = arith.mulf %get3A_33, %get3A_117 : vector<16xf32>
        %mul3A_719 = arith.constant -0.408248305 : f32
        %mul3A_720 = vector.broadcast %mul3A_719 : f32 to vector<16xf32>
        %mul3A_721 = arith.mulf %mul3A_718, %mul3A_720 : vector<16xf32>
        %add3A_722 = arith.addf %add3A_717, %mul3A_721 : vector<16xf32>
        %mul3A_723 = arith.mulf %get3A_39, %get3A_99 : vector<16xf32>
        %mul3A_724 = arith.constant 0.204124153 : f32
        %mul3A_725 = vector.broadcast %mul3A_724 : f32 to vector<16xf32>
        %mul3A_726 = arith.mulf %mul3A_723, %mul3A_725 : vector<16xf32>
        %add3A_727 = arith.addf %add3A_722, %mul3A_726 : vector<16xf32>
        %mul3A_728 = arith.mulf %get3A_39, %get3A_111 : vector<16xf32>
        %mul3A_729 = arith.constant 0.707106769 : f32
        %mul3A_730 = vector.broadcast %mul3A_729 : f32 to vector<16xf32>
        %mul3A_731 = arith.mulf %mul3A_728, %mul3A_730 : vector<16xf32>
        %add3A_732 = arith.addf %add3A_727, %mul3A_731 : vector<16xf32>
        %mul3A_733 = arith.mulf %get3A_39, %get3A_123 : vector<16xf32>
        %mul3A_734 = arith.constant -0.204124153 : f32
        %mul3A_735 = vector.broadcast %mul3A_734 : f32 to vector<16xf32>
        %mul3A_736 = arith.mulf %mul3A_733, %mul3A_735 : vector<16xf32>
        %add3A_737 = arith.addf %add3A_732, %mul3A_736 : vector<16xf32>
        %mul3A_738 = arith.mulf %add3A_737, %get3A_195 : vector<16xf32>
        %add3A_739 = arith.addf %add3A_708, %mul3A_738 : vector<16xf32>
        %mul3A_740 = arith.mulf %get3A_51, %get3A_75 : vector<16xf32>
        %mul3A_741 = arith.constant 1.000000e+00 : f32
        %mul3A_742 = vector.broadcast %mul3A_741 : f32 to vector<16xf32>
        %mul3A_743 = arith.mulf %mul3A_740, %mul3A_742 : vector<16xf32>
        %mul3A_744 = arith.mulf %mul3A_743, %get3A_201 : vector<16xf32>
        %add3A_745 = arith.addf %add3A_739, %mul3A_744 : vector<16xf32>
        %mul3A_746 = arith.mulf %get3A_45, %get3A_81 : vector<16xf32>
        %mul3A_747 = arith.constant 0.204124153 : f32
        %mul3A_748 = vector.broadcast %mul3A_747 : f32 to vector<16xf32>
        %mul3A_749 = arith.mulf %mul3A_746, %mul3A_748 : vector<16xf32>
        %mul3A_750 = arith.mulf %get3A_45, %get3A_93 : vector<16xf32>
        %mul3A_751 = arith.constant -0.204124153 : f32
        %mul3A_752 = vector.broadcast %mul3A_751 : f32 to vector<16xf32>
        %mul3A_753 = arith.mulf %mul3A_750, %mul3A_752 : vector<16xf32>
        %add3A_754 = arith.addf %mul3A_749, %mul3A_753 : vector<16xf32>
        %mul3A_755 = arith.mulf %get3A_57, %get3A_93 : vector<16xf32>
        %mul3A_756 = arith.constant -0.707106769 : f32
        %mul3A_757 = vector.broadcast %mul3A_756 : f32 to vector<16xf32>
        %mul3A_758 = arith.mulf %mul3A_755, %mul3A_757 : vector<16xf32>
        %add3A_759 = arith.addf %add3A_754, %mul3A_758 : vector<16xf32>
        %mul3A_760 = arith.mulf %get3A_63, %get3A_87 : vector<16xf32>
        %mul3A_761 = arith.constant 0.408248305 : f32
        %mul3A_762 = vector.broadcast %mul3A_761 : f32 to vector<16xf32>
        %mul3A_763 = arith.mulf %mul3A_760, %mul3A_762 : vector<16xf32>
        %add3A_764 = arith.addf %add3A_759, %mul3A_763 : vector<16xf32>
        %mul3A_765 = arith.mulf %get3A_69, %get3A_81 : vector<16xf32>
        %mul3A_766 = arith.constant -0.204124153 : f32
        %mul3A_767 = vector.broadcast %mul3A_766 : f32 to vector<16xf32>
        %mul3A_768 = arith.mulf %mul3A_765, %mul3A_767 : vector<16xf32>
        %add3A_769 = arith.addf %add3A_764, %mul3A_768 : vector<16xf32>
        %mul3A_770 = arith.mulf %get3A_69, %get3A_93 : vector<16xf32>
        %mul3A_771 = arith.constant 0.204124153 : f32
        %mul3A_772 = vector.broadcast %mul3A_771 : f32 to vector<16xf32>
        %mul3A_773 = arith.mulf %mul3A_770, %mul3A_772 : vector<16xf32>
        %add3A_774 = arith.addf %add3A_769, %mul3A_773 : vector<16xf32>
        %mul3A_775 = arith.mulf %add3A_774, %get3A_207 : vector<16xf32>
        %add3A_776 = arith.addf %add3A_745, %mul3A_775 : vector<16xf32>
        %mul3A_777 = arith.mulf %get3A_45, %get3A_105 : vector<16xf32>
        %mul3A_778 = arith.constant -0.231455028 : f32
        %mul3A_779 = vector.broadcast %mul3A_778 : f32 to vector<16xf32>
        %mul3A_780 = arith.mulf %mul3A_777, %mul3A_779 : vector<16xf32>
        %mul3A_781 = arith.mulf %get3A_45, %get3A_117 : vector<16xf32>
        %mul3A_782 = arith.constant 0.231455028 : f32
        %mul3A_783 = vector.broadcast %mul3A_782 : f32 to vector<16xf32>
        %mul3A_784 = arith.mulf %mul3A_781, %mul3A_783 : vector<16xf32>
        %add3A_785 = arith.addf %mul3A_780, %mul3A_784 : vector<16xf32>
        %mul3A_786 = arith.mulf %get3A_51, %get3A_99 : vector<16xf32>
        %mul3A_787 = arith.constant -0.231455028 : f32
        %mul3A_788 = vector.broadcast %mul3A_787 : f32 to vector<16xf32>
        %mul3A_789 = arith.mulf %mul3A_786, %mul3A_788 : vector<16xf32>
        %add3A_790 = arith.addf %add3A_785, %mul3A_789 : vector<16xf32>
        %mul3A_791 = arith.mulf %get3A_51, %get3A_111 : vector<16xf32>
        %mul3A_792 = arith.constant 0.267261237 : f32
        %mul3A_793 = vector.broadcast %mul3A_792 : f32 to vector<16xf32>
        %mul3A_794 = arith.mulf %mul3A_791, %mul3A_793 : vector<16xf32>
        %add3A_795 = arith.addf %add3A_790, %mul3A_794 : vector<16xf32>
        %mul3A_796 = arith.mulf %get3A_51, %get3A_123 : vector<16xf32>
        %mul3A_797 = arith.constant 0.231455028 : f32
        %mul3A_798 = vector.broadcast %mul3A_797 : f32 to vector<16xf32>
        %mul3A_799 = arith.mulf %mul3A_796, %mul3A_798 : vector<16xf32>
        %add3A_800 = arith.addf %add3A_795, %mul3A_799 : vector<16xf32>
        %mul3A_801 = arith.mulf %get3A_57, %get3A_105 : vector<16xf32>
        %mul3A_802 = arith.constant 0.267261237 : f32
        %mul3A_803 = vector.broadcast %mul3A_802 : f32 to vector<16xf32>
        %mul3A_804 = arith.mulf %mul3A_801, %mul3A_803 : vector<16xf32>
        %add3A_805 = arith.addf %add3A_800, %mul3A_804 : vector<16xf32>
        %mul3A_806 = arith.mulf %get3A_63, %get3A_99 : vector<16xf32>
        %mul3A_807 = arith.constant 0.231455028 : f32
        %mul3A_808 = vector.broadcast %mul3A_807 : f32 to vector<16xf32>
        %mul3A_809 = arith.mulf %mul3A_806, %mul3A_808 : vector<16xf32>
        %add3A_810 = arith.addf %add3A_805, %mul3A_809 : vector<16xf32>
        %mul3A_811 = arith.mulf %get3A_63, %get3A_123 : vector<16xf32>
        %mul3A_812 = arith.constant -0.231455028 : f32
        %mul3A_813 = vector.broadcast %mul3A_812 : f32 to vector<16xf32>
        %mul3A_814 = arith.mulf %mul3A_811, %mul3A_813 : vector<16xf32>
        %add3A_815 = arith.addf %add3A_810, %mul3A_814 : vector<16xf32>
        %mul3A_816 = arith.mulf %get3A_69, %get3A_105 : vector<16xf32>
        %mul3A_817 = arith.constant 0.231455028 : f32
        %mul3A_818 = vector.broadcast %mul3A_817 : f32 to vector<16xf32>
        %mul3A_819 = arith.mulf %mul3A_816, %mul3A_818 : vector<16xf32>
        %add3A_820 = arith.addf %add3A_815, %mul3A_819 : vector<16xf32>
        %mul3A_821 = arith.mulf %get3A_69, %get3A_117 : vector<16xf32>
        %mul3A_822 = arith.constant -0.231455028 : f32
        %mul3A_823 = vector.broadcast %mul3A_822 : f32 to vector<16xf32>
        %mul3A_824 = arith.mulf %mul3A_821, %mul3A_823 : vector<16xf32>
        %add3A_825 = arith.addf %add3A_820, %mul3A_824 : vector<16xf32>
        %mul3A_826 = arith.mulf %add3A_825, %get3A_213 : vector<16xf32>
        %add3A_827 = arith.addf %add3A_776, %mul3A_826 : vector<16xf32>
        %swap3A_828 = arith.constant 5 : i32
        %swap3A_829 = arith.index_cast %scan3A_16 : i32 to index
        %swap3A_830 = arith.index_cast %swap3A_828 : i32 to index
        %swap3A_831 = arith.constant 0 : index
        %swap3A_832 = tpu.vector_load %arg9[%swap3A_829, %swap3A_830, %swap3A_831] {strides = array<i32>} : memref<32x9x32xf32, #tpu.memory_space<vmem>>, vector<1x1x16xf32>,
        %swap3A_833 = vector.shape_cast %swap3A_832 : vector<1x1x16xf32> to vector<16xf32>
        %swap3A_834 = vector.shape_cast %add3A_827 : vector<16xf32> to vector<1x1x16xf32>
        tpu.vector_store %arg9[%swap3A_829, %swap3A_830, %swap3A_831], %swap3A_834 {strides = array<i32>} : memref<32x9x32xf32, #tpu.memory_space<vmem>>, vector<1x1x16xf32>,
        %mul3A_835 = arith.mulf %get3A_21, %get3A_111 : vector<16xf32>
        %mul3A_836 = arith.constant 1.000000e+00 : f32
        %mul3A_837 = vector.broadcast %mul3A_836 : f32 to vector<16xf32>
        %mul3A_838 = arith.mulf %mul3A_835, %mul3A_837 : vector<16xf32>
        %mul3A_839 = arith.mulf %mul3A_838, %get3A_183 : vector<16xf32>
        %mul3A_840 = arith.mulf %get3A_33, %get3A_87 : vector<16xf32>
        %mul3A_841 = arith.constant 0.816496611 : f32
        %mul3A_842 = vector.broadcast %mul3A_841 : f32 to vector<16xf32>
        %mul3A_843 = arith.mulf %mul3A_840, %mul3A_842 : vector<16xf32>
        %mul3A_844 = arith.mulf %mul3A_843, %get3A_189 : vector<16xf32>
        %add3A_845 = arith.addf %mul3A_839, %mul3A_844 : vector<16xf32>
        %mul3A_846 = arith.mulf %get3A_57, %get3A_75 : vector<16xf32>
        %mul3A_847 = arith.constant 1.000000e+00 : f32
        %mul3A_848 = vector.broadcast %mul3A_847 : f32 to vector<16xf32>
        %mul3A_849 = arith.mulf %mul3A_846, %mul3A_848 : vector<16xf32>
        %mul3A_850 = arith.mulf %mul3A_849, %get3A_201 : vector<16xf32>
        %add3A_851 = arith.addf %add3A_845, %mul3A_850 : vector<16xf32>
        %mul3A_852 = arith.mulf %get3A_57, %get3A_111 : vector<16xf32>
        %mul3A_853 = arith.constant 0.534522474 : f32
        %mul3A_854 = vector.broadcast %mul3A_853 : f32 to vector<16xf32>
        %mul3A_855 = arith.mulf %mul3A_852, %mul3A_854 : vector<16xf32>
        %mul3A_856 = arith.mulf %mul3A_855, %get3A_213 : vector<16xf32>
        %add3A_857 = arith.addf %add3A_851, %mul3A_856 : vector<16xf32>
        %swap3A_858 = arith.constant 6 : i32
        %swap3A_859 = arith.index_cast %scan3A_16 : i32 to index
        %swap3A_860 = arith.index_cast %swap3A_858 : i32 to index
        %swap3A_861 = arith.constant 0 : index
        %swap3A_862 = tpu.vector_load %arg9[%swap3A_859, %swap3A_860, %swap3A_861] {strides = array<i32>} : memref<32x9x32xf32, #tpu.memory_space<vmem>>, vector<1x1x16xf32>,
        %swap3A_863 = vector.shape_cast %swap3A_862 : vector<1x1x16xf32> to vector<16xf32>
        %swap3A_864 = vector.shape_cast %add3A_857 : vector<16xf32> to vector<1x1x16xf32>
        tpu.vector_store %arg9[%swap3A_859, %swap3A_860, %swap3A_861], %swap3A_864 {strides = array<i32>} : memref<32x9x32xf32, #tpu.memory_space<vmem>>, vector<1x1x16xf32>,
        %mul3A_865 = arith.mulf %get3A_21, %get3A_117 : vector<16xf32>
        %mul3A_866 = arith.constant 1.000000e+00 : f32
        %mul3A_867 = vector.broadcast %mul3A_866 : f32 to vector<16xf32>
        %mul3A_868 = arith.mulf %mul3A_865, %mul3A_867 : vector<16xf32>
        %mul3A_869 = arith.mulf %mul3A_868, %get3A_183 : vector<16xf32>
        %mul3A_870 = arith.mulf %get3A_33, %get3A_93 : vector<16xf32>
        %mul3A_871 = arith.constant 0.707106769 : f32
        %mul3A_872 = vector.broadcast %mul3A_871 : f32 to vector<16xf32>
        %mul3A_873 = arith.mulf %mul3A_870, %mul3A_872 : vector<16xf32>
        %mul3A_874 = arith.mulf %get3A_39, %get3A_87 : vector<16xf32>
        %mul3A_875 = arith.constant 0.707106769 : f32
        %mul3A_876 = vector.broadcast %mul3A_875 : f32 to vector<16xf32>
        %mul3A_877 = arith.mulf %mul3A_874, %mul3A_876 : vector<16xf32>
        %add3A_878 = arith.addf %mul3A_873, %mul3A_877 : vector<16xf32>
        %mul3A_879 = arith.mulf %add3A_878, %get3A_189 : vector<16xf32>
        %add3A_880 = arith.addf %mul3A_869, %mul3A_879 : vector<16xf32>
        %mul3A_881 = arith.mulf %get3A_27, %get3A_99 : vector<16xf32>
        %mul3A_882 = arith.constant -0.204124153 : f32
        %mul3A_883 = vector.broadcast %mul3A_882 : f32 to vector<16xf32>
        %mul3A_884 = arith.mulf %mul3A_881, %mul3A_883 : vector<16xf32>
        %mul3A_885 = arith.mulf %get3A_27, %get3A_111 : vector<16xf32>
        %mul3A_886 = arith.constant 0.707106769 : f32
        %mul3A_887 = vector.broadcast %mul3A_886 : f32 to vector<16xf32>
        %mul3A_888 = arith.mulf %mul3A_885, %mul3A_887 : vector<16xf32>
        %add3A_889 = arith.addf %mul3A_884, %mul3A_888 : vector<16xf32>
        %mul3A_890 = arith.mulf %get3A_27, %get3A_123 : vector<16xf32>
        %mul3A_891 = arith.constant 0.204124153 : f32
        %mul3A_892 = vector.broadcast %mul3A_891 : f32 to vector<16xf32>
        %mul3A_893 = arith.mulf %mul3A_890, %mul3A_892 : vector<16xf32>
        %add3A_894 = arith.addf %add3A_889, %mul3A_893 : vector<16xf32>
        %mul3A_895 = arith.mulf %get3A_33, %get3A_105 : vector<16xf32>
        %mul3A_896 = arith.constant -0.408248305 : f32
        %mul3A_897 = vector.broadcast %mul3A_896 : f32 to vector<16xf32>
        %mul3A_898 = arith.mulf %mul3A_895, %mul3A_897 : vector<16xf32>
        %add3A_899 = arith.addf %add3A_894, %mul3A_898 : vector<16xf32>
        %mul3A_900 = arith.mulf %get3A_39, %get3A_99 : vector<16xf32>
        %mul3A_901 = arith.constant 0.204124153 : f32
        %mul3A_902 = vector.broadcast %mul3A_901 : f32 to vector<16xf32>
        %mul3A_903 = arith.mulf %mul3A_900, %mul3A_902 : vector<16xf32>
        %add3A_904 = arith.addf %add3A_899, %mul3A_903 : vector<16xf32>
        %mul3A_905 = arith.mulf %get3A_39, %get3A_123 : vector<16xf32>
        %mul3A_906 = arith.constant -0.204124153 : f32
        %mul3A_907 = vector.broadcast %mul3A_906 : f32 to vector<16xf32>
        %mul3A_908 = arith.mulf %mul3A_905, %mul3A_907 : vector<16xf32>
        %add3A_909 = arith.addf %add3A_904, %mul3A_908 : vector<16xf32>
        %mul3A_910 = arith.mulf %add3A_909, %get3A_195 : vector<16xf32>
        %add3A_911 = arith.addf %add3A_880, %mul3A_910 : vector<16xf32>
        %mul3A_912 = arith.mulf %get3A_63, %get3A_75 : vector<16xf32>
        %mul3A_913 = arith.constant 1.000000e+00 : f32
        %mul3A_914 = vector.broadcast %mul3A_913 : f32 to vector<16xf32>
        %mul3A_915 = arith.mulf %mul3A_912, %mul3A_914 : vector<16xf32>
        %mul3A_916 = arith.mulf %mul3A_915, %get3A_201 : vector<16xf32>
        %add3A_917 = arith.addf %add3A_911, %mul3A_916 : vector<16xf32>
        %mul3A_918 = arith.mulf %get3A_45, %get3A_81 : vector<16xf32>
        %mul3A_919 = arith.constant 0.204124153 : f32
        %mul3A_920 = vector.broadcast %mul3A_919 : f32 to vector<16xf32>
        %mul3A_921 = arith.mulf %mul3A_918, %mul3A_920 : vector<16xf32>
        %mul3A_922 = arith.mulf %get3A_45, %get3A_93 : vector<16xf32>
        %mul3A_923 = arith.constant -0.204124153 : f32
        %mul3A_924 = vector.broadcast %mul3A_923 : f32 to vector<16xf32>
        %mul3A_925 = arith.mulf %mul3A_922, %mul3A_924 : vector<16xf32>
        %add3A_926 = arith.addf %mul3A_921, %mul3A_925 : vector<16xf32>
        %mul3A_927 = arith.mulf %get3A_51, %get3A_87 : vector<16xf32>
        %mul3A_928 = arith.constant 0.408248305 : f32
        %mul3A_929 = vector.broadcast %mul3A_928 : f32 to vector<16xf32>
        %mul3A_930 = arith.mulf %mul3A_927, %mul3A_929 : vector<16xf32>
        %add3A_931 = arith.addf %add3A_926, %mul3A_930 : vector<16xf32>
        %mul3A_932 = arith.mulf %get3A_57, %get3A_81 : vector<16xf32>
        %mul3A_933 = arith.constant -0.707106769 : f32
        %mul3A_934 = vector.broadcast %mul3A_933 : f32 to vector<16xf32>
        %mul3A_935 = arith.mulf %mul3A_932, %mul3A_934 : vector<16xf32>
        %add3A_936 = arith.addf %add3A_931, %mul3A_935 : vector<16xf32>
        %mul3A_937 = arith.mulf %get3A_69, %get3A_81 : vector<16xf32>
        %mul3A_938 = arith.constant -0.204124153 : f32
        %mul3A_939 = vector.broadcast %mul3A_938 : f32 to vector<16xf32>
        %mul3A_940 = arith.mulf %mul3A_937, %mul3A_939 : vector<16xf32>
        %add3A_941 = arith.addf %add3A_936, %mul3A_940 : vector<16xf32>
        %mul3A_942 = arith.mulf %get3A_69, %get3A_93 : vector<16xf32>
        %mul3A_943 = arith.constant 0.204124153 : f32
        %mul3A_944 = vector.broadcast %mul3A_943 : f32 to vector<16xf32>
        %mul3A_945 = arith.mulf %mul3A_942, %mul3A_944 : vector<16xf32>
        %add3A_946 = arith.addf %add3A_941, %mul3A_945 : vector<16xf32>
        %mul3A_947 = arith.mulf %add3A_946, %get3A_207 : vector<16xf32>
        %add3A_948 = arith.addf %add3A_917, %mul3A_947 : vector<16xf32>
        %mul3A_949 = arith.mulf %get3A_45, %get3A_105 : vector<16xf32>
        %mul3A_950 = arith.constant -0.231455028 : f32
        %mul3A_951 = vector.broadcast %mul3A_950 : f32 to vector<16xf32>
        %mul3A_952 = arith.mulf %mul3A_949, %mul3A_951 : vector<16xf32>
        %mul3A_953 = arith.mulf %get3A_45, %get3A_117 : vector<16xf32>
        %mul3A_954 = arith.constant 0.231455028 : f32
        %mul3A_955 = vector.broadcast %mul3A_954 : f32 to vector<16xf32>
        %mul3A_956 = arith.mulf %mul3A_953, %mul3A_955 : vector<16xf32>
        %add3A_957 = arith.addf %mul3A_952, %mul3A_956 : vector<16xf32>
        %mul3A_958 = arith.mulf %get3A_51, %get3A_99 : vector<16xf32>
        %mul3A_959 = arith.constant -0.231455028 : f32
        %mul3A_960 = vector.broadcast %mul3A_959 : f32 to vector<16xf32>
        %mul3A_961 = arith.mulf %mul3A_958, %mul3A_960 : vector<16xf32>
        %add3A_962 = arith.addf %add3A_957, %mul3A_961 : vector<16xf32>
        %mul3A_963 = arith.mulf %get3A_51, %get3A_123 : vector<16xf32>
        %mul3A_964 = arith.constant 0.231455028 : f32
        %mul3A_965 = vector.broadcast %mul3A_964 : f32 to vector<16xf32>
        %mul3A_966 = arith.mulf %mul3A_963, %mul3A_965 : vector<16xf32>
        %add3A_967 = arith.addf %add3A_962, %mul3A_966 : vector<16xf32>
        %mul3A_968 = arith.mulf %get3A_57, %get3A_117 : vector<16xf32>
        %mul3A_969 = arith.constant 0.267261237 : f32
        %mul3A_970 = vector.broadcast %mul3A_969 : f32 to vector<16xf32>
        %mul3A_971 = arith.mulf %mul3A_968, %mul3A_970 : vector<16xf32>
        %add3A_972 = arith.addf %add3A_967, %mul3A_971 : vector<16xf32>
        %mul3A_973 = arith.mulf %get3A_63, %get3A_99 : vector<16xf32>
        %mul3A_974 = arith.constant 0.231455028 : f32
        %mul3A_975 = vector.broadcast %mul3A_974 : f32 to vector<16xf32>
        %mul3A_976 = arith.mulf %mul3A_973, %mul3A_975 : vector<16xf32>
        %add3A_977 = arith.addf %add3A_972, %mul3A_976 : vector<16xf32>
        %mul3A_978 = arith.mulf %get3A_63, %get3A_111 : vector<16xf32>
        %mul3A_979 = arith.constant 0.267261237 : f32
        %mul3A_980 = vector.broadcast %mul3A_979 : f32 to vector<16xf32>
        %mul3A_981 = arith.mulf %mul3A_978, %mul3A_980 : vector<16xf32>
        %add3A_982 = arith.addf %add3A_977, %mul3A_981 : vector<16xf32>
        %mul3A_983 = arith.mulf %get3A_63, %get3A_123 : vector<16xf32>
        %mul3A_984 = arith.constant -0.231455028 : f32
        %mul3A_985 = vector.broadcast %mul3A_984 : f32 to vector<16xf32>
        %mul3A_986 = arith.mulf %mul3A_983, %mul3A_985 : vector<16xf32>
        %add3A_987 = arith.addf %add3A_982, %mul3A_986 : vector<16xf32>
        %mul3A_988 = arith.mulf %get3A_69, %get3A_105 : vector<16xf32>
        %mul3A_989 = arith.constant 0.231455028 : f32
        %mul3A_990 = vector.broadcast %mul3A_989 : f32 to vector<16xf32>
        %mul3A_991 = arith.mulf %mul3A_988, %mul3A_990 : vector<16xf32>
        %add3A_992 = arith.addf %add3A_987, %mul3A_991 : vector<16xf32>
        %mul3A_993 = arith.mulf %get3A_69, %get3A_117 : vector<16xf32>
        %mul3A_994 = arith.constant -0.231455028 : f32
        %mul3A_995 = vector.broadcast %mul3A_994 : f32 to vector<16xf32>
        %mul3A_996 = arith.mulf %mul3A_993, %mul3A_995 : vector<16xf32>
        %add3A_997 = arith.addf %add3A_992, %mul3A_996 : vector<16xf32>
        %mul3A_998 = arith.mulf %add3A_997, %get3A_213 : vector<16xf32>
        %add3A_999 = arith.addf %add3A_948, %mul3A_998 : vector<16xf32>
        %swap3A_1000 = arith.constant 7 : i32
        %swap3A_1001 = arith.index_cast %scan3A_16 : i32 to index
        %swap3A_1002 = arith.index_cast %swap3A_1000 : i32 to index
        %swap3A_1003 = arith.constant 0 : index
        %swap3A_1004 = tpu.vector_load %arg9[%swap3A_1001, %swap3A_1002, %swap3A_1003] {strides = array<i32>} : memref<32x9x32xf32, #tpu.memory_space<vmem>>, vector<1x1x16xf32>,
        %swap3A_1005 = vector.shape_cast %swap3A_1004 : vector<1x1x16xf32> to vector<16xf32>
        %swap3A_1006 = vector.shape_cast %add3A_999 : vector<16xf32> to vector<1x1x16xf32>
        tpu.vector_store %arg9[%swap3A_1001, %swap3A_1002, %swap3A_1003], %swap3A_1006 {strides = array<i32>} : memref<32x9x32xf32, #tpu.memory_space<vmem>>, vector<1x1x16xf32>,
        %mul3A_1007 = arith.mulf %get3A_21, %get3A_123 : vector<16xf32>
        %mul3A_1008 = arith.constant 1.000000e+00 : f32
        %mul3A_1009 = vector.broadcast %mul3A_1008 : f32 to vector<16xf32>
        %mul3A_1010 = arith.mulf %mul3A_1007, %mul3A_1009 : vector<16xf32>
        %mul3A_1011 = arith.mulf %mul3A_1010, %get3A_183 : vector<16xf32>
        %mul3A_1012 = arith.mulf %get3A_27, %get3A_81 : vector<16xf32>
        %mul3A_1013 = arith.constant 0.353553385 : f32
        %mul3A_1014 = vector.broadcast %mul3A_1013 : f32 to vector<16xf32>
        %mul3A_1015 = arith.mulf %mul3A_1012, %mul3A_1014 : vector<16xf32>
        %mul3A_1016 = arith.mulf %get3A_27, %get3A_93 : vector<16xf32>
        %mul3A_1017 = arith.constant -0.353553385 : f32
        %mul3A_1018 = vector.broadcast %mul3A_1017 : f32 to vector<16xf32>
        %mul3A_1019 = arith.mulf %mul3A_1016, %mul3A_1018 : vector<16xf32>
        %add3A_1020 = arith.addf %mul3A_1015, %mul3A_1019 : vector<16xf32>
        %mul3A_1021 = arith.mulf %get3A_39, %get3A_81 : vector<16xf32>
        %mul3A_1022 = arith.constant -0.353553385 : f32
        %mul3A_1023 = vector.broadcast %mul3A_1022 : f32 to vector<16xf32>
        %mul3A_1024 = arith.mulf %mul3A_1021, %mul3A_1023 : vector<16xf32>
        %add3A_1025 = arith.addf %add3A_1020, %mul3A_1024 : vector<16xf32>
        %mul3A_1026 = arith.mulf %get3A_39, %get3A_93 : vector<16xf32>
        %mul3A_1027 = arith.constant 0.353553385 : f32
        %mul3A_1028 = vector.broadcast %mul3A_1027 : f32 to vector<16xf32>
        %mul3A_1029 = arith.mulf %mul3A_1026, %mul3A_1028 : vector<16xf32>
        %add3A_1030 = arith.addf %add3A_1025, %mul3A_1029 : vector<16xf32>
        %mul3A_1031 = arith.mulf %add3A_1030, %get3A_189 : vector<16xf32>
        %add3A_1032 = arith.addf %mul3A_1011, %mul3A_1031 : vector<16xf32>
        %mul3A_1033 = arith.mulf %get3A_27, %get3A_105 : vector<16xf32>
        %mul3A_1034 = arith.constant -0.204124153 : f32
        %mul3A_1035 = vector.broadcast %mul3A_1034 : f32 to vector<16xf32>
        %mul3A_1036 = arith.mulf %mul3A_1033, %mul3A_1035 : vector<16xf32>
        %mul3A_1037 = arith.mulf %get3A_27, %get3A_117 : vector<16xf32>
        %mul3A_1038 = arith.constant 0.204124153 : f32
        %mul3A_1039 = vector.broadcast %mul3A_1038 : f32 to vector<16xf32>
        %mul3A_1040 = arith.mulf %mul3A_1037, %mul3A_1039 : vector<16xf32>
        %add3A_1041 = arith.addf %mul3A_1036, %mul3A_1040 : vector<16xf32>
        %mul3A_1042 = arith.mulf %get3A_33, %get3A_99 : vector<16xf32>
        %mul3A_1043 = arith.constant 0.816496611 : f32
        %mul3A_1044 = vector.broadcast %mul3A_1043 : f32 to vector<16xf32>
        %mul3A_1045 = arith.mulf %mul3A_1042, %mul3A_1044 : vector<16xf32>
        %add3A_1046 = arith.addf %add3A_1041, %mul3A_1045 : vector<16xf32>
        %mul3A_1047 = arith.mulf %get3A_39, %get3A_105 : vector<16xf32>
        %mul3A_1048 = arith.constant 0.204124153 : f32
        %mul3A_1049 = vector.broadcast %mul3A_1048 : f32 to vector<16xf32>
        %mul3A_1050 = arith.mulf %mul3A_1047, %mul3A_1049 : vector<16xf32>
        %add3A_1051 = arith.addf %add3A_1046, %mul3A_1050 : vector<16xf32>
        %mul3A_1052 = arith.mulf %get3A_39, %get3A_117 : vector<16xf32>
        %mul3A_1053 = arith.constant -0.204124153 : f32
        %mul3A_1054 = vector.broadcast %mul3A_1053 : f32 to vector<16xf32>
        %mul3A_1055 = arith.mulf %mul3A_1052, %mul3A_1054 : vector<16xf32>
        %add3A_1056 = arith.addf %add3A_1051, %mul3A_1055 : vector<16xf32>
        %mul3A_1057 = arith.mulf %add3A_1056, %get3A_195 : vector<16xf32>
        %add3A_1058 = arith.addf %add3A_1032, %mul3A_1057 : vector<16xf32>
        %mul3A_1059 = arith.mulf %get3A_69, %get3A_75 : vector<16xf32>
        %mul3A_1060 = arith.constant 1.000000e+00 : f32
        %mul3A_1061 = vector.broadcast %mul3A_1060 : f32 to vector<16xf32>
        %mul3A_1062 = arith.mulf %mul3A_1059, %mul3A_1061 : vector<16xf32>
        %mul3A_1063 = arith.mulf %mul3A_1062, %get3A_201 : vector<16xf32>
        %add3A_1064 = arith.addf %add3A_1058, %mul3A_1063 : vector<16xf32>
        %mul3A_1065 = arith.mulf %get3A_45, %get3A_87 : vector<16xf32>
        %mul3A_1066 = arith.constant -0.816496611 : f32
        %mul3A_1067 = vector.broadcast %mul3A_1066 : f32 to vector<16xf32>
        %mul3A_1068 = arith.mulf %mul3A_1065, %mul3A_1067 : vector<16xf32>
        %mul3A_1069 = arith.mulf %get3A_51, %get3A_81 : vector<16xf32>
        %mul3A_1070 = arith.constant 0.204124153 : f32
        %mul3A_1071 = vector.broadcast %mul3A_1070 : f32 to vector<16xf32>
        %mul3A_1072 = arith.mulf %mul3A_1069, %mul3A_1071 : vector<16xf32>
        %add3A_1073 = arith.addf %mul3A_1068, %mul3A_1072 : vector<16xf32>
        %mul3A_1074 = arith.mulf %get3A_51, %get3A_93 : vector<16xf32>
        %mul3A_1075 = arith.constant -0.204124153 : f32
        %mul3A_1076 = vector.broadcast %mul3A_1075 : f32 to vector<16xf32>
        %mul3A_1077 = arith.mulf %mul3A_1074, %mul3A_1076 : vector<16xf32>
        %add3A_1078 = arith.addf %add3A_1073, %mul3A_1077 : vector<16xf32>
        %mul3A_1079 = arith.mulf %get3A_63, %get3A_81 : vector<16xf32>
        %mul3A_1080 = arith.constant -0.204124153 : f32
        %mul3A_1081 = vector.broadcast %mul3A_1080 : f32 to vector<16xf32>
        %mul3A_1082 = arith.mulf %mul3A_1079, %mul3A_1081 : vector<16xf32>
        %add3A_1083 = arith.addf %add3A_1078, %mul3A_1082 : vector<16xf32>
        %mul3A_1084 = arith.mulf %get3A_63, %get3A_93 : vector<16xf32>
        %mul3A_1085 = arith.constant 0.204124153 : f32
        %mul3A_1086 = vector.broadcast %mul3A_1085 : f32 to vector<16xf32>
        %mul3A_1087 = arith.mulf %mul3A_1084, %mul3A_1086 : vector<16xf32>
        %add3A_1088 = arith.addf %add3A_1083, %mul3A_1087 : vector<16xf32>
        %mul3A_1089 = arith.mulf %add3A_1088, %get3A_207 : vector<16xf32>
        %add3A_1090 = arith.addf %add3A_1064, %mul3A_1089 : vector<16xf32>
        %mul3A_1091 = arith.mulf %get3A_51, %get3A_105 : vector<16xf32>
        %mul3A_1092 = arith.constant 0.231455028 : f32
        %mul3A_1093 = vector.broadcast %mul3A_1092 : f32 to vector<16xf32>
        %mul3A_1094 = arith.mulf %mul3A_1091, %mul3A_1093 : vector<16xf32>
        %mul3A_1095 = arith.mulf %get3A_51, %get3A_117 : vector<16xf32>
        %mul3A_1096 = arith.constant -0.231455028 : f32
        %mul3A_1097 = vector.broadcast %mul3A_1096 : f32 to vector<16xf32>
        %mul3A_1098 = arith.mulf %mul3A_1095, %mul3A_1097 : vector<16xf32>
        %add3A_1099 = arith.addf %mul3A_1094, %mul3A_1098 : vector<16xf32>
        %mul3A_1100 = arith.mulf %get3A_57, %get3A_123 : vector<16xf32>
        %mul3A_1101 = arith.constant -0.534522474 : f32
        %mul3A_1102 = vector.broadcast %mul3A_1101 : f32 to vector<16xf32>
        %mul3A_1103 = arith.mulf %mul3A_1100, %mul3A_1102 : vector<16xf32>
        %add3A_1104 = arith.addf %add3A_1099, %mul3A_1103 : vector<16xf32>
        %mul3A_1105 = arith.mulf %get3A_63, %get3A_105 : vector<16xf32>
        %mul3A_1106 = arith.constant -0.231455028 : f32
        %mul3A_1107 = vector.broadcast %mul3A_1106 : f32 to vector<16xf32>
        %mul3A_1108 = arith.mulf %mul3A_1105, %mul3A_1107 : vector<16xf32>
        %add3A_1109 = arith.addf %add3A_1104, %mul3A_1108 : vector<16xf32>
        %mul3A_1110 = arith.mulf %get3A_63, %get3A_117 : vector<16xf32>
        %mul3A_1111 = arith.constant 0.231455028 : f32
        %mul3A_1112 = vector.broadcast %mul3A_1111 : f32 to vector<16xf32>
        %mul3A_1113 = arith.mulf %mul3A_1110, %mul3A_1112 : vector<16xf32>
        %add3A_1114 = arith.addf %add3A_1109, %mul3A_1113 : vector<16xf32>
        %mul3A_1115 = arith.mulf %get3A_69, %get3A_111 : vector<16xf32>
        %mul3A_1116 = arith.constant -0.534522474 : f32
        %mul3A_1117 = vector.broadcast %mul3A_1116 : f32 to vector<16xf32>
        %mul3A_1118 = arith.mulf %mul3A_1115, %mul3A_1117 : vector<16xf32>
        %add3A_1119 = arith.addf %add3A_1114, %mul3A_1118 : vector<16xf32>
        %mul3A_1120 = arith.mulf %add3A_1119, %get3A_213 : vector<16xf32>
        %add3A_1121 = arith.addf %add3A_1090, %mul3A_1120 : vector<16xf32>
        %swap3A_1122 = arith.constant 8 : i32
        %swap3A_1123 = arith.index_cast %scan3A_16 : i32 to index
        %swap3A_1124 = arith.index_cast %swap3A_1122 : i32 to index
        %swap3A_1125 = arith.constant 0 : index
        %swap3A_1126 = tpu.vector_load %arg9[%swap3A_1123, %swap3A_1124, %swap3A_1125] {strides = array<i32>} : memref<32x9x32xf32, #tpu.memory_space<vmem>>, vector<1x1x16xf32>,
        %swap3A_1127 = vector.shape_cast %swap3A_1126 : vector<1x1x16xf32> to vector<16xf32>
        %swap3A_1128 = vector.shape_cast %add3A_1121 : vector<16xf32> to vector<1x1x16xf32>
        tpu.vector_store %arg9[%swap3A_1123, %swap3A_1124, %swap3A_1125], %swap3A_1128 {strides = array<i32>} : memref<32x9x32xf32, #tpu.memory_space<vmem>>, vector<1x1x16xf32>,
        %get3A_1129 = arith.constant 0 : i32
        %get3A_1130 = arith.index_cast %scan3A_16 : i32 to index
        %get3A_1131 = arith.index_cast %get3A_1129 : i32 to index
        %get3A_1132 = arith.constant 16 : index
        %get3A_1133 = tpu.vector_load %arg6[%get3A_1130, %get3A_1131, %get3A_1132] {strides = array<i32>} : memref<32x9x32xf32, #tpu.memory_space<vmem>>, vector<1x1x16xf32>,
        %get3A_1134 = vector.shape_cast %get3A_1133 : vector<1x1x16xf32> to vector<16xf32>
        %get3A_1135 = arith.constant 1 : i32
        %get3A_1136 = arith.index_cast %scan3A_16 : i32 to index
        %get3A_1137 = arith.index_cast %get3A_1135 : i32 to index
        %get3A_1138 = arith.constant 16 : index
        %get3A_1139 = tpu.vector_load %arg6[%get3A_1136, %get3A_1137, %get3A_1138] {strides = array<i32>} : memref<32x9x32xf32, #tpu.memory_space<vmem>>, vector<1x1x16xf32>,
        %get3A_1140 = vector.shape_cast %get3A_1139 : vector<1x1x16xf32> to vector<16xf32>
        %get3A_1141 = arith.constant 2 : i32
        %get3A_1142 = arith.index_cast %scan3A_16 : i32 to index
        %get3A_1143 = arith.index_cast %get3A_1141 : i32 to index
        %get3A_1144 = arith.constant 16 : index
        %get3A_1145 = tpu.vector_load %arg6[%get3A_1142, %get3A_1143, %get3A_1144] {strides = array<i32>} : memref<32x9x32xf32, #tpu.memory_space<vmem>>, vector<1x1x16xf32>,
        %get3A_1146 = vector.shape_cast %get3A_1145 : vector<1x1x16xf32> to vector<16xf32>
        %get3A_1147 = arith.constant 3 : i32
        %get3A_1148 = arith.index_cast %scan3A_16 : i32 to index
        %get3A_1149 = arith.index_cast %get3A_1147 : i32 to index
        %get3A_1150 = arith.constant 16 : index
        %get3A_1151 = tpu.vector_load %arg6[%get3A_1148, %get3A_1149, %get3A_1150] {strides = array<i32>} : memref<32x9x32xf32, #tpu.memory_space<vmem>>, vector<1x1x16xf32>,
        %get3A_1152 = vector.shape_cast %get3A_1151 : vector<1x1x16xf32> to vector<16xf32>
        %get3A_1153 = arith.constant 4 : i32
        %get3A_1154 = arith.index_cast %scan3A_16 : i32 to index
        %get3A_1155 = arith.index_cast %get3A_1153 : i32 to index
        %get3A_1156 = arith.constant 16 : index
        %get3A_1157 = tpu.vector_load %arg6[%get3A_1154, %get3A_1155, %get3A_1156] {strides = array<i32>} : memref<32x9x32xf32, #tpu.memory_space<vmem>>, vector<1x1x16xf32>,
        %get3A_1158 = vector.shape_cast %get3A_1157 : vector<1x1x16xf32> to vector<16xf32>
        %get3A_1159 = arith.constant 5 : i32
        %get3A_1160 = arith.index_cast %scan3A_16 : i32 to index
        %get3A_1161 = arith.index_cast %get3A_1159 : i32 to index
        %get3A_1162 = arith.constant 16 : index
        %get3A_1163 = tpu.vector_load %arg6[%get3A_1160, %get3A_1161, %get3A_1162] {strides = array<i32>} : memref<32x9x32xf32, #tpu.memory_space<vmem>>, vector<1x1x16xf32>,
        %get3A_1164 = vector.shape_cast %get3A_1163 : vector<1x1x16xf32> to vector<16xf32>
        %get3A_1165 = arith.constant 6 : i32
        %get3A_1166 = arith.index_cast %scan3A_16 : i32 to index
        %get3A_1167 = arith.index_cast %get3A_1165 : i32 to index
        %get3A_1168 = arith.constant 16 : index
        %get3A_1169 = tpu.vector_load %arg6[%get3A_1166, %get3A_1167, %get3A_1168] {strides = array<i32>} : memref<32x9x32xf32, #tpu.memory_space<vmem>>, vector<1x1x16xf32>,
        %get3A_1170 = vector.shape_cast %get3A_1169 : vector<1x1x16xf32> to vector<16xf32>
        %get3A_1171 = arith.constant 7 : i32
        %get3A_1172 = arith.index_cast %scan3A_16 : i32 to index
        %get3A_1173 = arith.index_cast %get3A_1171 : i32 to index
        %get3A_1174 = arith.constant 16 : index
        %get3A_1175 = tpu.vector_load %arg6[%get3A_1172, %get3A_1173, %get3A_1174] {strides = array<i32>} : memref<32x9x32xf32, #tpu.memory_space<vmem>>, vector<1x1x16xf32>,
        %get3A_1176 = vector.shape_cast %get3A_1175 : vector<1x1x16xf32> to vector<16xf32>
        %get3A_1177 = arith.constant 8 : i32
        %get3A_1178 = arith.index_cast %scan3A_16 : i32 to index
        %get3A_1179 = arith.index_cast %get3A_1177 : i32 to index
        %get3A_1180 = arith.constant 16 : index
        %get3A_1181 = tpu.vector_load %arg6[%get3A_1178, %get3A_1179, %get3A_1180] {strides = array<i32>} : memref<32x9x32xf32, #tpu.memory_space<vmem>>, vector<1x1x16xf32>,
        %get3A_1182 = vector.shape_cast %get3A_1181 : vector<1x1x16xf32> to vector<16xf32>
        %get3A_1183 = arith.constant 0 : i32
        %get3A_1184 = arith.index_cast %scan3A_16 : i32 to index
        %get3A_1185 = arith.index_cast %get3A_1183 : i32 to index
        %get3A_1186 = arith.constant 16 : index
        %get3A_1187 = tpu.vector_load %arg7[%get3A_1184, %get3A_1185, %get3A_1186] {strides = array<i32>} : memref<32x9x32xf32, #tpu.memory_space<vmem>>, vector<1x1x16xf32>,
        %get3A_1188 = vector.shape_cast %get3A_1187 : vector<1x1x16xf32> to vector<16xf32>
        %get3A_1189 = arith.constant 1 : i32
        %get3A_1190 = arith.index_cast %scan3A_16 : i32 to index
        %get3A_1191 = arith.index_cast %get3A_1189 : i32 to index
        %get3A_1192 = arith.constant 16 : index
        %get3A_1193 = tpu.vector_load %arg7[%get3A_1190, %get3A_1191, %get3A_1192] {strides = array<i32>} : memref<32x9x32xf32, #tpu.memory_space<vmem>>, vector<1x1x16xf32>,
        %get3A_1194 = vector.shape_cast %get3A_1193 : vector<1x1x16xf32> to vector<16xf32>
        %get3A_1195 = arith.constant 2 : i32
        %get3A_1196 = arith.index_cast %scan3A_16 : i32 to index
        %get3A_1197 = arith.index_cast %get3A_1195 : i32 to index
        %get3A_1198 = arith.constant 16 : index
        %get3A_1199 = tpu.vector_load %arg7[%get3A_1196, %get3A_1197, %get3A_1198] {strides = array<i32>} : memref<32x9x32xf32, #tpu.memory_space<vmem>>, vector<1x1x16xf32>,
        %get3A_1200 = vector.shape_cast %get3A_1199 : vector<1x1x16xf32> to vector<16xf32>
        %get3A_1201 = arith.constant 3 : i32
        %get3A_1202 = arith.index_cast %scan3A_16 : i32 to index
        %get3A_1203 = arith.index_cast %get3A_1201 : i32 to index
        %get3A_1204 = arith.constant 16 : index
        %get3A_1205 = tpu.vector_load %arg7[%get3A_1202, %get3A_1203, %get3A_1204] {strides = array<i32>} : memref<32x9x32xf32, #tpu.memory_space<vmem>>, vector<1x1x16xf32>,
        %get3A_1206 = vector.shape_cast %get3A_1205 : vector<1x1x16xf32> to vector<16xf32>
        %get3A_1207 = arith.constant 4 : i32
        %get3A_1208 = arith.index_cast %scan3A_16 : i32 to index
        %get3A_1209 = arith.index_cast %get3A_1207 : i32 to index
        %get3A_1210 = arith.constant 16 : index
        %get3A_1211 = tpu.vector_load %arg7[%get3A_1208, %get3A_1209, %get3A_1210] {strides = array<i32>} : memref<32x9x32xf32, #tpu.memory_space<vmem>>, vector<1x1x16xf32>,
        %get3A_1212 = vector.shape_cast %get3A_1211 : vector<1x1x16xf32> to vector<16xf32>
        %get3A_1213 = arith.constant 5 : i32
        %get3A_1214 = arith.index_cast %scan3A_16 : i32 to index
        %get3A_1215 = arith.index_cast %get3A_1213 : i32 to index
        %get3A_1216 = arith.constant 16 : index
        %get3A_1217 = tpu.vector_load %arg7[%get3A_1214, %get3A_1215, %get3A_1216] {strides = array<i32>} : memref<32x9x32xf32, #tpu.memory_space<vmem>>, vector<1x1x16xf32>,
        %get3A_1218 = vector.shape_cast %get3A_1217 : vector<1x1x16xf32> to vector<16xf32>
        %get3A_1219 = arith.constant 6 : i32
        %get3A_1220 = arith.index_cast %scan3A_16 : i32 to index
        %get3A_1221 = arith.index_cast %get3A_1219 : i32 to index
        %get3A_1222 = arith.constant 16 : index
        %get3A_1223 = tpu.vector_load %arg7[%get3A_1220, %get3A_1221, %get3A_1222] {strides = array<i32>} : memref<32x9x32xf32, #tpu.memory_space<vmem>>, vector<1x1x16xf32>,
        %get3A_1224 = vector.shape_cast %get3A_1223 : vector<1x1x16xf32> to vector<16xf32>
        %get3A_1225 = arith.constant 7 : i32
        %get3A_1226 = arith.index_cast %scan3A_16 : i32 to index
        %get3A_1227 = arith.index_cast %get3A_1225 : i32 to index
        %get3A_1228 = arith.constant 16 : index
        %get3A_1229 = tpu.vector_load %arg7[%get3A_1226, %get3A_1227, %get3A_1228] {strides = array<i32>} : memref<32x9x32xf32, #tpu.memory_space<vmem>>, vector<1x1x16xf32>,
        %get3A_1230 = vector.shape_cast %get3A_1229 : vector<1x1x16xf32> to vector<16xf32>
        %get3A_1231 = arith.constant 8 : i32
        %get3A_1232 = arith.index_cast %scan3A_16 : i32 to index
        %get3A_1233 = arith.index_cast %get3A_1231 : i32 to index
        %get3A_1234 = arith.constant 16 : index
        %get3A_1235 = tpu.vector_load %arg7[%get3A_1232, %get3A_1233, %get3A_1234] {strides = array<i32>} : memref<32x9x32xf32, #tpu.memory_space<vmem>>, vector<1x1x16xf32>,
        %get3A_1236 = vector.shape_cast %get3A_1235 : vector<1x1x16xf32> to vector<16xf32>
        %get3A_1237 = arith.constant 0 : i32
        %get3A_1238 = arith.index_cast %scan3A_16 : i32 to index
        %get3A_1239 = arith.index_cast %get3A_1237 : i32 to index
        %get3A_1240 = arith.constant 16 : index
        %get3A_1241 = tpu.vector_load %arg8[%get3A_1238, %get3A_1239, %get3A_1240] {strides = array<i32>} : memref<32x15x32xf32, #tpu.memory_space<vmem>>, vector<1x1x16xf32>,
        %get3A_1242 = vector.shape_cast %get3A_1241 : vector<1x1x16xf32> to vector<16xf32>
        %get3A_1243 = arith.constant 1 : i32
        %get3A_1244 = arith.index_cast %scan3A_16 : i32 to index
        %get3A_1245 = arith.index_cast %get3A_1243 : i32 to index
        %get3A_1246 = arith.constant 16 : index
        %get3A_1247 = tpu.vector_load %arg8[%get3A_1244, %get3A_1245, %get3A_1246] {strides = array<i32>} : memref<32x15x32xf32, #tpu.memory_space<vmem>>, vector<1x1x16xf32>,
        %get3A_1248 = vector.shape_cast %get3A_1247 : vector<1x1x16xf32> to vector<16xf32>
        %get3A_1249 = arith.constant 2 : i32
        %get3A_1250 = arith.index_cast %scan3A_16 : i32 to index
        %get3A_1251 = arith.index_cast %get3A_1249 : i32 to index
        %get3A_1252 = arith.constant 16 : index
        %get3A_1253 = tpu.vector_load %arg8[%get3A_1250, %get3A_1251, %get3A_1252] {strides = array<i32>} : memref<32x15x32xf32, #tpu.memory_space<vmem>>, vector<1x1x16xf32>,
        %get3A_1254 = vector.shape_cast %get3A_1253 : vector<1x1x16xf32> to vector<16xf32>
        %get3A_1255 = arith.constant 3 : i32
        %get3A_1256 = arith.index_cast %scan3A_16 : i32 to index
        %get3A_1257 = arith.index_cast %get3A_1255 : i32 to index
        %get3A_1258 = arith.constant 16 : index
        %get3A_1259 = tpu.vector_load %arg8[%get3A_1256, %get3A_1257, %get3A_1258] {strides = array<i32>} : memref<32x15x32xf32, #tpu.memory_space<vmem>>, vector<1x1x16xf32>,
        %get3A_1260 = vector.shape_cast %get3A_1259 : vector<1x1x16xf32> to vector<16xf32>
        %get3A_1261 = arith.constant 4 : i32
        %get3A_1262 = arith.index_cast %scan3A_16 : i32 to index
        %get3A_1263 = arith.index_cast %get3A_1261 : i32 to index
        %get3A_1264 = arith.constant 16 : index
        %get3A_1265 = tpu.vector_load %arg8[%get3A_1262, %get3A_1263, %get3A_1264] {strides = array<i32>} : memref<32x15x32xf32, #tpu.memory_space<vmem>>, vector<1x1x16xf32>,
        %get3A_1266 = vector.shape_cast %get3A_1265 : vector<1x1x16xf32> to vector<16xf32>
        %get3A_1267 = arith.constant 5 : i32
        %get3A_1268 = arith.index_cast %scan3A_16 : i32 to index
        %get3A_1269 = arith.index_cast %get3A_1267 : i32 to index
        %get3A_1270 = arith.constant 16 : index
        %get3A_1271 = tpu.vector_load %arg8[%get3A_1268, %get3A_1269, %get3A_1270] {strides = array<i32>} : memref<32x15x32xf32, #tpu.memory_space<vmem>>, vector<1x1x16xf32>,
        %get3A_1272 = vector.shape_cast %get3A_1271 : vector<1x1x16xf32> to vector<16xf32>
        %get3A_1273 = arith.constant 6 : i32
        %get3A_1274 = arith.index_cast %scan3A_16 : i32 to index
        %get3A_1275 = arith.index_cast %get3A_1273 : i32 to index
        %get3A_1276 = arith.constant 16 : index
        %get3A_1277 = tpu.vector_load %arg8[%get3A_1274, %get3A_1275, %get3A_1276] {strides = array<i32>} : memref<32x15x32xf32, #tpu.memory_space<vmem>>, vector<1x1x16xf32>,
        %get3A_1278 = vector.shape_cast %get3A_1277 : vector<1x1x16xf32> to vector<16xf32>
        %get3A_1279 = arith.constant 7 : i32
        %get3A_1280 = arith.index_cast %scan3A_16 : i32 to index
        %get3A_1281 = arith.index_cast %get3A_1279 : i32 to index
        %get3A_1282 = arith.constant 16 : index
        %get3A_1283 = tpu.vector_load %arg8[%get3A_1280, %get3A_1281, %get3A_1282] {strides = array<i32>} : memref<32x15x32xf32, #tpu.memory_space<vmem>>, vector<1x1x16xf32>,
        %get3A_1284 = vector.shape_cast %get3A_1283 : vector<1x1x16xf32> to vector<16xf32>
        %get3A_1285 = arith.constant 8 : i32
        %get3A_1286 = arith.index_cast %scan3A_16 : i32 to index
        %get3A_1287 = arith.index_cast %get3A_1285 : i32 to index
        %get3A_1288 = arith.constant 16 : index
        %get3A_1289 = tpu.vector_load %arg8[%get3A_1286, %get3A_1287, %get3A_1288] {strides = array<i32>} : memref<32x15x32xf32, #tpu.memory_space<vmem>>, vector<1x1x16xf32>,
        %get3A_1290 = vector.shape_cast %get3A_1289 : vector<1x1x16xf32> to vector<16xf32>
        %get3A_1291 = arith.constant 9 : i32
        %get3A_1292 = arith.index_cast %scan3A_16 : i32 to index
        %get3A_1293 = arith.index_cast %get3A_1291 : i32 to index
        %get3A_1294 = arith.constant 16 : index
        %get3A_1295 = tpu.vector_load %arg8[%get3A_1292, %get3A_1293, %get3A_1294] {strides = array<i32>} : memref<32x15x32xf32, #tpu.memory_space<vmem>>, vector<1x1x16xf32>,
        %get3A_1296 = vector.shape_cast %get3A_1295 : vector<1x1x16xf32> to vector<16xf32>
        %get3A_1297 = arith.constant 10 : i32
        %get3A_1298 = arith.index_cast %scan3A_16 : i32 to index
        %get3A_1299 = arith.index_cast %get3A_1297 : i32 to index
        %get3A_1300 = arith.constant 16 : index
        %get3A_1301 = tpu.vector_load %arg8[%get3A_1298, %get3A_1299, %get3A_1300] {strides = array<i32>} : memref<32x15x32xf32, #tpu.memory_space<vmem>>, vector<1x1x16xf32>,
        %get3A_1302 = vector.shape_cast %get3A_1301 : vector<1x1x16xf32> to vector<16xf32>
        %get3A_1303 = arith.constant 11 : i32
        %get3A_1304 = arith.index_cast %scan3A_16 : i32 to index
        %get3A_1305 = arith.index_cast %get3A_1303 : i32 to index
        %get3A_1306 = arith.constant 16 : index
        %get3A_1307 = tpu.vector_load %arg8[%get3A_1304, %get3A_1305, %get3A_1306] {strides = array<i32>} : memref<32x15x32xf32, #tpu.memory_space<vmem>>, vector<1x1x16xf32>,
        %get3A_1308 = vector.shape_cast %get3A_1307 : vector<1x1x16xf32> to vector<16xf32>
        %get3A_1309 = arith.constant 12 : i32
        %get3A_1310 = arith.index_cast %scan3A_16 : i32 to index
        %get3A_1311 = arith.index_cast %get3A_1309 : i32 to index
        %get3A_1312 = arith.constant 16 : index
        %get3A_1313 = tpu.vector_load %arg8[%get3A_1310, %get3A_1311, %get3A_1312] {strides = array<i32>} : memref<32x15x32xf32, #tpu.memory_space<vmem>>, vector<1x1x16xf32>,
        %get3A_1314 = vector.shape_cast %get3A_1313 : vector<1x1x16xf32> to vector<16xf32>
        %get3A_1315 = arith.constant 13 : i32
        %get3A_1316 = arith.index_cast %scan3A_16 : i32 to index
        %get3A_1317 = arith.index_cast %get3A_1315 : i32 to index
        %get3A_1318 = arith.constant 16 : index
        %get3A_1319 = tpu.vector_load %arg8[%get3A_1316, %get3A_1317, %get3A_1318] {strides = array<i32>} : memref<32x15x32xf32, #tpu.memory_space<vmem>>, vector<1x1x16xf32>,
        %get3A_1320 = vector.shape_cast %get3A_1319 : vector<1x1x16xf32> to vector<16xf32>
        %get3A_1321 = arith.constant 14 : i32
        %get3A_1322 = arith.index_cast %scan3A_16 : i32 to index
        %get3A_1323 = arith.index_cast %get3A_1321 : i32 to index
        %get3A_1324 = arith.constant 16 : index
        %get3A_1325 = tpu.vector_load %arg8[%get3A_1322, %get3A_1323, %get3A_1324] {strides = array<i32>} : memref<32x15x32xf32, #tpu.memory_space<vmem>>, vector<1x1x16xf32>,
        %get3A_1326 = vector.shape_cast %get3A_1325 : vector<1x1x16xf32> to vector<16xf32>
        %mul3A_1327 = arith.mulf %get3A_1134, %get3A_1188 : vector<16xf32>
        %mul3A_1328 = arith.constant 1.000000e+00 : f32
        %mul3A_1329 = vector.broadcast %mul3A_1328 : f32 to vector<16xf32>
        %mul3A_1330 = arith.mulf %mul3A_1327, %mul3A_1329 : vector<16xf32>
        %mul3A_1331 = arith.mulf %mul3A_1330, %get3A_1242 : vector<16xf32>
        %mul3A_1332 = arith.mulf %get3A_1140, %get3A_1194 : vector<16xf32>
        %mul3A_1333 = arith.constant 0.577350259 : f32
        %mul3A_1334 = vector.broadcast %mul3A_1333 : f32 to vector<16xf32>
        %mul3A_1335 = arith.mulf %mul3A_1332, %mul3A_1334 : vector<16xf32>
        %mul3A_1336 = arith.mulf %get3A_1152, %get3A_1206 : vector<16xf32>
        %mul3A_1337 = arith.constant -0.577350259 : f32
        %mul3A_1338 = vector.broadcast %mul3A_1337 : f32 to vector<16xf32>
        %mul3A_1339 = arith.mulf %mul3A_1336, %mul3A_1338 : vector<16xf32>
        %add3A_1340 = arith.addf %mul3A_1335, %mul3A_1339 : vector<16xf32>
        %mul3A_1341 = arith.mulf %add3A_1340, %get3A_1248 : vector<16xf32>
        %add3A_1342 = arith.addf %mul3A_1331, %mul3A_1341 : vector<16xf32>
        %mul3A_1343 = arith.mulf %get3A_1158, %get3A_1212 : vector<16xf32>
        %mul3A_1344 = arith.constant -0.44721359 : f32
        %mul3A_1345 = vector.broadcast %mul3A_1344 : f32 to vector<16xf32>
        %mul3A_1346 = arith.mulf %mul3A_1343, %mul3A_1345 : vector<16xf32>
        %mul3A_1347 = arith.mulf %get3A_1164, %get3A_1218 : vector<16xf32>
        %mul3A_1348 = arith.constant 0.44721359 : f32
        %mul3A_1349 = vector.broadcast %mul3A_1348 : f32 to vector<16xf32>
        %mul3A_1350 = arith.mulf %mul3A_1347, %mul3A_1349 : vector<16xf32>
        %add3A_1351 = arith.addf %mul3A_1346, %mul3A_1350 : vector<16xf32>
        %mul3A_1352 = arith.mulf %get3A_1176, %get3A_1230 : vector<16xf32>
        %mul3A_1353 = arith.constant -0.44721359 : f32
        %mul3A_1354 = vector.broadcast %mul3A_1353 : f32 to vector<16xf32>
        %mul3A_1355 = arith.mulf %mul3A_1352, %mul3A_1354 : vector<16xf32>
        %add3A_1356 = arith.addf %add3A_1351, %mul3A_1355 : vector<16xf32>
        %mul3A_1357 = arith.mulf %get3A_1182, %get3A_1236 : vector<16xf32>
        %mul3A_1358 = arith.constant 0.44721359 : f32
        %mul3A_1359 = vector.broadcast %mul3A_1358 : f32 to vector<16xf32>
        %mul3A_1360 = arith.mulf %mul3A_1357, %mul3A_1359 : vector<16xf32>
        %add3A_1361 = arith.addf %add3A_1356, %mul3A_1360 : vector<16xf32>
        %mul3A_1362 = arith.mulf %add3A_1361, %get3A_1254 : vector<16xf32>
        %add3A_1363 = arith.addf %add3A_1342, %mul3A_1362 : vector<16xf32>
        %swap3A_1364 = arith.constant 0 : i32
        %swap3A_1365 = arith.index_cast %scan3A_16 : i32 to index
        %swap3A_1366 = arith.index_cast %swap3A_1364 : i32 to index
        %swap3A_1367 = arith.constant 16 : index
        %swap3A_1368 = tpu.vector_load %arg9[%swap3A_1365, %swap3A_1366, %swap3A_1367] {strides = array<i32>} : memref<32x9x32xf32, #tpu.memory_space<vmem>>, vector<1x1x16xf32>,
        %swap3A_1369 = vector.shape_cast %swap3A_1368 : vector<1x1x16xf32> to vector<16xf32>
        %swap3A_1370 = vector.shape_cast %add3A_1363 : vector<16xf32> to vector<1x1x16xf32>
        tpu.vector_store %arg9[%swap3A_1365, %swap3A_1366, %swap3A_1367], %swap3A_1370 {strides = array<i32>} : memref<32x9x32xf32, #tpu.memory_space<vmem>>, vector<1x1x16xf32>,
        %mul3A_1371 = arith.mulf %get3A_1134, %get3A_1194 : vector<16xf32>
        %mul3A_1372 = arith.constant 1.000000e+00 : f32
        %mul3A_1373 = vector.broadcast %mul3A_1372 : f32 to vector<16xf32>
        %mul3A_1374 = arith.mulf %mul3A_1371, %mul3A_1373 : vector<16xf32>
        %mul3A_1375 = arith.mulf %mul3A_1374, %get3A_1260 : vector<16xf32>
        %mul3A_1376 = arith.mulf %get3A_1140, %get3A_1188 : vector<16xf32>
        %mul3A_1377 = arith.constant 1.000000e+00 : f32
        %mul3A_1378 = vector.broadcast %mul3A_1377 : f32 to vector<16xf32>
        %mul3A_1379 = arith.mulf %mul3A_1376, %mul3A_1378 : vector<16xf32>
        %mul3A_1380 = arith.mulf %mul3A_1379, %get3A_1266 : vector<16xf32>
        %add3A_1381 = arith.addf %mul3A_1375, %mul3A_1380 : vector<16xf32>
        %mul3A_1382 = arith.mulf %get3A_1146, %get3A_1206 : vector<16xf32>
        %mul3A_1383 = arith.constant -0.707106769 : f32
        %mul3A_1384 = vector.broadcast %mul3A_1383 : f32 to vector<16xf32>
        %mul3A_1385 = arith.mulf %mul3A_1382, %mul3A_1384 : vector<16xf32>
        %mul3A_1386 = arith.mulf %get3A_1152, %get3A_1200 : vector<16xf32>
        %mul3A_1387 = arith.constant 0.707106769 : f32
        %mul3A_1388 = vector.broadcast %mul3A_1387 : f32 to vector<16xf32>
        %mul3A_1389 = arith.mulf %mul3A_1386, %mul3A_1388 : vector<16xf32>
        %add3A_1390 = arith.addf %mul3A_1385, %mul3A_1389 : vector<16xf32>
        %mul3A_1391 = arith.mulf %add3A_1390, %get3A_1272 : vector<16xf32>
        %add3A_1392 = arith.addf %add3A_1381, %mul3A_1391 : vector<16xf32>
        %mul3A_1393 = arith.mulf %get3A_1140, %get3A_1212 : vector<16xf32>
        %mul3A_1394 = arith.constant -0.273861289 : f32
        %mul3A_1395 = vector.broadcast %mul3A_1394 : f32 to vector<16xf32>
        %mul3A_1396 = arith.mulf %mul3A_1393, %mul3A_1395 : vector<16xf32>
        %mul3A_1397 = arith.mulf %get3A_1140, %get3A_1224 : vector<16xf32>
        %mul3A_1398 = arith.constant -0.316227764 : f32
        %mul3A_1399 = vector.broadcast %mul3A_1398 : f32 to vector<16xf32>
        %mul3A_1400 = arith.mulf %mul3A_1397, %mul3A_1399 : vector<16xf32>
        %add3A_1401 = arith.addf %mul3A_1396, %mul3A_1400 : vector<16xf32>
        %mul3A_1402 = arith.mulf %get3A_1140, %get3A_1236 : vector<16xf32>
        %mul3A_1403 = arith.constant 0.273861289 : f32
        %mul3A_1404 = vector.broadcast %mul3A_1403 : f32 to vector<16xf32>
        %mul3A_1405 = arith.mulf %mul3A_1402, %mul3A_1404 : vector<16xf32>
        %add3A_1406 = arith.addf %add3A_1401, %mul3A_1405 : vector<16xf32>
        %mul3A_1407 = arith.mulf %get3A_1146, %get3A_1218 : vector<16xf32>
        %mul3A_1408 = arith.constant 0.547722578 : f32
        %mul3A_1409 = vector.broadcast %mul3A_1408 : f32 to vector<16xf32>
        %mul3A_1410 = arith.mulf %mul3A_1407, %mul3A_1409 : vector<16xf32>
        %add3A_1411 = arith.addf %add3A_1406, %mul3A_1410 : vector<16xf32>
        %mul3A_1412 = arith.mulf %get3A_1152, %get3A_1212 : vector<16xf32>
        %mul3A_1413 = arith.constant 0.273861289 : f32
        %mul3A_1414 = vector.broadcast %mul3A_1413 : f32 to vector<16xf32>
        %mul3A_1415 = arith.mulf %mul3A_1412, %mul3A_1414 : vector<16xf32>
        %add3A_1416 = arith.addf %add3A_1411, %mul3A_1415 : vector<16xf32>
        %mul3A_1417 = arith.mulf %get3A_1152, %get3A_1236 : vector<16xf32>
        %mul3A_1418 = arith.constant -0.273861289 : f32
        %mul3A_1419 = vector.broadcast %mul3A_1418 : f32 to vector<16xf32>
        %mul3A_1420 = arith.mulf %mul3A_1417, %mul3A_1419 : vector<16xf32>
        %add3A_1421 = arith.addf %add3A_1416, %mul3A_1420 : vector<16xf32>
        %mul3A_1422 = arith.mulf %add3A_1421, %get3A_1278 : vector<16xf32>
        %add3A_1423 = arith.addf %add3A_1392, %mul3A_1422 : vector<16xf32>
        %mul3A_1424 = arith.mulf %get3A_1158, %get3A_1194 : vector<16xf32>
        %mul3A_1425 = arith.constant -0.273861289 : f32
        %mul3A_1426 = vector.broadcast %mul3A_1425 : f32 to vector<16xf32>
        %mul3A_1427 = arith.mulf %mul3A_1424, %mul3A_1426 : vector<16xf32>
        %mul3A_1428 = arith.mulf %get3A_1158, %get3A_1206 : vector<16xf32>
        %mul3A_1429 = arith.constant 0.273861289 : f32
        %mul3A_1430 = vector.broadcast %mul3A_1429 : f32 to vector<16xf32>
        %mul3A_1431 = arith.mulf %mul3A_1428, %mul3A_1430 : vector<16xf32>
        %add3A_1432 = arith.addf %mul3A_1427, %mul3A_1431 : vector<16xf32>
        %mul3A_1433 = arith.mulf %get3A_1164, %get3A_1200 : vector<16xf32>
        %mul3A_1434 = arith.constant 0.547722578 : f32
        %mul3A_1435 = vector.broadcast %mul3A_1434 : f32 to vector<16xf32>
        %mul3A_1436 = arith.mulf %mul3A_1433, %mul3A_1435 : vector<16xf32>
        %add3A_1437 = arith.addf %add3A_1432, %mul3A_1436 : vector<16xf32>
        %mul3A_1438 = arith.mulf %get3A_1170, %get3A_1194 : vector<16xf32>
        %mul3A_1439 = arith.constant -0.316227764 : f32
        %mul3A_1440 = vector.broadcast %mul3A_1439 : f32 to vector<16xf32>
        %mul3A_1441 = arith.mulf %mul3A_1438, %mul3A_1440 : vector<16xf32>
        %add3A_1442 = arith.addf %add3A_1437, %mul3A_1441 : vector<16xf32>
        %mul3A_1443 = arith.mulf %get3A_1182, %get3A_1194 : vector<16xf32>
        %mul3A_1444 = arith.constant 0.273861289 : f32
        %mul3A_1445 = vector.broadcast %mul3A_1444 : f32 to vector<16xf32>
        %mul3A_1446 = arith.mulf %mul3A_1443, %mul3A_1445 : vector<16xf32>
        %add3A_1447 = arith.addf %add3A_1442, %mul3A_1446 : vector<16xf32>
        %mul3A_1448 = arith.mulf %get3A_1182, %get3A_1206 : vector<16xf32>
        %mul3A_1449 = arith.constant -0.273861289 : f32
        %mul3A_1450 = vector.broadcast %mul3A_1449 : f32 to vector<16xf32>
        %mul3A_1451 = arith.mulf %mul3A_1448, %mul3A_1450 : vector<16xf32>
        %add3A_1452 = arith.addf %add3A_1447, %mul3A_1451 : vector<16xf32>
        %mul3A_1453 = arith.mulf %add3A_1452, %get3A_1284 : vector<16xf32>
        %add3A_1454 = arith.addf %add3A_1423, %mul3A_1453 : vector<16xf32>
        %mul3A_1455 = arith.mulf %get3A_1158, %get3A_1218 : vector<16xf32>
        %mul3A_1456 = arith.constant -0.158113882 : f32
        %mul3A_1457 = vector.broadcast %mul3A_1456 : f32 to vector<16xf32>
        %mul3A_1458 = arith.mulf %mul3A_1455, %mul3A_1457 : vector<16xf32>
        %mul3A_1459 = arith.mulf %get3A_1158, %get3A_1230 : vector<16xf32>
        %mul3A_1460 = arith.constant 0.158113882 : f32
        %mul3A_1461 = vector.broadcast %mul3A_1460 : f32 to vector<16xf32>
        %mul3A_1462 = arith.mulf %mul3A_1459, %mul3A_1461 : vector<16xf32>
        %add3A_1463 = arith.addf %mul3A_1458, %mul3A_1462 : vector<16xf32>
        %mul3A_1464 = arith.mulf %get3A_1164, %get3A_1212 : vector<16xf32>
        %mul3A_1465 = arith.constant 0.158113882 : f32
        %mul3A_1466 = vector.broadcast %mul3A_1465 : f32 to vector<16xf32>
        %mul3A_1467 = arith.mulf %mul3A_1464, %mul3A_1466 : vector<16xf32>
        %add3A_1468 = arith.addf %add3A_1463, %mul3A_1467 : vector<16xf32>
        %mul3A_1469 = arith.mulf %get3A_1164, %get3A_1236 : vector<16xf32>
        %mul3A_1470 = arith.constant -0.158113882 : f32
        %mul3A_1471 = vector.broadcast %mul3A_1470 : f32 to vector<16xf32>
        %mul3A_1472 = arith.mulf %mul3A_1469, %mul3A_1471 : vector<16xf32>
        %add3A_1473 = arith.addf %add3A_1468, %mul3A_1472 : vector<16xf32>
        %mul3A_1474 = arith.mulf %get3A_1170, %get3A_1230 : vector<16xf32>
        %mul3A_1475 = arith.constant -0.547722578 : f32
        %mul3A_1476 = vector.broadcast %mul3A_1475 : f32 to vector<16xf32>
        %mul3A_1477 = arith.mulf %mul3A_1474, %mul3A_1476 : vector<16xf32>
        %add3A_1478 = arith.addf %add3A_1473, %mul3A_1477 : vector<16xf32>
        %mul3A_1479 = arith.mulf %get3A_1176, %get3A_1212 : vector<16xf32>
        %mul3A_1480 = arith.constant -0.158113882 : f32
        %mul3A_1481 = vector.broadcast %mul3A_1480 : f32 to vector<16xf32>
        %mul3A_1482 = arith.mulf %mul3A_1479, %mul3A_1481 : vector<16xf32>
        %add3A_1483 = arith.addf %add3A_1478, %mul3A_1482 : vector<16xf32>
        %mul3A_1484 = arith.mulf %get3A_1176, %get3A_1224 : vector<16xf32>
        %mul3A_1485 = arith.constant 0.547722578 : f32
        %mul3A_1486 = vector.broadcast %mul3A_1485 : f32 to vector<16xf32>
        %mul3A_1487 = arith.mulf %mul3A_1484, %mul3A_1486 : vector<16xf32>
        %add3A_1488 = arith.addf %add3A_1483, %mul3A_1487 : vector<16xf32>
        %mul3A_1489 = arith.mulf %get3A_1176, %get3A_1236 : vector<16xf32>
        %mul3A_1490 = arith.constant 0.158113882 : f32
        %mul3A_1491 = vector.broadcast %mul3A_1490 : f32 to vector<16xf32>
        %mul3A_1492 = arith.mulf %mul3A_1489, %mul3A_1491 : vector<16xf32>
        %add3A_1493 = arith.addf %add3A_1488, %mul3A_1492 : vector<16xf32>
        %mul3A_1494 = arith.mulf %get3A_1182, %get3A_1218 : vector<16xf32>
        %mul3A_1495 = arith.constant 0.158113882 : f32
        %mul3A_1496 = vector.broadcast %mul3A_1495 : f32 to vector<16xf32>
        %mul3A_1497 = arith.mulf %mul3A_1494, %mul3A_1496 : vector<16xf32>
        %add3A_1498 = arith.addf %add3A_1493, %mul3A_1497 : vector<16xf32>
        %mul3A_1499 = arith.mulf %get3A_1182, %get3A_1230 : vector<16xf32>
        %mul3A_1500 = arith.constant -0.158113882 : f32
        %mul3A_1501 = vector.broadcast %mul3A_1500 : f32 to vector<16xf32>
        %mul3A_1502 = arith.mulf %mul3A_1499, %mul3A_1501 : vector<16xf32>
        %add3A_1503 = arith.addf %add3A_1498, %mul3A_1502 : vector<16xf32>
        %mul3A_1504 = arith.mulf %add3A_1503, %get3A_1290 : vector<16xf32>
        %add3A_1505 = arith.addf %add3A_1454, %mul3A_1504 : vector<16xf32>
        %swap3A_1506 = arith.constant 1 : i32
        %swap3A_1507 = arith.index_cast %scan3A_16 : i32 to index
        %swap3A_1508 = arith.index_cast %swap3A_1506 : i32 to index
        %swap3A_1509 = arith.constant 16 : index
        %swap3A_1510 = tpu.vector_load %arg9[%swap3A_1507, %swap3A_1508, %swap3A_1509] {strides = array<i32>} : memref<32x9x32xf32, #tpu.memory_space<vmem>>, vector<1x1x16xf32>,
        %swap3A_1511 = vector.shape_cast %swap3A_1510 : vector<1x1x16xf32> to vector<16xf32>
        %swap3A_1512 = vector.shape_cast %add3A_1505 : vector<16xf32> to vector<1x1x16xf32>
        tpu.vector_store %arg9[%swap3A_1507, %swap3A_1508, %swap3A_1509], %swap3A_1512 {strides = array<i32>} : memref<32x9x32xf32, #tpu.memory_space<vmem>>, vector<1x1x16xf32>,
        %mul3A_1513 = arith.mulf %get3A_1134, %get3A_1200 : vector<16xf32>
        %mul3A_1514 = arith.constant 1.000000e+00 : f32
        %mul3A_1515 = vector.broadcast %mul3A_1514 : f32 to vector<16xf32>
        %mul3A_1516 = arith.mulf %mul3A_1513, %mul3A_1515 : vector<16xf32>
        %mul3A_1517 = arith.mulf %mul3A_1516, %get3A_1260 : vector<16xf32>
        %mul3A_1518 = arith.mulf %get3A_1146, %get3A_1188 : vector<16xf32>
        %mul3A_1519 = arith.constant 1.000000e+00 : f32
        %mul3A_1520 = vector.broadcast %mul3A_1519 : f32 to vector<16xf32>
        %mul3A_1521 = arith.mulf %mul3A_1518, %mul3A_1520 : vector<16xf32>
        %mul3A_1522 = arith.mulf %mul3A_1521, %get3A_1266 : vector<16xf32>
        %add3A_1523 = arith.addf %mul3A_1517, %mul3A_1522 : vector<16xf32>
        %mul3A_1524 = arith.mulf %get3A_1146, %get3A_1224 : vector<16xf32>
        %mul3A_1525 = arith.constant 0.632455527 : f32
        %mul3A_1526 = vector.broadcast %mul3A_1525 : f32 to vector<16xf32>
        %mul3A_1527 = arith.mulf %mul3A_1524, %mul3A_1526 : vector<16xf32>
        %mul3A_1528 = arith.mulf %mul3A_1527, %get3A_1278 : vector<16xf32>
        %add3A_1529 = arith.addf %add3A_1523, %mul3A_1528 : vector<16xf32>
        %mul3A_1530 = arith.mulf %get3A_1170, %get3A_1200 : vector<16xf32>
        %mul3A_1531 = arith.constant 0.632455527 : f32
        %mul3A_1532 = vector.broadcast %mul3A_1531 : f32 to vector<16xf32>
        %mul3A_1533 = arith.mulf %mul3A_1530, %mul3A_1532 : vector<16xf32>
        %mul3A_1534 = arith.mulf %mul3A_1533, %get3A_1284 : vector<16xf32>
        %add3A_1535 = arith.addf %add3A_1529, %mul3A_1534 : vector<16xf32>
        %swap3A_1536 = arith.constant 2 : i32
        %swap3A_1537 = arith.index_cast %scan3A_16 : i32 to index
        %swap3A_1538 = arith.index_cast %swap3A_1536 : i32 to index
        %swap3A_1539 = arith.constant 16 : index
        %swap3A_1540 = tpu.vector_load %arg9[%swap3A_1537, %swap3A_1538, %swap3A_1539] {strides = array<i32>} : memref<32x9x32xf32, #tpu.memory_space<vmem>>, vector<1x1x16xf32>,
        %swap3A_1541 = vector.shape_cast %swap3A_1540 : vector<1x1x16xf32> to vector<16xf32>
        %swap3A_1542 = vector.shape_cast %add3A_1535 : vector<16xf32> to vector<1x1x16xf32>
        tpu.vector_store %arg9[%swap3A_1537, %swap3A_1538, %swap3A_1539], %swap3A_1542 {strides = array<i32>} : memref<32x9x32xf32, #tpu.memory_space<vmem>>, vector<1x1x16xf32>,
        %mul3A_1543 = arith.mulf %get3A_1134, %get3A_1206 : vector<16xf32>
        %mul3A_1544 = arith.constant 1.000000e+00 : f32
        %mul3A_1545 = vector.broadcast %mul3A_1544 : f32 to vector<16xf32>
        %mul3A_1546 = arith.mulf %mul3A_1543, %mul3A_1545 : vector<16xf32>
        %mul3A_1547 = arith.mulf %mul3A_1546, %get3A_1260 : vector<16xf32>
        %mul3A_1548 = arith.mulf %get3A_1152, %get3A_1188 : vector<16xf32>
        %mul3A_1549 = arith.constant 1.000000e+00 : f32
        %mul3A_1550 = vector.broadcast %mul3A_1549 : f32 to vector<16xf32>
        %mul3A_1551 = arith.mulf %mul3A_1548, %mul3A_1550 : vector<16xf32>
        %mul3A_1552 = arith.mulf %mul3A_1551, %get3A_1266 : vector<16xf32>
        %add3A_1553 = arith.addf %mul3A_1547, %mul3A_1552 : vector<16xf32>
        %mul3A_1554 = arith.mulf %get3A_1140, %get3A_1200 : vector<16xf32>
        %mul3A_1555 = arith.constant 0.707106769 : f32
        %mul3A_1556 = vector.broadcast %mul3A_1555 : f32 to vector<16xf32>
        %mul3A_1557 = arith.mulf %mul3A_1554, %mul3A_1556 : vector<16xf32>
        %mul3A_1558 = arith.mulf %get3A_1146, %get3A_1194 : vector<16xf32>
        %mul3A_1559 = arith.constant -0.707106769 : f32
        %mul3A_1560 = vector.broadcast %mul3A_1559 : f32 to vector<16xf32>
        %mul3A_1561 = arith.mulf %mul3A_1558, %mul3A_1560 : vector<16xf32>
        %add3A_1562 = arith.addf %mul3A_1557, %mul3A_1561 : vector<16xf32>
        %mul3A_1563 = arith.mulf %add3A_1562, %get3A_1272 : vector<16xf32>
        %add3A_1564 = arith.addf %add3A_1553, %mul3A_1563 : vector<16xf32>
        %mul3A_1565 = arith.mulf %get3A_1140, %get3A_1212 : vector<16xf32>
        %mul3A_1566 = arith.constant -0.273861289 : f32
        %mul3A_1567 = vector.broadcast %mul3A_1566 : f32 to vector<16xf32>
        %mul3A_1568 = arith.mulf %mul3A_1565, %mul3A_1567 : vector<16xf32>
        %mul3A_1569 = arith.mulf %get3A_1140, %get3A_1236 : vector<16xf32>
        %mul3A_1570 = arith.constant 0.273861289 : f32
        %mul3A_1571 = vector.broadcast %mul3A_1570 : f32 to vector<16xf32>
        %mul3A_1572 = arith.mulf %mul3A_1569, %mul3A_1571 : vector<16xf32>
        %add3A_1573 = arith.addf %mul3A_1568, %mul3A_1572 : vector<16xf32>
        %mul3A_1574 = arith.mulf %get3A_1146, %get3A_1230 : vector<16xf32>
        %mul3A_1575 = arith.constant 0.547722578 : f32
        %mul3A_1576 = vector.broadcast %mul3A_1575 : f32 to vector<16xf32>
        %mul3A_1577 = arith.mulf %mul3A_1574, %mul3A_1576 : vector<16xf32>
        %add3A_1578 = arith.addf %add3A_1573, %mul3A_1577 : vector<16xf32>
        %mul3A_1579 = arith.mulf %get3A_1152, %get3A_1212 : vector<16xf32>
        %mul3A_1580 = arith.constant 0.273861289 : f32
        %mul3A_1581 = vector.broadcast %mul3A_1580 : f32 to vector<16xf32>
        %mul3A_1582 = arith.mulf %mul3A_1579, %mul3A_1581 : vector<16xf32>
        %add3A_1583 = arith.addf %add3A_1578, %mul3A_1582 : vector<16xf32>
        %mul3A_1584 = arith.mulf %get3A_1152, %get3A_1224 : vector<16xf32>
        %mul3A_1585 = arith.constant -0.316227764 : f32
        %mul3A_1586 = vector.broadcast %mul3A_1585 : f32 to vector<16xf32>
        %mul3A_1587 = arith.mulf %mul3A_1584, %mul3A_1586 : vector<16xf32>
        %add3A_1588 = arith.addf %add3A_1583, %mul3A_1587 : vector<16xf32>
        %mul3A_1589 = arith.mulf %get3A_1152, %get3A_1236 : vector<16xf32>
        %mul3A_1590 = arith.constant -0.273861289 : f32
        %mul3A_1591 = vector.broadcast %mul3A_1590 : f32 to vector<16xf32>
        %mul3A_1592 = arith.mulf %mul3A_1589, %mul3A_1591 : vector<16xf32>
        %add3A_1593 = arith.addf %add3A_1588, %mul3A_1592 : vector<16xf32>
        %mul3A_1594 = arith.mulf %add3A_1593, %get3A_1278 : vector<16xf32>
        %add3A_1595 = arith.addf %add3A_1564, %mul3A_1594 : vector<16xf32>
        %mul3A_1596 = arith.mulf %get3A_1158, %get3A_1194 : vector<16xf32>
        %mul3A_1597 = arith.constant -0.273861289 : f32
        %mul3A_1598 = vector.broadcast %mul3A_1597 : f32 to vector<16xf32>
        %mul3A_1599 = arith.mulf %mul3A_1596, %mul3A_1598 : vector<16xf32>
        %mul3A_1600 = arith.mulf %get3A_1158, %get3A_1206 : vector<16xf32>
        %mul3A_1601 = arith.constant 0.273861289 : f32
        %mul3A_1602 = vector.broadcast %mul3A_1601 : f32 to vector<16xf32>
        %mul3A_1603 = arith.mulf %mul3A_1600, %mul3A_1602 : vector<16xf32>
        %add3A_1604 = arith.addf %mul3A_1599, %mul3A_1603 : vector<16xf32>
        %mul3A_1605 = arith.mulf %get3A_1170, %get3A_1206 : vector<16xf32>
        %mul3A_1606 = arith.constant -0.316227764 : f32
        %mul3A_1607 = vector.broadcast %mul3A_1606 : f32 to vector<16xf32>
        %mul3A_1608 = arith.mulf %mul3A_1605, %mul3A_1607 : vector<16xf32>
        %add3A_1609 = arith.addf %add3A_1604, %mul3A_1608 : vector<16xf32>
        %mul3A_1610 = arith.mulf %get3A_1176, %get3A_1200 : vector<16xf32>
        %mul3A_1611 = arith.constant 0.547722578 : f32
        %mul3A_1612 = vector.broadcast %mul3A_1611 : f32 to vector<16xf32>
        %mul3A_1613 = arith.mulf %mul3A_1610, %mul3A_1612 : vector<16xf32>
        %add3A_1614 = arith.addf %add3A_1609, %mul3A_1613 : vector<16xf32>
        %mul3A_1615 = arith.mulf %get3A_1182, %get3A_1194 : vector<16xf32>
        %mul3A_1616 = arith.constant 0.273861289 : f32
        %mul3A_1617 = vector.broadcast %mul3A_1616 : f32 to vector<16xf32>
        %mul3A_1618 = arith.mulf %mul3A_1615, %mul3A_1617 : vector<16xf32>
        %add3A_1619 = arith.addf %add3A_1614, %mul3A_1618 : vector<16xf32>
        %mul3A_1620 = arith.mulf %get3A_1182, %get3A_1206 : vector<16xf32>
        %mul3A_1621 = arith.constant -0.273861289 : f32
        %mul3A_1622 = vector.broadcast %mul3A_1621 : f32 to vector<16xf32>
        %mul3A_1623 = arith.mulf %mul3A_1620, %mul3A_1622 : vector<16xf32>
        %add3A_1624 = arith.addf %add3A_1619, %mul3A_1623 : vector<16xf32>
        %mul3A_1625 = arith.mulf %add3A_1624, %get3A_1284 : vector<16xf32>
        %add3A_1626 = arith.addf %add3A_1595, %mul3A_1625 : vector<16xf32>
        %mul3A_1627 = arith.mulf %get3A_1158, %get3A_1218 : vector<16xf32>
        %mul3A_1628 = arith.constant -0.158113882 : f32
        %mul3A_1629 = vector.broadcast %mul3A_1628 : f32 to vector<16xf32>
        %mul3A_1630 = arith.mulf %mul3A_1627, %mul3A_1629 : vector<16xf32>
        %mul3A_1631 = arith.mulf %get3A_1158, %get3A_1230 : vector<16xf32>
        %mul3A_1632 = arith.constant 0.158113882 : f32
        %mul3A_1633 = vector.broadcast %mul3A_1632 : f32 to vector<16xf32>
        %mul3A_1634 = arith.mulf %mul3A_1631, %mul3A_1633 : vector<16xf32>
        %add3A_1635 = arith.addf %mul3A_1630, %mul3A_1634 : vector<16xf32>
        %mul3A_1636 = arith.mulf %get3A_1164, %get3A_1212 : vector<16xf32>
        %mul3A_1637 = arith.constant 0.158113882 : f32
        %mul3A_1638 = vector.broadcast %mul3A_1637 : f32 to vector<16xf32>
        %mul3A_1639 = arith.mulf %mul3A_1636, %mul3A_1638 : vector<16xf32>
        %add3A_1640 = arith.addf %add3A_1635, %mul3A_1639 : vector<16xf32>
        %mul3A_1641 = arith.mulf %get3A_1164, %get3A_1224 : vector<16xf32>
        %mul3A_1642 = arith.constant 0.547722578 : f32
        %mul3A_1643 = vector.broadcast %mul3A_1642 : f32 to vector<16xf32>
        %mul3A_1644 = arith.mulf %mul3A_1641, %mul3A_1643 : vector<16xf32>
        %add3A_1645 = arith.addf %add3A_1640, %mul3A_1644 : vector<16xf32>
        %mul3A_1646 = arith.mulf %get3A_1164, %get3A_1236 : vector<16xf32>
        %mul3A_1647 = arith.constant -0.158113882 : f32
        %mul3A_1648 = vector.broadcast %mul3A_1647 : f32 to vector<16xf32>
        %mul3A_1649 = arith.mulf %mul3A_1646, %mul3A_1648 : vector<16xf32>
        %add3A_1650 = arith.addf %add3A_1645, %mul3A_1649 : vector<16xf32>
        %mul3A_1651 = arith.mulf %get3A_1170, %get3A_1218 : vector<16xf32>
        %mul3A_1652 = arith.constant -0.547722578 : f32
        %mul3A_1653 = vector.broadcast %mul3A_1652 : f32 to vector<16xf32>
        %mul3A_1654 = arith.mulf %mul3A_1651, %mul3A_1653 : vector<16xf32>
        %add3A_1655 = arith.addf %add3A_1650, %mul3A_1654 : vector<16xf32>
        %mul3A_1656 = arith.mulf %get3A_1176, %get3A_1212 : vector<16xf32>
        %mul3A_1657 = arith.constant -0.158113882 : f32
        %mul3A_1658 = vector.broadcast %mul3A_1657 : f32 to vector<16xf32>
        %mul3A_1659 = arith.mulf %mul3A_1656, %mul3A_1658 : vector<16xf32>
        %add3A_1660 = arith.addf %add3A_1655, %mul3A_1659 : vector<16xf32>
        %mul3A_1661 = arith.mulf %get3A_1176, %get3A_1236 : vector<16xf32>
        %mul3A_1662 = arith.constant 0.158113882 : f32
        %mul3A_1663 = vector.broadcast %mul3A_1662 : f32 to vector<16xf32>
        %mul3A_1664 = arith.mulf %mul3A_1661, %mul3A_1663 : vector<16xf32>
        %add3A_1665 = arith.addf %add3A_1660, %mul3A_1664 : vector<16xf32>
        %mul3A_1666 = arith.mulf %get3A_1182, %get3A_1218 : vector<16xf32>
        %mul3A_1667 = arith.constant 0.158113882 : f32
        %mul3A_1668 = vector.broadcast %mul3A_1667 : f32 to vector<16xf32>
        %mul3A_1669 = arith.mulf %mul3A_1666, %mul3A_1668 : vector<16xf32>
        %add3A_1670 = arith.addf %add3A_1665, %mul3A_1669 : vector<16xf32>
        %mul3A_1671 = arith.mulf %get3A_1182, %get3A_1230 : vector<16xf32>
        %mul3A_1672 = arith.constant -0.158113882 : f32
        %mul3A_1673 = vector.broadcast %mul3A_1672 : f32 to vector<16xf32>
        %mul3A_1674 = arith.mulf %mul3A_1671, %mul3A_1673 : vector<16xf32>
        %add3A_1675 = arith.addf %add3A_1670, %mul3A_1674 : vector<16xf32>
        %mul3A_1676 = arith.mulf %add3A_1675, %get3A_1290 : vector<16xf32>
        %add3A_1677 = arith.addf %add3A_1626, %mul3A_1676 : vector<16xf32>
        %swap3A_1678 = arith.constant 3 : i32
        %swap3A_1679 = arith.index_cast %scan3A_16 : i32 to index
        %swap3A_1680 = arith.index_cast %swap3A_1678 : i32 to index
        %swap3A_1681 = arith.constant 16 : index
        %swap3A_1682 = tpu.vector_load %arg9[%swap3A_1679, %swap3A_1680, %swap3A_1681] {strides = array<i32>} : memref<32x9x32xf32, #tpu.memory_space<vmem>>, vector<1x1x16xf32>,
        %swap3A_1683 = vector.shape_cast %swap3A_1682 : vector<1x1x16xf32> to vector<16xf32>
        %swap3A_1684 = vector.shape_cast %add3A_1677 : vector<16xf32> to vector<1x1x16xf32>
        tpu.vector_store %arg9[%swap3A_1679, %swap3A_1680, %swap3A_1681], %swap3A_1684 {strides = array<i32>} : memref<32x9x32xf32, #tpu.memory_space<vmem>>, vector<1x1x16xf32>,
        %mul3A_1685 = arith.mulf %get3A_1134, %get3A_1212 : vector<16xf32>
        %mul3A_1686 = arith.constant 1.000000e+00 : f32
        %mul3A_1687 = vector.broadcast %mul3A_1686 : f32 to vector<16xf32>
        %mul3A_1688 = arith.mulf %mul3A_1685, %mul3A_1687 : vector<16xf32>
        %mul3A_1689 = arith.mulf %mul3A_1688, %get3A_1296 : vector<16xf32>
        %mul3A_1690 = arith.mulf %get3A_1140, %get3A_1194 : vector<16xf32>
        %mul3A_1691 = arith.constant 0.353553385 : f32
        %mul3A_1692 = vector.broadcast %mul3A_1691 : f32 to vector<16xf32>
        %mul3A_1693 = arith.mulf %mul3A_1690, %mul3A_1692 : vector<16xf32>
        %mul3A_1694 = arith.mulf %get3A_1140, %get3A_1206 : vector<16xf32>
        %mul3A_1695 = arith.constant -0.353553385 : f32
        %mul3A_1696 = vector.broadcast %mul3A_1695 : f32 to vector<16xf32>
        %mul3A_1697 = arith.mulf %mul3A_1694, %mul3A_1696 : vector<16xf32>
        %add3A_1698 = arith.addf %mul3A_1693, %mul3A_1697 : vector<16xf32>
        %mul3A_1699 = arith.mulf %get3A_1152, %get3A_1194 : vector<16xf32>
        %mul3A_1700 = arith.constant -0.353553385 : f32
        %mul3A_1701 = vector.broadcast %mul3A_1700 : f32 to vector<16xf32>
        %mul3A_1702 = arith.mulf %mul3A_1699, %mul3A_1701 : vector<16xf32>
        %add3A_1703 = arith.addf %add3A_1698, %mul3A_1702 : vector<16xf32>
        %mul3A_1704 = arith.mulf %get3A_1152, %get3A_1206 : vector<16xf32>
        %mul3A_1705 = arith.constant 0.353553385 : f32
        %mul3A_1706 = vector.broadcast %mul3A_1705 : f32 to vector<16xf32>
        %mul3A_1707 = arith.mulf %mul3A_1704, %mul3A_1706 : vector<16xf32>
        %add3A_1708 = arith.addf %add3A_1703, %mul3A_1707 : vector<16xf32>
        %mul3A_1709 = arith.mulf %add3A_1708, %get3A_1302 : vector<16xf32>
        %add3A_1710 = arith.addf %mul3A_1689, %mul3A_1709 : vector<16xf32>
        %mul3A_1711 = arith.mulf %get3A_1140, %get3A_1218 : vector<16xf32>
        %mul3A_1712 = arith.constant -0.204124153 : f32
        %mul3A_1713 = vector.broadcast %mul3A_1712 : f32 to vector<16xf32>
        %mul3A_1714 = arith.mulf %mul3A_1711, %mul3A_1713 : vector<16xf32>
        %mul3A_1715 = arith.mulf %get3A_1140, %get3A_1230 : vector<16xf32>
        %mul3A_1716 = arith.constant 0.204124153 : f32
        %mul3A_1717 = vector.broadcast %mul3A_1716 : f32 to vector<16xf32>
        %mul3A_1718 = arith.mulf %mul3A_1715, %mul3A_1717 : vector<16xf32>
        %add3A_1719 = arith.addf %mul3A_1714, %mul3A_1718 : vector<16xf32>
        %mul3A_1720 = arith.mulf %get3A_1146, %get3A_1236 : vector<16xf32>
        %mul3A_1721 = arith.constant 0.816496611 : f32
        %mul3A_1722 = vector.broadcast %mul3A_1721 : f32 to vector<16xf32>
        %mul3A_1723 = arith.mulf %mul3A_1720, %mul3A_1722 : vector<16xf32>
        %add3A_1724 = arith.addf %add3A_1719, %mul3A_1723 : vector<16xf32>
        %mul3A_1725 = arith.mulf %get3A_1152, %get3A_1218 : vector<16xf32>
        %mul3A_1726 = arith.constant 0.204124153 : f32
        %mul3A_1727 = vector.broadcast %mul3A_1726 : f32 to vector<16xf32>
        %mul3A_1728 = arith.mulf %mul3A_1725, %mul3A_1727 : vector<16xf32>
        %add3A_1729 = arith.addf %add3A_1724, %mul3A_1728 : vector<16xf32>
        %mul3A_1730 = arith.mulf %get3A_1152, %get3A_1230 : vector<16xf32>
        %mul3A_1731 = arith.constant -0.204124153 : f32
        %mul3A_1732 = vector.broadcast %mul3A_1731 : f32 to vector<16xf32>
        %mul3A_1733 = arith.mulf %mul3A_1730, %mul3A_1732 : vector<16xf32>
        %add3A_1734 = arith.addf %add3A_1729, %mul3A_1733 : vector<16xf32>
        %mul3A_1735 = arith.mulf %add3A_1734, %get3A_1308 : vector<16xf32>
        %add3A_1736 = arith.addf %add3A_1710, %mul3A_1735 : vector<16xf32>
        %mul3A_1737 = arith.mulf %get3A_1158, %get3A_1188 : vector<16xf32>
        %mul3A_1738 = arith.constant 1.000000e+00 : f32
        %mul3A_1739 = vector.broadcast %mul3A_1738 : f32 to vector<16xf32>
        %mul3A_1740 = arith.mulf %mul3A_1737, %mul3A_1739 : vector<16xf32>
        %mul3A_1741 = arith.mulf %mul3A_1740, %get3A_1314 : vector<16xf32>
        %add3A_1742 = arith.addf %add3A_1736, %mul3A_1741 : vector<16xf32>
        %mul3A_1743 = arith.mulf %get3A_1164, %get3A_1194 : vector<16xf32>
        %mul3A_1744 = arith.constant 0.204124153 : f32
        %mul3A_1745 = vector.broadcast %mul3A_1744 : f32 to vector<16xf32>
        %mul3A_1746 = arith.mulf %mul3A_1743, %mul3A_1745 : vector<16xf32>
        %mul3A_1747 = arith.mulf %get3A_1164, %get3A_1206 : vector<16xf32>
        %mul3A_1748 = arith.constant -0.204124153 : f32
        %mul3A_1749 = vector.broadcast %mul3A_1748 : f32 to vector<16xf32>
        %mul3A_1750 = arith.mulf %mul3A_1747, %mul3A_1749 : vector<16xf32>
        %add3A_1751 = arith.addf %mul3A_1746, %mul3A_1750 : vector<16xf32>
        %mul3A_1752 = arith.mulf %get3A_1176, %get3A_1194 : vector<16xf32>
        %mul3A_1753 = arith.constant -0.204124153 : f32
        %mul3A_1754 = vector.broadcast %mul3A_1753 : f32 to vector<16xf32>
        %mul3A_1755 = arith.mulf %mul3A_1752, %mul3A_1754 : vector<16xf32>
        %add3A_1756 = arith.addf %add3A_1751, %mul3A_1755 : vector<16xf32>
        %mul3A_1757 = arith.mulf %get3A_1176, %get3A_1206 : vector<16xf32>
        %mul3A_1758 = arith.constant 0.204124153 : f32
        %mul3A_1759 = vector.broadcast %mul3A_1758 : f32 to vector<16xf32>
        %mul3A_1760 = arith.mulf %mul3A_1757, %mul3A_1759 : vector<16xf32>
        %add3A_1761 = arith.addf %add3A_1756, %mul3A_1760 : vector<16xf32>
        %mul3A_1762 = arith.mulf %get3A_1182, %get3A_1200 : vector<16xf32>
        %mul3A_1763 = arith.constant -0.816496611 : f32
        %mul3A_1764 = vector.broadcast %mul3A_1763 : f32 to vector<16xf32>
        %mul3A_1765 = arith.mulf %mul3A_1762, %mul3A_1764 : vector<16xf32>
        %add3A_1766 = arith.addf %add3A_1761, %mul3A_1765 : vector<16xf32>
        %mul3A_1767 = arith.mulf %add3A_1766, %get3A_1320 : vector<16xf32>
        %add3A_1768 = arith.addf %add3A_1742, %mul3A_1767 : vector<16xf32>
        %mul3A_1769 = arith.mulf %get3A_1158, %get3A_1224 : vector<16xf32>
        %mul3A_1770 = arith.constant -0.534522474 : f32
        %mul3A_1771 = vector.broadcast %mul3A_1770 : f32 to vector<16xf32>
        %mul3A_1772 = arith.mulf %mul3A_1769, %mul3A_1771 : vector<16xf32>
        %mul3A_1773 = arith.mulf %get3A_1164, %get3A_1218 : vector<16xf32>
        %mul3A_1774 = arith.constant 0.231455028 : f32
        %mul3A_1775 = vector.broadcast %mul3A_1774 : f32 to vector<16xf32>
        %mul3A_1776 = arith.mulf %mul3A_1773, %mul3A_1775 : vector<16xf32>
        %add3A_1777 = arith.addf %mul3A_1772, %mul3A_1776 : vector<16xf32>
        %mul3A_1778 = arith.mulf %get3A_1164, %get3A_1230 : vector<16xf32>
        %mul3A_1779 = arith.constant -0.231455028 : f32
        %mul3A_1780 = vector.broadcast %mul3A_1779 : f32 to vector<16xf32>
        %mul3A_1781 = arith.mulf %mul3A_1778, %mul3A_1780 : vector<16xf32>
        %add3A_1782 = arith.addf %add3A_1777, %mul3A_1781 : vector<16xf32>
        %mul3A_1783 = arith.mulf %get3A_1170, %get3A_1212 : vector<16xf32>
        %mul3A_1784 = arith.constant -0.534522474 : f32
        %mul3A_1785 = vector.broadcast %mul3A_1784 : f32 to vector<16xf32>
        %mul3A_1786 = arith.mulf %mul3A_1783, %mul3A_1785 : vector<16xf32>
        %add3A_1787 = arith.addf %add3A_1782, %mul3A_1786 : vector<16xf32>
        %mul3A_1788 = arith.mulf %get3A_1176, %get3A_1218 : vector<16xf32>
        %mul3A_1789 = arith.constant -0.231455028 : f32
        %mul3A_1790 = vector.broadcast %mul3A_1789 : f32 to vector<16xf32>
        %mul3A_1791 = arith.mulf %mul3A_1788, %mul3A_1790 : vector<16xf32>
        %add3A_1792 = arith.addf %add3A_1787, %mul3A_1791 : vector<16xf32>
        %mul3A_1793 = arith.mulf %get3A_1176, %get3A_1230 : vector<16xf32>
        %mul3A_1794 = arith.constant 0.231455028 : f32
        %mul3A_1795 = vector.broadcast %mul3A_1794 : f32 to vector<16xf32>
        %mul3A_1796 = arith.mulf %mul3A_1793, %mul3A_1795 : vector<16xf32>
        %add3A_1797 = arith.addf %add3A_1792, %mul3A_1796 : vector<16xf32>
        %mul3A_1798 = arith.mulf %add3A_1797, %get3A_1326 : vector<16xf32>
        %add3A_1799 = arith.addf %add3A_1768, %mul3A_1798 : vector<16xf32>
        %swap3A_1800 = arith.constant 4 : i32
        %swap3A_1801 = arith.index_cast %scan3A_16 : i32 to index
        %swap3A_1802 = arith.index_cast %swap3A_1800 : i32 to index
        %swap3A_1803 = arith.constant 16 : index
        %swap3A_1804 = tpu.vector_load %arg9[%swap3A_1801, %swap3A_1802, %swap3A_1803] {strides = array<i32>} : memref<32x9x32xf32, #tpu.memory_space<vmem>>, vector<1x1x16xf32>,
        %swap3A_1805 = vector.shape_cast %swap3A_1804 : vector<1x1x16xf32> to vector<16xf32>
        %swap3A_1806 = vector.shape_cast %add3A_1799 : vector<16xf32> to vector<1x1x16xf32>
        tpu.vector_store %arg9[%swap3A_1801, %swap3A_1802, %swap3A_1803], %swap3A_1806 {strides = array<i32>} : memref<32x9x32xf32, #tpu.memory_space<vmem>>, vector<1x1x16xf32>,
        %mul3A_1807 = arith.mulf %get3A_1134, %get3A_1218 : vector<16xf32>
        %mul3A_1808 = arith.constant 1.000000e+00 : f32
        %mul3A_1809 = vector.broadcast %mul3A_1808 : f32 to vector<16xf32>
        %mul3A_1810 = arith.mulf %mul3A_1807, %mul3A_1809 : vector<16xf32>
        %mul3A_1811 = arith.mulf %mul3A_1810, %get3A_1296 : vector<16xf32>
        %mul3A_1812 = arith.mulf %get3A_1140, %get3A_1200 : vector<16xf32>
        %mul3A_1813 = arith.constant 0.707106769 : f32
        %mul3A_1814 = vector.broadcast %mul3A_1813 : f32 to vector<16xf32>
        %mul3A_1815 = arith.mulf %mul3A_1812, %mul3A_1814 : vector<16xf32>
        %mul3A_1816 = arith.mulf %get3A_1146, %get3A_1194 : vector<16xf32>
        %mul3A_1817 = arith.constant 0.707106769 : f32
        %mul3A_1818 = vector.broadcast %mul3A_1817 : f32 to vector<16xf32>
        %mul3A_1819 = arith.mulf %mul3A_1816, %mul3A_1818 : vector<16xf32>
        %add3A_1820 = arith.addf %mul3A_1815, %mul3A_1819 : vector<16xf32>
        %mul3A_1821 = arith.mulf %add3A_1820, %get3A_1302 : vector<16xf32>
        %add3A_1822 = arith.addf %mul3A_1811, %mul3A_1821 : vector<16xf32>
        %mul3A_1823 = arith.mulf %get3A_1140, %get3A_1212 : vector<16xf32>
        %mul3A_1824 = arith.constant -0.204124153 : f32
        %mul3A_1825 = vector.broadcast %mul3A_1824 : f32 to vector<16xf32>
        %mul3A_1826 = arith.mulf %mul3A_1823, %mul3A_1825 : vector<16xf32>
        %mul3A_1827 = arith.mulf %get3A_1140, %get3A_1236 : vector<16xf32>
        %mul3A_1828 = arith.constant 0.204124153 : f32
        %mul3A_1829 = vector.broadcast %mul3A_1828 : f32 to vector<16xf32>
        %mul3A_1830 = arith.mulf %mul3A_1827, %mul3A_1829 : vector<16xf32>
        %add3A_1831 = arith.addf %mul3A_1826, %mul3A_1830 : vector<16xf32>
        %mul3A_1832 = arith.mulf %get3A_1146, %get3A_1230 : vector<16xf32>
        %mul3A_1833 = arith.constant -0.408248305 : f32
        %mul3A_1834 = vector.broadcast %mul3A_1833 : f32 to vector<16xf32>
        %mul3A_1835 = arith.mulf %mul3A_1832, %mul3A_1834 : vector<16xf32>
        %add3A_1836 = arith.addf %add3A_1831, %mul3A_1835 : vector<16xf32>
        %mul3A_1837 = arith.mulf %get3A_1152, %get3A_1212 : vector<16xf32>
        %mul3A_1838 = arith.constant 0.204124153 : f32
        %mul3A_1839 = vector.broadcast %mul3A_1838 : f32 to vector<16xf32>
        %mul3A_1840 = arith.mulf %mul3A_1837, %mul3A_1839 : vector<16xf32>
        %add3A_1841 = arith.addf %add3A_1836, %mul3A_1840 : vector<16xf32>
        %mul3A_1842 = arith.mulf %get3A_1152, %get3A_1224 : vector<16xf32>
        %mul3A_1843 = arith.constant 0.707106769 : f32
        %mul3A_1844 = vector.broadcast %mul3A_1843 : f32 to vector<16xf32>
        %mul3A_1845 = arith.mulf %mul3A_1842, %mul3A_1844 : vector<16xf32>
        %add3A_1846 = arith.addf %add3A_1841, %mul3A_1845 : vector<16xf32>
        %mul3A_1847 = arith.mulf %get3A_1152, %get3A_1236 : vector<16xf32>
        %mul3A_1848 = arith.constant -0.204124153 : f32
        %mul3A_1849 = vector.broadcast %mul3A_1848 : f32 to vector<16xf32>
        %mul3A_1850 = arith.mulf %mul3A_1847, %mul3A_1849 : vector<16xf32>
        %add3A_1851 = arith.addf %add3A_1846, %mul3A_1850 : vector<16xf32>
        %mul3A_1852 = arith.mulf %add3A_1851, %get3A_1308 : vector<16xf32>
        %add3A_1853 = arith.addf %add3A_1822, %mul3A_1852 : vector<16xf32>
        %mul3A_1854 = arith.mulf %get3A_1164, %get3A_1188 : vector<16xf32>
        %mul3A_1855 = arith.constant 1.000000e+00 : f32
        %mul3A_1856 = vector.broadcast %mul3A_1855 : f32 to vector<16xf32>
        %mul3A_1857 = arith.mulf %mul3A_1854, %mul3A_1856 : vector<16xf32>
        %mul3A_1858 = arith.mulf %mul3A_1857, %get3A_1314 : vector<16xf32>
        %add3A_1859 = arith.addf %add3A_1853, %mul3A_1858 : vector<16xf32>
        %mul3A_1860 = arith.mulf %get3A_1158, %get3A_1194 : vector<16xf32>
        %mul3A_1861 = arith.constant 0.204124153 : f32
        %mul3A_1862 = vector.broadcast %mul3A_1861 : f32 to vector<16xf32>
        %mul3A_1863 = arith.mulf %mul3A_1860, %mul3A_1862 : vector<16xf32>
        %mul3A_1864 = arith.mulf %get3A_1158, %get3A_1206 : vector<16xf32>
        %mul3A_1865 = arith.constant -0.204124153 : f32
        %mul3A_1866 = vector.broadcast %mul3A_1865 : f32 to vector<16xf32>
        %mul3A_1867 = arith.mulf %mul3A_1864, %mul3A_1866 : vector<16xf32>
        %add3A_1868 = arith.addf %mul3A_1863, %mul3A_1867 : vector<16xf32>
        %mul3A_1869 = arith.mulf %get3A_1170, %get3A_1206 : vector<16xf32>
        %mul3A_1870 = arith.constant -0.707106769 : f32
        %mul3A_1871 = vector.broadcast %mul3A_1870 : f32 to vector<16xf32>
        %mul3A_1872 = arith.mulf %mul3A_1869, %mul3A_1871 : vector<16xf32>
        %add3A_1873 = arith.addf %add3A_1868, %mul3A_1872 : vector<16xf32>
        %mul3A_1874 = arith.mulf %get3A_1176, %get3A_1200 : vector<16xf32>
        %mul3A_1875 = arith.constant 0.408248305 : f32
        %mul3A_1876 = vector.broadcast %mul3A_1875 : f32 to vector<16xf32>
        %mul3A_1877 = arith.mulf %mul3A_1874, %mul3A_1876 : vector<16xf32>
        %add3A_1878 = arith.addf %add3A_1873, %mul3A_1877 : vector<16xf32>
        %mul3A_1879 = arith.mulf %get3A_1182, %get3A_1194 : vector<16xf32>
        %mul3A_1880 = arith.constant -0.204124153 : f32
        %mul3A_1881 = vector.broadcast %mul3A_1880 : f32 to vector<16xf32>
        %mul3A_1882 = arith.mulf %mul3A_1879, %mul3A_1881 : vector<16xf32>
        %add3A_1883 = arith.addf %add3A_1878, %mul3A_1882 : vector<16xf32>
        %mul3A_1884 = arith.mulf %get3A_1182, %get3A_1206 : vector<16xf32>
        %mul3A_1885 = arith.constant 0.204124153 : f32
        %mul3A_1886 = vector.broadcast %mul3A_1885 : f32 to vector<16xf32>
        %mul3A_1887 = arith.mulf %mul3A_1884, %mul3A_1886 : vector<16xf32>
        %add3A_1888 = arith.addf %add3A_1883, %mul3A_1887 : vector<16xf32>
        %mul3A_1889 = arith.mulf %add3A_1888, %get3A_1320 : vector<16xf32>
        %add3A_1890 = arith.addf %add3A_1859, %mul3A_1889 : vector<16xf32>
        %mul3A_1891 = arith.mulf %get3A_1158, %get3A_1218 : vector<16xf32>
        %mul3A_1892 = arith.constant -0.231455028 : f32
        %mul3A_1893 = vector.broadcast %mul3A_1892 : f32 to vector<16xf32>
        %mul3A_1894 = arith.mulf %mul3A_1891, %mul3A_1893 : vector<16xf32>
        %mul3A_1895 = arith.mulf %get3A_1158, %get3A_1230 : vector<16xf32>
        %mul3A_1896 = arith.constant 0.231455028 : f32
        %mul3A_1897 = vector.broadcast %mul3A_1896 : f32 to vector<16xf32>
        %mul3A_1898 = arith.mulf %mul3A_1895, %mul3A_1897 : vector<16xf32>
        %add3A_1899 = arith.addf %mul3A_1894, %mul3A_1898 : vector<16xf32>
        %mul3A_1900 = arith.mulf %get3A_1164, %get3A_1212 : vector<16xf32>
        %mul3A_1901 = arith.constant -0.231455028 : f32
        %mul3A_1902 = vector.broadcast %mul3A_1901 : f32 to vector<16xf32>
        %mul3A_1903 = arith.mulf %mul3A_1900, %mul3A_1902 : vector<16xf32>
        %add3A_1904 = arith.addf %add3A_1899, %mul3A_1903 : vector<16xf32>
        %mul3A_1905 = arith.mulf %get3A_1164, %get3A_1224 : vector<16xf32>
        %mul3A_1906 = arith.constant 0.267261237 : f32
        %mul3A_1907 = vector.broadcast %mul3A_1906 : f32 to vector<16xf32>
        %mul3A_1908 = arith.mulf %mul3A_1905, %mul3A_1907 : vector<16xf32>
        %add3A_1909 = arith.addf %add3A_1904, %mul3A_1908 : vector<16xf32>
        %mul3A_1910 = arith.mulf %get3A_1164, %get3A_1236 : vector<16xf32>
        %mul3A_1911 = arith.constant 0.231455028 : f32
        %mul3A_1912 = vector.broadcast %mul3A_1911 : f32 to vector<16xf32>
        %mul3A_1913 = arith.mulf %mul3A_1910, %mul3A_1912 : vector<16xf32>
        %add3A_1914 = arith.addf %add3A_1909, %mul3A_1913 : vector<16xf32>
        %mul3A_1915 = arith.mulf %get3A_1170, %get3A_1218 : vector<16xf32>
        %mul3A_1916 = arith.constant 0.267261237 : f32
        %mul3A_1917 = vector.broadcast %mul3A_1916 : f32 to vector<16xf32>
        %mul3A_1918 = arith.mulf %mul3A_1915, %mul3A_1917 : vector<16xf32>
        %add3A_1919 = arith.addf %add3A_1914, %mul3A_1918 : vector<16xf32>
        %mul3A_1920 = arith.mulf %get3A_1176, %get3A_1212 : vector<16xf32>
        %mul3A_1921 = arith.constant 0.231455028 : f32
        %mul3A_1922 = vector.broadcast %mul3A_1921 : f32 to vector<16xf32>
        %mul3A_1923 = arith.mulf %mul3A_1920, %mul3A_1922 : vector<16xf32>
        %add3A_1924 = arith.addf %add3A_1919, %mul3A_1923 : vector<16xf32>
        %mul3A_1925 = arith.mulf %get3A_1176, %get3A_1236 : vector<16xf32>
        %mul3A_1926 = arith.constant -0.231455028 : f32
        %mul3A_1927 = vector.broadcast %mul3A_1926 : f32 to vector<16xf32>
        %mul3A_1928 = arith.mulf %mul3A_1925, %mul3A_1927 : vector<16xf32>
        %add3A_1929 = arith.addf %add3A_1924, %mul3A_1928 : vector<16xf32>
        %mul3A_1930 = arith.mulf %get3A_1182, %get3A_1218 : vector<16xf32>
        %mul3A_1931 = arith.constant 0.231455028 : f32
        %mul3A_1932 = vector.broadcast %mul3A_1931 : f32 to vector<16xf32>
        %mul3A_1933 = arith.mulf %mul3A_1930, %mul3A_1932 : vector<16xf32>
        %add3A_1934 = arith.addf %add3A_1929, %mul3A_1933 : vector<16xf32>
        %mul3A_1935 = arith.mulf %get3A_1182, %get3A_1230 : vector<16xf32>
        %mul3A_1936 = arith.constant -0.231455028 : f32
        %mul3A_1937 = vector.broadcast %mul3A_1936 : f32 to vector<16xf32>
        %mul3A_1938 = arith.mulf %mul3A_1935, %mul3A_1937 : vector<16xf32>
        %add3A_1939 = arith.addf %add3A_1934, %mul3A_1938 : vector<16xf32>
        %mul3A_1940 = arith.mulf %add3A_1939, %get3A_1326 : vector<16xf32>
        %add3A_1941 = arith.addf %add3A_1890, %mul3A_1940 : vector<16xf32>
        %swap3A_1942 = arith.constant 5 : i32
        %swap3A_1943 = arith.index_cast %scan3A_16 : i32 to index
        %swap3A_1944 = arith.index_cast %swap3A_1942 : i32 to index
        %swap3A_1945 = arith.constant 16 : index
        %swap3A_1946 = tpu.vector_load %arg9[%swap3A_1943, %swap3A_1944, %swap3A_1945] {strides = array<i32>} : memref<32x9x32xf32, #tpu.memory_space<vmem>>, vector<1x1x16xf32>,
        %swap3A_1947 = vector.shape_cast %swap3A_1946 : vector<1x1x16xf32> to vector<16xf32>
        %swap3A_1948 = vector.shape_cast %add3A_1941 : vector<16xf32> to vector<1x1x16xf32>
        tpu.vector_store %arg9[%swap3A_1943, %swap3A_1944, %swap3A_1945], %swap3A_1948 {strides = array<i32>} : memref<32x9x32xf32, #tpu.memory_space<vmem>>, vector<1x1x16xf32>,
        %mul3A_1949 = arith.mulf %get3A_1134, %get3A_1224 : vector<16xf32>
        %mul3A_1950 = arith.constant 1.000000e+00 : f32
        %mul3A_1951 = vector.broadcast %mul3A_1950 : f32 to vector<16xf32>
        %mul3A_1952 = arith.mulf %mul3A_1949, %mul3A_1951 : vector<16xf32>
        %mul3A_1953 = arith.mulf %mul3A_1952, %get3A_1296 : vector<16xf32>
        %mul3A_1954 = arith.mulf %get3A_1146, %get3A_1200 : vector<16xf32>
        %mul3A_1955 = arith.constant 0.816496611 : f32
        %mul3A_1956 = vector.broadcast %mul3A_1955 : f32 to vector<16xf32>
        %mul3A_1957 = arith.mulf %mul3A_1954, %mul3A_1956 : vector<16xf32>
        %mul3A_1958 = arith.mulf %mul3A_1957, %get3A_1302 : vector<16xf32>
        %add3A_1959 = arith.addf %mul3A_1953, %mul3A_1958 : vector<16xf32>
        %mul3A_1960 = arith.mulf %get3A_1170, %get3A_1188 : vector<16xf32>
        %mul3A_1961 = arith.constant 1.000000e+00 : f32
        %mul3A_1962 = vector.broadcast %mul3A_1961 : f32 to vector<16xf32>
        %mul3A_1963 = arith.mulf %mul3A_1960, %mul3A_1962 : vector<16xf32>
        %mul3A_1964 = arith.mulf %mul3A_1963, %get3A_1314 : vector<16xf32>
        %add3A_1965 = arith.addf %add3A_1959, %mul3A_1964 : vector<16xf32>
        %mul3A_1966 = arith.mulf %get3A_1170, %get3A_1224 : vector<16xf32>
        %mul3A_1967 = arith.constant 0.534522474 : f32
        %mul3A_1968 = vector.broadcast %mul3A_1967 : f32 to vector<16xf32>
        %mul3A_1969 = arith.mulf %mul3A_1966, %mul3A_1968 : vector<16xf32>
        %mul3A_1970 = arith.mulf %mul3A_1969, %get3A_1326 : vector<16xf32>
        %add3A_1971 = arith.addf %add3A_1965, %mul3A_1970 : vector<16xf32>
        %swap3A_1972 = arith.constant 6 : i32
        %swap3A_1973 = arith.index_cast %scan3A_16 : i32 to index
        %swap3A_1974 = arith.index_cast %swap3A_1972 : i32 to index
        %swap3A_1975 = arith.constant 16 : index
        %swap3A_1976 = tpu.vector_load %arg9[%swap3A_1973, %swap3A_1974, %swap3A_1975] {strides = array<i32>} : memref<32x9x32xf32, #tpu.memory_space<vmem>>, vector<1x1x16xf32>,
        %swap3A_1977 = vector.shape_cast %swap3A_1976 : vector<1x1x16xf32> to vector<16xf32>
        %swap3A_1978 = vector.shape_cast %add3A_1971 : vector<16xf32> to vector<1x1x16xf32>
        tpu.vector_store %arg9[%swap3A_1973, %swap3A_1974, %swap3A_1975], %swap3A_1978 {strides = array<i32>} : memref<32x9x32xf32, #tpu.memory_space<vmem>>, vector<1x1x16xf32>,
        %mul3A_1979 = arith.mulf %get3A_1134, %get3A_1230 : vector<16xf32>
        %mul3A_1980 = arith.constant 1.000000e+00 : f32
        %mul3A_1981 = vector.broadcast %mul3A_1980 : f32 to vector<16xf32>
        %mul3A_1982 = arith.mulf %mul3A_1979, %mul3A_1981 : vector<16xf32>
        %mul3A_1983 = arith.mulf %mul3A_1982, %get3A_1296 : vector<16xf32>
        %mul3A_1984 = arith.mulf %get3A_1146, %get3A_1206 : vector<16xf32>
        %mul3A_1985 = arith.constant 0.707106769 : f32
        %mul3A_1986 = vector.broadcast %mul3A_1985 : f32 to vector<16xf32>
        %mul3A_1987 = arith.mulf %mul3A_1984, %mul3A_1986 : vector<16xf32>
        %mul3A_1988 = arith.mulf %get3A_1152, %get3A_1200 : vector<16xf32>
        %mul3A_1989 = arith.constant 0.707106769 : f32
        %mul3A_1990 = vector.broadcast %mul3A_1989 : f32 to vector<16xf32>
        %mul3A_1991 = arith.mulf %mul3A_1988, %mul3A_1990 : vector<16xf32>
        %add3A_1992 = arith.addf %mul3A_1987, %mul3A_1991 : vector<16xf32>
        %mul3A_1993 = arith.mulf %add3A_1992, %get3A_1302 : vector<16xf32>
        %add3A_1994 = arith.addf %mul3A_1983, %mul3A_1993 : vector<16xf32>
        %mul3A_1995 = arith.mulf %get3A_1140, %get3A_1212 : vector<16xf32>
        %mul3A_1996 = arith.constant -0.204124153 : f32
        %mul3A_1997 = vector.broadcast %mul3A_1996 : f32 to vector<16xf32>
        %mul3A_1998 = arith.mulf %mul3A_1995, %mul3A_1997 : vector<16xf32>
        %mul3A_1999 = arith.mulf %get3A_1140, %get3A_1224 : vector<16xf32>
        %mul3A_2000 = arith.constant 0.707106769 : f32
        %mul3A_2001 = vector.broadcast %mul3A_2000 : f32 to vector<16xf32>
        %mul3A_2002 = arith.mulf %mul3A_1999, %mul3A_2001 : vector<16xf32>
        %add3A_2003 = arith.addf %mul3A_1998, %mul3A_2002 : vector<16xf32>
        %mul3A_2004 = arith.mulf %get3A_1140, %get3A_1236 : vector<16xf32>
        %mul3A_2005 = arith.constant 0.204124153 : f32
        %mul3A_2006 = vector.broadcast %mul3A_2005 : f32 to vector<16xf32>
        %mul3A_2007 = arith.mulf %mul3A_2004, %mul3A_2006 : vector<16xf32>
        %add3A_2008 = arith.addf %add3A_2003, %mul3A_2007 : vector<16xf32>
        %mul3A_2009 = arith.mulf %get3A_1146, %get3A_1218 : vector<16xf32>
        %mul3A_2010 = arith.constant -0.408248305 : f32
        %mul3A_2011 = vector.broadcast %mul3A_2010 : f32 to vector<16xf32>
        %mul3A_2012 = arith.mulf %mul3A_2009, %mul3A_2011 : vector<16xf32>
        %add3A_2013 = arith.addf %add3A_2008, %mul3A_2012 : vector<16xf32>
        %mul3A_2014 = arith.mulf %get3A_1152, %get3A_1212 : vector<16xf32>
        %mul3A_2015 = arith.constant 0.204124153 : f32
        %mul3A_2016 = vector.broadcast %mul3A_2015 : f32 to vector<16xf32>
        %mul3A_2017 = arith.mulf %mul3A_2014, %mul3A_2016 : vector<16xf32>
        %add3A_2018 = arith.addf %add3A_2013, %mul3A_2017 : vector<16xf32>
        %mul3A_2019 = arith.mulf %get3A_1152, %get3A_1236 : vector<16xf32>
        %mul3A_2020 = arith.constant -0.204124153 : f32
        %mul3A_2021 = vector.broadcast %mul3A_2020 : f32 to vector<16xf32>
        %mul3A_2022 = arith.mulf %mul3A_2019, %mul3A_2021 : vector<16xf32>
        %add3A_2023 = arith.addf %add3A_2018, %mul3A_2022 : vector<16xf32>
        %mul3A_2024 = arith.mulf %add3A_2023, %get3A_1308 : vector<16xf32>
        %add3A_2025 = arith.addf %add3A_1994, %mul3A_2024 : vector<16xf32>
        %mul3A_2026 = arith.mulf %get3A_1176, %get3A_1188 : vector<16xf32>
        %mul3A_2027 = arith.constant 1.000000e+00 : f32
        %mul3A_2028 = vector.broadcast %mul3A_2027 : f32 to vector<16xf32>
        %mul3A_2029 = arith.mulf %mul3A_2026, %mul3A_2028 : vector<16xf32>
        %mul3A_2030 = arith.mulf %mul3A_2029, %get3A_1314 : vector<16xf32>
        %add3A_2031 = arith.addf %add3A_2025, %mul3A_2030 : vector<16xf32>
        %mul3A_2032 = arith.mulf %get3A_1158, %get3A_1194 : vector<16xf32>
        %mul3A_2033 = arith.constant 0.204124153 : f32
        %mul3A_2034 = vector.broadcast %mul3A_2033 : f32 to vector<16xf32>
        %mul3A_2035 = arith.mulf %mul3A_2032, %mul3A_2034 : vector<16xf32>
        %mul3A_2036 = arith.mulf %get3A_1158, %get3A_1206 : vector<16xf32>
        %mul3A_2037 = arith.constant -0.204124153 : f32
        %mul3A_2038 = vector.broadcast %mul3A_2037 : f32 to vector<16xf32>
        %mul3A_2039 = arith.mulf %mul3A_2036, %mul3A_2038 : vector<16xf32>
        %add3A_2040 = arith.addf %mul3A_2035, %mul3A_2039 : vector<16xf32>
        %mul3A_2041 = arith.mulf %get3A_1164, %get3A_1200 : vector<16xf32>
        %mul3A_2042 = arith.constant 0.408248305 : f32
        %mul3A_2043 = vector.broadcast %mul3A_2042 : f32 to vector<16xf32>
        %mul3A_2044 = arith.mulf %mul3A_2041, %mul3A_2043 : vector<16xf32>
        %add3A_2045 = arith.addf %add3A_2040, %mul3A_2044 : vector<16xf32>
        %mul3A_2046 = arith.mulf %get3A_1170, %get3A_1194 : vector<16xf32>
        %mul3A_2047 = arith.constant -0.707106769 : f32
        %mul3A_2048 = vector.broadcast %mul3A_2047 : f32 to vector<16xf32>
        %mul3A_2049 = arith.mulf %mul3A_2046, %mul3A_2048 : vector<16xf32>
        %add3A_2050 = arith.addf %add3A_2045, %mul3A_2049 : vector<16xf32>
        %mul3A_2051 = arith.mulf %get3A_1182, %get3A_1194 : vector<16xf32>
        %mul3A_2052 = arith.constant -0.204124153 : f32
        %mul3A_2053 = vector.broadcast %mul3A_2052 : f32 to vector<16xf32>
        %mul3A_2054 = arith.mulf %mul3A_2051, %mul3A_2053 : vector<16xf32>
        %add3A_2055 = arith.addf %add3A_2050, %mul3A_2054 : vector<16xf32>
        %mul3A_2056 = arith.mulf %get3A_1182, %get3A_1206 : vector<16xf32>
        %mul3A_2057 = arith.constant 0.204124153 : f32
        %mul3A_2058 = vector.broadcast %mul3A_2057 : f32 to vector<16xf32>
        %mul3A_2059 = arith.mulf %mul3A_2056, %mul3A_2058 : vector<16xf32>
        %add3A_2060 = arith.addf %add3A_2055, %mul3A_2059 : vector<16xf32>
        %mul3A_2061 = arith.mulf %add3A_2060, %get3A_1320 : vector<16xf32>
        %add3A_2062 = arith.addf %add3A_2031, %mul3A_2061 : vector<16xf32>
        %mul3A_2063 = arith.mulf %get3A_1158, %get3A_1218 : vector<16xf32>
        %mul3A_2064 = arith.constant -0.231455028 : f32
        %mul3A_2065 = vector.broadcast %mul3A_2064 : f32 to vector<16xf32>
        %mul3A_2066 = arith.mulf %mul3A_2063, %mul3A_2065 : vector<16xf32>
        %mul3A_2067 = arith.mulf %get3A_1158, %get3A_1230 : vector<16xf32>
        %mul3A_2068 = arith.constant 0.231455028 : f32
        %mul3A_2069 = vector.broadcast %mul3A_2068 : f32 to vector<16xf32>
        %mul3A_2070 = arith.mulf %mul3A_2067, %mul3A_2069 : vector<16xf32>
        %add3A_2071 = arith.addf %mul3A_2066, %mul3A_2070 : vector<16xf32>
        %mul3A_2072 = arith.mulf %get3A_1164, %get3A_1212 : vector<16xf32>
        %mul3A_2073 = arith.constant -0.231455028 : f32
        %mul3A_2074 = vector.broadcast %mul3A_2073 : f32 to vector<16xf32>
        %mul3A_2075 = arith.mulf %mul3A_2072, %mul3A_2074 : vector<16xf32>
        %add3A_2076 = arith.addf %add3A_2071, %mul3A_2075 : vector<16xf32>
        %mul3A_2077 = arith.mulf %get3A_1164, %get3A_1236 : vector<16xf32>
        %mul3A_2078 = arith.constant 0.231455028 : f32
        %mul3A_2079 = vector.broadcast %mul3A_2078 : f32 to vector<16xf32>
        %mul3A_2080 = arith.mulf %mul3A_2077, %mul3A_2079 : vector<16xf32>
        %add3A_2081 = arith.addf %add3A_2076, %mul3A_2080 : vector<16xf32>
        %mul3A_2082 = arith.mulf %get3A_1170, %get3A_1230 : vector<16xf32>
        %mul3A_2083 = arith.constant 0.267261237 : f32
        %mul3A_2084 = vector.broadcast %mul3A_2083 : f32 to vector<16xf32>
        %mul3A_2085 = arith.mulf %mul3A_2082, %mul3A_2084 : vector<16xf32>
        %add3A_2086 = arith.addf %add3A_2081, %mul3A_2085 : vector<16xf32>
        %mul3A_2087 = arith.mulf %get3A_1176, %get3A_1212 : vector<16xf32>
        %mul3A_2088 = arith.constant 0.231455028 : f32
        %mul3A_2089 = vector.broadcast %mul3A_2088 : f32 to vector<16xf32>
        %mul3A_2090 = arith.mulf %mul3A_2087, %mul3A_2089 : vector<16xf32>
        %add3A_2091 = arith.addf %add3A_2086, %mul3A_2090 : vector<16xf32>
        %mul3A_2092 = arith.mulf %get3A_1176, %get3A_1224 : vector<16xf32>
        %mul3A_2093 = arith.constant 0.267261237 : f32
        %mul3A_2094 = vector.broadcast %mul3A_2093 : f32 to vector<16xf32>
        %mul3A_2095 = arith.mulf %mul3A_2092, %mul3A_2094 : vector<16xf32>
        %add3A_2096 = arith.addf %add3A_2091, %mul3A_2095 : vector<16xf32>
        %mul3A_2097 = arith.mulf %get3A_1176, %get3A_1236 : vector<16xf32>
        %mul3A_2098 = arith.constant -0.231455028 : f32
        %mul3A_2099 = vector.broadcast %mul3A_2098 : f32 to vector<16xf32>
        %mul3A_2100 = arith.mulf %mul3A_2097, %mul3A_2099 : vector<16xf32>
        %add3A_2101 = arith.addf %add3A_2096, %mul3A_2100 : vector<16xf32>
        %mul3A_2102 = arith.mulf %get3A_1182, %get3A_1218 : vector<16xf32>
        %mul3A_2103 = arith.constant 0.231455028 : f32
        %mul3A_2104 = vector.broadcast %mul3A_2103 : f32 to vector<16xf32>
        %mul3A_2105 = arith.mulf %mul3A_2102, %mul3A_2104 : vector<16xf32>
        %add3A_2106 = arith.addf %add3A_2101, %mul3A_2105 : vector<16xf32>
        %mul3A_2107 = arith.mulf %get3A_1182, %get3A_1230 : vector<16xf32>
        %mul3A_2108 = arith.constant -0.231455028 : f32
        %mul3A_2109 = vector.broadcast %mul3A_2108 : f32 to vector<16xf32>
        %mul3A_2110 = arith.mulf %mul3A_2107, %mul3A_2109 : vector<16xf32>
        %add3A_2111 = arith.addf %add3A_2106, %mul3A_2110 : vector<16xf32>
        %mul3A_2112 = arith.mulf %add3A_2111, %get3A_1326 : vector<16xf32>
        %add3A_2113 = arith.addf %add3A_2062, %mul3A_2112 : vector<16xf32>
        %swap3A_2114 = arith.constant 7 : i32
        %swap3A_2115 = arith.index_cast %scan3A_16 : i32 to index
        %swap3A_2116 = arith.index_cast %swap3A_2114 : i32 to index
        %swap3A_2117 = arith.constant 16 : index
        %swap3A_2118 = tpu.vector_load %arg9[%swap3A_2115, %swap3A_2116, %swap3A_2117] {strides = array<i32>} : memref<32x9x32xf32, #tpu.memory_space<vmem>>, vector<1x1x16xf32>,
        %swap3A_2119 = vector.shape_cast %swap3A_2118 : vector<1x1x16xf32> to vector<16xf32>
        %swap3A_2120 = vector.shape_cast %add3A_2113 : vector<16xf32> to vector<1x1x16xf32>
        tpu.vector_store %arg9[%swap3A_2115, %swap3A_2116, %swap3A_2117], %swap3A_2120 {strides = array<i32>} : memref<32x9x32xf32, #tpu.memory_space<vmem>>, vector<1x1x16xf32>,
        %mul3A_2121 = arith.mulf %get3A_1134, %get3A_1236 : vector<16xf32>
        %mul3A_2122 = arith.constant 1.000000e+00 : f32
        %mul3A_2123 = vector.broadcast %mul3A_2122 : f32 to vector<16xf32>
        %mul3A_2124 = arith.mulf %mul3A_2121, %mul3A_2123 : vector<16xf32>
        %mul3A_2125 = arith.mulf %mul3A_2124, %get3A_1296 : vector<16xf32>
        %mul3A_2126 = arith.mulf %get3A_1140, %get3A_1194 : vector<16xf32>
        %mul3A_2127 = arith.constant 0.353553385 : f32
        %mul3A_2128 = vector.broadcast %mul3A_2127 : f32 to vector<16xf32>
        %mul3A_2129 = arith.mulf %mul3A_2126, %mul3A_2128 : vector<16xf32>
        %mul3A_2130 = arith.mulf %get3A_1140, %get3A_1206 : vector<16xf32>
        %mul3A_2131 = arith.constant -0.353553385 : f32
        %mul3A_2132 = vector.broadcast %mul3A_2131 : f32 to vector<16xf32>
        %mul3A_2133 = arith.mulf %mul3A_2130, %mul3A_2132 : vector<16xf32>
        %add3A_2134 = arith.addf %mul3A_2129, %mul3A_2133 : vector<16xf32>
        %mul3A_2135 = arith.mulf %get3A_1152, %get3A_1194 : vector<16xf32>
        %mul3A_2136 = arith.constant -0.353553385 : f32
        %mul3A_2137 = vector.broadcast %mul3A_2136 : f32 to vector<16xf32>
        %mul3A_2138 = arith.mulf %mul3A_2135, %mul3A_2137 : vector<16xf32>
        %add3A_2139 = arith.addf %add3A_2134, %mul3A_2138 : vector<16xf32>
        %mul3A_2140 = arith.mulf %get3A_1152, %get3A_1206 : vector<16xf32>
        %mul3A_2141 = arith.constant 0.353553385 : f32
        %mul3A_2142 = vector.broadcast %mul3A_2141 : f32 to vector<16xf32>
        %mul3A_2143 = arith.mulf %mul3A_2140, %mul3A_2142 : vector<16xf32>
        %add3A_2144 = arith.addf %add3A_2139, %mul3A_2143 : vector<16xf32>
        %mul3A_2145 = arith.mulf %add3A_2144, %get3A_1302 : vector<16xf32>
        %add3A_2146 = arith.addf %mul3A_2125, %mul3A_2145 : vector<16xf32>
        %mul3A_2147 = arith.mulf %get3A_1140, %get3A_1218 : vector<16xf32>
        %mul3A_2148 = arith.constant -0.204124153 : f32
        %mul3A_2149 = vector.broadcast %mul3A_2148 : f32 to vector<16xf32>
        %mul3A_2150 = arith.mulf %mul3A_2147, %mul3A_2149 : vector<16xf32>
        %mul3A_2151 = arith.mulf %get3A_1140, %get3A_1230 : vector<16xf32>
        %mul3A_2152 = arith.constant 0.204124153 : f32
        %mul3A_2153 = vector.broadcast %mul3A_2152 : f32 to vector<16xf32>
        %mul3A_2154 = arith.mulf %mul3A_2151, %mul3A_2153 : vector<16xf32>
        %add3A_2155 = arith.addf %mul3A_2150, %mul3A_2154 : vector<16xf32>
        %mul3A_2156 = arith.mulf %get3A_1146, %get3A_1212 : vector<16xf32>
        %mul3A_2157 = arith.constant 0.816496611 : f32
        %mul3A_2158 = vector.broadcast %mul3A_2157 : f32 to vector<16xf32>
        %mul3A_2159 = arith.mulf %mul3A_2156, %mul3A_2158 : vector<16xf32>
        %add3A_2160 = arith.addf %add3A_2155, %mul3A_2159 : vector<16xf32>
        %mul3A_2161 = arith.mulf %get3A_1152, %get3A_1218 : vector<16xf32>
        %mul3A_2162 = arith.constant 0.204124153 : f32
        %mul3A_2163 = vector.broadcast %mul3A_2162 : f32 to vector<16xf32>
        %mul3A_2164 = arith.mulf %mul3A_2161, %mul3A_2163 : vector<16xf32>
        %add3A_2165 = arith.addf %add3A_2160, %mul3A_2164 : vector<16xf32>
        %mul3A_2166 = arith.mulf %get3A_1152, %get3A_1230 : vector<16xf32>
        %mul3A_2167 = arith.constant -0.204124153 : f32
        %mul3A_2168 = vector.broadcast %mul3A_2167 : f32 to vector<16xf32>
        %mul3A_2169 = arith.mulf %mul3A_2166, %mul3A_2168 : vector<16xf32>
        %add3A_2170 = arith.addf %add3A_2165, %mul3A_2169 : vector<16xf32>
        %mul3A_2171 = arith.mulf %add3A_2170, %get3A_1308 : vector<16xf32>
        %add3A_2172 = arith.addf %add3A_2146, %mul3A_2171 : vector<16xf32>
        %mul3A_2173 = arith.mulf %get3A_1182, %get3A_1188 : vector<16xf32>
        %mul3A_2174 = arith.constant 1.000000e+00 : f32
        %mul3A_2175 = vector.broadcast %mul3A_2174 : f32 to vector<16xf32>
        %mul3A_2176 = arith.mulf %mul3A_2173, %mul3A_2175 : vector<16xf32>
        %mul3A_2177 = arith.mulf %mul3A_2176, %get3A_1314 : vector<16xf32>
        %add3A_2178 = arith.addf %add3A_2172, %mul3A_2177 : vector<16xf32>
        %mul3A_2179 = arith.mulf %get3A_1158, %get3A_1200 : vector<16xf32>
        %mul3A_2180 = arith.constant -0.816496611 : f32
        %mul3A_2181 = vector.broadcast %mul3A_2180 : f32 to vector<16xf32>
        %mul3A_2182 = arith.mulf %mul3A_2179, %mul3A_2181 : vector<16xf32>
        %mul3A_2183 = arith.mulf %get3A_1164, %get3A_1194 : vector<16xf32>
        %mul3A_2184 = arith.constant 0.204124153 : f32
        %mul3A_2185 = vector.broadcast %mul3A_2184 : f32 to vector<16xf32>
        %mul3A_2186 = arith.mulf %mul3A_2183, %mul3A_2185 : vector<16xf32>
        %add3A_2187 = arith.addf %mul3A_2182, %mul3A_2186 : vector<16xf32>
        %mul3A_2188 = arith.mulf %get3A_1164, %get3A_1206 : vector<16xf32>
        %mul3A_2189 = arith.constant -0.204124153 : f32
        %mul3A_2190 = vector.broadcast %mul3A_2189 : f32 to vector<16xf32>
        %mul3A_2191 = arith.mulf %mul3A_2188, %mul3A_2190 : vector<16xf32>
        %add3A_2192 = arith.addf %add3A_2187, %mul3A_2191 : vector<16xf32>
        %mul3A_2193 = arith.mulf %get3A_1176, %get3A_1194 : vector<16xf32>
        %mul3A_2194 = arith.constant -0.204124153 : f32
        %mul3A_2195 = vector.broadcast %mul3A_2194 : f32 to vector<16xf32>
        %mul3A_2196 = arith.mulf %mul3A_2193, %mul3A_2195 : vector<16xf32>
        %add3A_2197 = arith.addf %add3A_2192, %mul3A_2196 : vector<16xf32>
        %mul3A_2198 = arith.mulf %get3A_1176, %get3A_1206 : vector<16xf32>
        %mul3A_2199 = arith.constant 0.204124153 : f32
        %mul3A_2200 = vector.broadcast %mul3A_2199 : f32 to vector<16xf32>
        %mul3A_2201 = arith.mulf %mul3A_2198, %mul3A_2200 : vector<16xf32>
        %add3A_2202 = arith.addf %add3A_2197, %mul3A_2201 : vector<16xf32>
        %mul3A_2203 = arith.mulf %add3A_2202, %get3A_1320 : vector<16xf32>
        %add3A_2204 = arith.addf %add3A_2178, %mul3A_2203 : vector<16xf32>
        %mul3A_2205 = arith.mulf %get3A_1164, %get3A_1218 : vector<16xf32>
        %mul3A_2206 = arith.constant 0.231455028 : f32
        %mul3A_2207 = vector.broadcast %mul3A_2206 : f32 to vector<16xf32>
        %mul3A_2208 = arith.mulf %mul3A_2205, %mul3A_2207 : vector<16xf32>
        %mul3A_2209 = arith.mulf %get3A_1164, %get3A_1230 : vector<16xf32>
        %mul3A_2210 = arith.constant -0.231455028 : f32
        %mul3A_2211 = vector.broadcast %mul3A_2210 : f32 to vector<16xf32>
        %mul3A_2212 = arith.mulf %mul3A_2209, %mul3A_2211 : vector<16xf32>
        %add3A_2213 = arith.addf %mul3A_2208, %mul3A_2212 : vector<16xf32>
        %mul3A_2214 = arith.mulf %get3A_1170, %get3A_1236 : vector<16xf32>
        %mul3A_2215 = arith.constant -0.534522474 : f32
        %mul3A_2216 = vector.broadcast %mul3A_2215 : f32 to vector<16xf32>
        %mul3A_2217 = arith.mulf %mul3A_2214, %mul3A_2216 : vector<16xf32>
        %add3A_2218 = arith.addf %add3A_2213, %mul3A_2217 : vector<16xf32>
        %mul3A_2219 = arith.mulf %get3A_1176, %get3A_1218 : vector<16xf32>
        %mul3A_2220 = arith.constant -0.231455028 : f32
        %mul3A_2221 = vector.broadcast %mul3A_2220 : f32 to vector<16xf32>
        %mul3A_2222 = arith.mulf %mul3A_2219, %mul3A_2221 : vector<16xf32>
        %add3A_2223 = arith.addf %add3A_2218, %mul3A_2222 : vector<16xf32>
        %mul3A_2224 = arith.mulf %get3A_1176, %get3A_1230 : vector<16xf32>
        %mul3A_2225 = arith.constant 0.231455028 : f32
        %mul3A_2226 = vector.broadcast %mul3A_2225 : f32 to vector<16xf32>
        %mul3A_2227 = arith.mulf %mul3A_2224, %mul3A_2226 : vector<16xf32>
        %add3A_2228 = arith.addf %add3A_2223, %mul3A_2227 : vector<16xf32>
        %mul3A_2229 = arith.mulf %get3A_1182, %get3A_1224 : vector<16xf32>
        %mul3A_2230 = arith.constant -0.534522474 : f32
        %mul3A_2231 = vector.broadcast %mul3A_2230 : f32 to vector<16xf32>
        %mul3A_2232 = arith.mulf %mul3A_2229, %mul3A_2231 : vector<16xf32>
        %add3A_2233 = arith.addf %add3A_2228, %mul3A_2232 : vector<16xf32>
        %mul3A_2234 = arith.mulf %add3A_2233, %get3A_1326 : vector<16xf32>
        %add3A_2235 = arith.addf %add3A_2204, %mul3A_2234 : vector<16xf32>
        %swap3A_2236 = arith.constant 8 : i32
        %swap3A_2237 = arith.index_cast %scan3A_16 : i32 to index
        %swap3A_2238 = arith.index_cast %swap3A_2236 : i32 to index
        %swap3A_2239 = arith.constant 16 : index
        %swap3A_2240 = tpu.vector_load %arg9[%swap3A_2237, %swap3A_2238, %swap3A_2239] {strides = array<i32>} : memref<32x9x32xf32, #tpu.memory_space<vmem>>, vector<1x1x16xf32>,
        %swap3A_2241 = vector.shape_cast %swap3A_2240 : vector<1x1x16xf32> to vector<16xf32>
        %swap3A_2242 = vector.shape_cast %add3A_2235 : vector<16xf32> to vector<1x1x16xf32>
        tpu.vector_store %arg9[%swap3A_2237, %swap3A_2238, %swap3A_2239], %swap3A_2242 {strides = array<i32>} : memref<32x9x32xf32, #tpu.memory_space<vmem>>, vector<1x1x16xf32>,
      }
      %scan3A_15 = arith.constant 32 : i32
      "tpu.region"() ({
        %run_scoped3A = tpu.sem_alloc : memref<!tpu.dma_semaphore, #tpu.memory_space<semaphore_mem>>
        %dma_start3A = arith.constant 0 : i32
        %dma_start3A_16 = arith.constant 0 : i32
        %dma_start3A_17 = tpu.memref_slice %arg5[%add3A_10, %dma_start3A, %dma_start3A_16] : memref<8192x9x32xf32, #tpu.memory_space<hbm>> -> memref<32x9x32xf32, #tpu.memory_space<hbm>>
        %dma_start3A_18 = arith.constant 0 : i32
        %dma_start3A_19 = arith.constant 0 : i32
        %dma_start3A_20 = tpu.memref_slice %arg5[%add3A_10, %dma_start3A_18, %dma_start3A_19] : memref<8192x9x32xf32, #tpu.memory_space<hbm>> -> memref<32x9x32xf32, #tpu.memory_space<hbm>>
        tpu.enqueue_dma source(%arg9 : memref<32x9x32xf32, #tpu.memory_space<vmem>>) target(%dma_start3A_20 : memref<32x9x32xf32, #tpu.memory_space<hbm>>) target_semaphore(%run_scoped3A : memref<!tpu.dma_semaphore, #tpu.memory_space<semaphore_mem>>)
        %dma_wait3A = arith.constant 0 : i32
        %dma_wait3A_21 = arith.constant 0 : i32
        %dma_wait3A_22 = tpu.memref_slice %arg5[%add3A_10, %dma_wait3A, %dma_wait3A_21] : memref<8192x9x32xf32, #tpu.memory_space<hbm>> -> memref<32x9x32xf32, #tpu.memory_space<hbm>>
        %dma_wait3A_23 = arith.constant 0 : i32
        %dma_wait3A_24 = arith.constant 0 : i32
        %dma_wait3A_25 = tpu.memref_slice %arg5[%add3A_10, %dma_wait3A_23, %dma_wait3A_24] : memref<8192x9x32xf32, #tpu.memory_space<hbm>> -> memref<32x9x32xf32, #tpu.memory_space<hbm>>
        tpu.wait_dma2 semaphore(%run_scoped3A : memref<!tpu.dma_semaphore, #tpu.memory_space<semaphore_mem>>) src(%arg9 : memref<32x9x32xf32, #tpu.memory_space<vmem>>) dst(%dma_wait3A_25 : memref<32x9x32xf32, #tpu.memory_space<hbm>>)
        tpu.yield
      }) : () -> ()
    }
    %scan3A_6 = arith.constant 8 : i32
    return
  }
}

</mosaic_0001>

<sc_bundles>
// kernel: _tp_call.3.cloned.1.call-start
scs
__scs_entry_jumppad:
0x0: {  	(pc) =	sbr.rel $0x88, $3  }
0x1: {  	(tag) =	ssettag $0x0;
	lr =	simm.s32 $0x1  }
0x2: {  	[smem:$0x3F9E] =	sst lr;
	_ =	strace $0xD0000000  }
0x3: {  	_ = 	snop  }
0x4: {  	_ = 	snop  }
0x5: {  	_ = 	snop  }
0x6: {  	_ = 	snop  }
0x7: {  	_ = 	snop  }
__scs_overlays_trampoline_lowered:
0x8: {  	[smem:$0x3FAD] =	sst s0  }
0x9: {  	[smem:$0x3FAE] =	sst s1  }
0xa: {  	[smem:$0x3FAF] =	sst s2  }
0xb: {  	[smem:$0x3FB0] =	sst s3  }
0xc: {  	[smem:$0x3FB1] =	sst s4  }
0xd: {  	[smem:$0x3FB2] =	sst s5  }
0xe: {  	[smem:$0x3FB3] =	sst s6  }
0xf: {  	[smem:$0x3FB4] =	sst s7  }
0x10: {  	[smem:$0x3FB5] =	sst s8  }
0x11: {  	[smem:$0x3FB6] =	sst s9;
	s0 =	simm.s32 @!p0 $0x0  }
0x12: {  	s1 =	sld [smem:$0x3F9C];
	s0 =	simm.s32 @p0 $0x1  }
0x13: {  	[smem:$0x3FB7] =	sst s0;
	s0 =	simm.s32 @!p1 $0x0  }
0x14: {  	s2 =	sld [smem:$0x3F9B];
	s0 =	simm.s32 @p1 $0x1  }
0x15: {  	[smem:$0x3FB8] =	sst s0;
	s0 =	simm.s32 @!p2 $0x0  }
0x16: {  	s3 =	sld [smem:$0x3FDB];
	s0 =	simm.s32 @p2 $0x1  }
0x17: {  	s4 =	simm.s32 $0x1BF5;
	[smem:$0x3FBA] =	sst s0  }
0x18: {  	s0 =	sld [smem:$0x3F9D];
	_ =	swait.ge [sflag:s4], $0x0  }
0x19: {  	s7 =	sld [smem:$0x3F9E]  }
0x1a: {  	s8 =	sadd.s32 $0xFFFFE003, lr  }
0x1b: {  	s9 =	sadd.s32 $0xFFFFFEF7, lr;
	s5 =	simm.s32 $0xFFFFFFFF;
	p2 =	slt.u32 s8, $0xFFFFF086  }
0x1c: {  	p1 =	slt.u32 s9, $0xF7A;
	s5 =	simm.s32 @!p2 $0x0  }
0x1d: {  	s5 =	simm.s32 @p1 $0x1;
	p0 =	seq.s32 s7, s2  }
0x1e: {  	s7 =	smul.u32 @!p0 $0xF7A, s2;
	p2 =	seq.s32 @!p0 s5, $0x0  }
0x1f: {  	s9 =	smul.u32 $0xF7A, s1;
	s8 =	simm.s32 @!p0 $0x1BF5;
	p2 =	por !p2, p0  }
0x20: {  	[sflag:s8] =	ssyncset.s32 @!p0 $0xFFFFF086;
	s6 =	sadd.s32 @!p0 s3, s7;
	s7 =	simm.s32 @!p0 $0x108  }
0x21: {  	s3 =	sadd.s32 s3, s9;
	s6 =	sadd.s32 @!p0 $0x88, s6;
	s7 =	simm.s32 @p2 $0x1082  }
0x22: {  	[simem:s7], [sflag:s8] =	dma.local @!p0 [hbm:s6], $0xF7A  }
0x23: {  	s9 =	sor.u32 $0xD0000000, s2;
	s6 =	simm.s32 $0x108;
	_ =	swait.ge @!p0 [sflag:s8], $0x0  }
0x24: {  	s3 =	sadd.s32 $0x88, s3;
	s6 =	simm.s32 @!p1 $0x1082;
	[sflag:s4] =	ssyncset.s32 $0xFFFFF086  }
0x25: {  	[simem:s6], [sflag:s4] =	dma.local [hbm:s3], $0xF7A  }
0x26: {  	[smem:$0x3F9E] =	sst s1;
	(tag) =	ssettag s2;
	_ =	strace s9  }
0x27: {  	s1 =	sld [smem:$0x3FAE]  }
0x28: {  	s2 =	sld [smem:$0x3FAF]  }
0x29: {  	s4 =	sld [smem:$0x3FB1]  }
0x2a: {  	p0 =	seq.s32 s5, $0x0;
	s5 =	sld [smem:$0x3FB2]  }
0x2b: {  	s6 =	sld [smem:$0x3FB3]  }
0x2c: {  	s7 =	sld [smem:$0x3FB4]  }
0x2d: {  	s3 =	simm.s32 $0x108;
	s8 =	sld [smem:$0x3FB5]  }
0x2e: {  	s3 =	simm.s32 @!p0 $0x1082;
	s9 =	sld [smem:$0x3FB6]  }
0x2f: {  	lr =	sadd.s32 s0, s3;
	s0 =	sld [smem:$0x3FAD]  }
0x30: {  	s3 =	sld [smem:$0x3FB0]  }
0x31: {  	[smem:$0x3FB9] =	sst s10  }
0x32: {  	s10 =	sld [smem:$0x3FB7];
	_ =	sdelay $0x3  }
0x33: {  	p0 =	seq.s32 s10, $0x1;
	s10 =	sld [smem:$0x3FB9];
	_ =	sdelay $0x3  }
0x34: {  	[smem:$0x3FB9] =	sst s10  }
0x35: {  	s10 =	sld [smem:$0x3FB8];
	_ =	sdelay $0x3  }
0x36: {  	p1 =	seq.s32 s10, $0x1;
	s10 =	sld [smem:$0x3FB9];
	_ =	sdelay $0x3  }
0x37: {  	[smem:$0x3FB9] =	sst s10  }
0x38: {  	s10 =	sld [smem:$0x3FBA]  }
0x39: {  	_ = 	snop;
	(pc) =	sbr.ind lr, $3  }
0x3a: {  	_ = 	snop  }
0x3b: {  	_ = 	snop  }
0x3c: {  	p2 =	seq.s32 s10, $0x1;
	s10 =	sld [smem:$0x3FB9]  }
0x3d: {  	_ =	shalt  }
0x3e: {  	_ =	shalt  }
0x3f: {  	_ =	shalt  }
0x40: {  	_ =	shalt  }
0x41: {  	_ =	shalt  }
0x42: {  	_ =	shalt  }
0x43: {  	_ =	shalt  }
0x44: {  	_ =	shalt  }
0x45: {  	_ =	shalt  }
0x46: {  	_ =	shalt  }
0x47: {  	_ =	shalt  }
0x48: {  	_ =	shalt  }
0x49: {  	_ =	shalt  }
0x4a: {  	_ =	shalt  }
0x4b: {  	_ =	shalt  }
0x4c: {  	_ =	shalt  }
0x4d: {  	_ =	shalt  }
0x4e: {  	_ =	shalt  }
0x4f: {  	_ =	shalt  }
0x50: {  	_ =	shalt  }
0x51: {  	_ =	shalt  }
0x52: {  	_ =	shalt  }
0x53: {  	_ =	shalt  }
0x54: {  	_ =	shalt  }
0x55: {  	_ =	shalt  }
0x56: {  	_ =	shalt  }
0x57: {  	_ =	shalt  }
0x58: {  	_ =	shalt  }
0x59: {  	_ =	shalt  }
0x5a: {  	_ =	shalt  }
0x5b: {  	_ =	shalt  }
0x5c: {  	_ =	shalt  }
0x5d: {  	_ =	shalt  }
0x5e: {  	_ =	shalt  }
0x5f: {  	_ =	shalt  }
0x60: {  	_ =	shalt  }
0x61: {  	_ =	shalt  }
0x62: {  	_ =	shalt  }
0x63: {  	_ =	shalt  }
0x64: {  	_ =	shalt  }
0x65: {  	_ =	shalt  }
0x66: {  	_ =	shalt  }
0x67: {  	_ =	shalt  }
0x68: {  	_ =	shalt  }
0x69: {  	_ =	shalt  }
0x6a: {  	_ =	shalt  }
0x6b: {  	_ =	shalt  }
0x6c: {  	_ =	shalt  }
0x6d: {  	_ =	shalt  }
0x6e: {  	_ =	shalt  }
0x6f: {  	_ =	shalt  }
0x70: {  	_ =	shalt  }
0x71: {  	_ =	shalt  }
0x72: {  	_ =	shalt  }
0x73: {  	_ =	shalt  }
0x74: {  	_ =	shalt  }
0x75: {  	_ =	shalt  }
0x76: {  	_ =	shalt  }
0x77: {  	_ =	shalt  }
0x78: {  	_ =	shalt  }
0x79: {  	_ =	shalt  }
0x7a: {  	_ =	shalt  }
0x7b: {  	_ =	shalt  }
0x7c: {  	_ =	shalt  }
0x7d: {  	_ =	shalt  }
0x7e: {  	_ =	shalt  }
0x7f: {  	_ =	shalt  }
0x80: {  	_ =	shalt  }
0x81: {  	_ =	shalt  }
0x82: {  	_ =	shalt  }
0x83: {  	_ =	shalt  }
0x84: {  	_ =	shalt  }
0x85: {  	_ =	shalt  }
0x86: {  	_ =	shalt  }
0x87: {  	_ =	shalt  }
.Lfunc_end0:
.L_simem_size_0:
called_computation_lowered:
.L_overlay_start_0:
0x88: {  	s2 =	sld [smem:$0x3FD9]  }
0x89: {  	s3 =	sld [smem:$0x3FFE];
	_ =	sdelay $0x1  }
0x8a: {  	s1 =	srdreg.scid  }
0x8b: {  	s0 =	sand.u32 $0x1, s1  }
0x8c: {  	s17 =	sshll.u32 s0, $0xA;
	s2 =	sadd.s32 s3, s2  }
0x8d: {  	s2 =	sadd.s32 s2, s17  }
0x8e: {  	[smem:$0x3FC5] =	sst s2  }
0x8f: {  	_ = 	snop  }
0x90: {  	s2 =	sld [smem:$0x3FD0];
	(tm) =	ssettm $0x1  }
0x91: {  	s18 =	sld [smem:$0x3FFB];
	_ =	sdelay $0x3  }
0x92: {  	_ =	strace s18  }
0x93: {  	s3 =	sld [smem:$0x3FFC];
	_ =	sdelay $0x3  }
0x94: {  	_ =	strace s3  }
0x95: {  	s3 =	sld [smem:$0x3FFD];
	_ =	sdelay $0x3  }
0x96: {  	_ =	strace s3  }
0x97: {  	_ =	strace $0x8FFFFFFF  }
0x98: {  	s19 =	sld [smem:$0x3FDB];
	_ =	sdelay $0x1  }
0x99: {  	s4 =	simm.s32 $_scs_section_size  }
0x9a: {  	s5 =	simm.s32 $_size__tile_overlayer_lowered;
	s6 =	simm.s32 $_tile_overlayer_lowered  }
0x9b: {  	s22 =	simm.s32 $0x1BFF;
	s21 =	sshll.u32 s6, $0x1;
	s3 =	sadd.s32 s4, s19  }
0x9c: {  	s7 =	simm.s32 $0x0;
	s20 =	sshll.u32 s5, $0x1;
	s5 =	sadd.s32 s21, s3  }
0x9d: {  	[timem:s7], [sflag:s22] =	dma.local [hbm:s5], s20  }
0x9e: {  	_ =	swait.ge [sflag:s22], s20  }
0x9f: {  	s4 =	ssub.s32 $0x0, s20;
	[sflag:s22] =	ssyncset.done $0x0  }
0xa0: {  	[sflag:s22] =	ssyncadd.s32 s4;
	_ =	sdelay $0x1  }
0xa1: {  	s23 =	simm.s32 $0x1B8B  }
0xa2: {  	_ =	swait.ge [sflag:s23], $0x1  }
0xa3: {  	[sflag:s23] =	ssyncset.done $0x0  }
0xa4: {  	s25 =	simm.s32 $0x1B8E;
	s24 =	sld [smem:$0x3FFE];
	[sflag:s23] =	ssyncadd.s32 $0xFFFFFFFF  }
0xa5: {  	s26 =	simm.s32 $execute0_lowered;
	[smem:$0x3FD2] =	sst s25  }
0xa6: {  	s5 =	sshll.u32 s26, $0x1;
	_ =	strace $0x80000046;
	[dreg:$0x1] =	wrdreg $0xFFFFFFFF  }
0xa7: {  	s28 =	simm.s32 $_size_execute0_lowered;
	s3 =	sadd.s32 s3, s5;
	[dreg:$0x0] =	wrdreg $0x0  }
0xa8: {  	s5 =	sshll.u32 s28, $0x1;
	[dreg:$0x2] =	wrdreg s3  }
0xa9: {  	[dreg:$0x3] =	wrdreg s5  }
0xaa: {  	[dreg:$0x4] =	wrdreg $0xC0  }
0xab: {  	_ =	task [dreg:s7], $0x5FFFF  }
0xac: {  	[dreg:$0x1] =	wrdreg $0xFFFFFFFF  }
0xad: {  	[dreg:$0x0] =	wrdreg $0x60  }
0xae: {  	[dreg:$0x2] =	wrdreg s2  }
0xaf: {  	[dreg:$0x3] =	wrdreg s24  }
0xb0: {  	[dreg:$0x4] =	wrdreg $0x9  }
0xb1: {  	_ =	task.clear_ibuf [dreg:s7], $0x5FFFF;
	_ =	strace $0x90000046  }
0xb2: {  	s29 =	simm.s32 $0x9;
	_ =	strace $0x80000048  }
0xb3: {  	_ =	swait.ge [sflag:s29], $0x1  }
0xb4: {  	[sflag:s29] =	ssyncadd.s32 $0xFFFFFFFF  }
0xb5: {  	_ =	strace $0x90000048  }
0xb6: {  	_ =	sfence  }
0xb7: {  	s30 =	sld [smem:$0x0];
	_ =	sdelay $0x2  }
0xb8: {  	s31 =	sshll.u32 s1, $0xD;
	s1 =	sshrl.u32 s1, $0x2  }
0xb9: {  	s3 =	sand.u32 $0x4000, s31;
	s1 =	sadd.s32 s1, s30  }
0xba: {  	s0 =	sor.u32 s3, s0;
	s1 =	sshll.u32 s1, $0x11  }
0xbb: {  	s0 =	sor.u32 s1, s0  }
0xbc: {  	s0 =	sadd.s32 $0x8F2B, s0  }
0xbd: {  	[sflag:s0] =	ssyncadd.remote.s32 $0x1  }
0xbe: {  	_ =	sfence.sel $0xFFFF  }
0xbf: {  	[dreg:$0x0] =	wrdreg $0xFFFFFFFF;
	(pc) =	sbr.abs _section_cstart, $3  }
0xc0: {  	[dreg:$0x1] =	wrdreg $0xFFFFFFFF  }
0xc1: {  	_ =	task.clear_ibuf [dreg:s7], $0x2FFFF;
	_ =	strace $0x9FFFFFFF  }
0xc2: {  	(tm) =	ssettm $0x7FFFFFFF  }
0xc3: {  	_ =	shalt  }
tec
execute0_lowered:
.L_overlay_start_1:
0x0: {  	(tag) =	ssettag $0x1  }
0x1: {  	s1 =	rddreg [dreg:$0x0]  }
0x2: {  	s6 =	rddreg [dreg:$0x1]  }
0x3: {  	s0 =	rddreg [dreg:$0x2]  }
0x4: {  	s2 =	simm.s32 $0x0;
	s3 =	srdreg.scid;
	s11 =	simm.s32 $0x4800  }
0x5: {  	s12 =	simm.s32 $0x8400;
	s13 =	simm.s32 $0x0;
	[smem:$0x7FF] =	sst s2  }
0x6: {  	s4 =	sadd.s32 $0x202000, s6;
	s7 =	sand.u32 $0x1, s3;
	s5 =	sadd.s32 $0x24A000, s6  }
0x7: {  	s3 =	stileid.u32;
	s6 =	sadd.s32 $0x2000, s6;
	s8 =	ssub.s32 $0x2, s7  }
0x8: {  	s10 =	sshll.u32 s3, $0x9;
	s7 =	sshll.u32 s7, $0x8;
	s9 =	sshrl.u32 s8, $0x1  }
0x9: {  	_ =	strace $0x80000047;
	s7 =	sor.u32 s7, s10;
	s8 =	ssub.s32 s8, s9  }
0xa: {  	s10 =	simm.s32 $0x2400;
	s9 =	simm.s32 $0x1;
	s8 =	smax.u32 s8, $0x1  }
.LBB2_1:
0xb: {  	s14 =	simm.s32 $0x0  }
.LBB2_2:
0xc: {  	s15 =	sshll.u32 s14, $0x5  }
0xd: {  	s17 =	sadd.s32 s7, s15  }
0xe: {  	s15 =	smul.u32 $0x24, s17;
	_ =	sdelay $0x1  }
0xf: {  	s16 =	simm.s32 $0x0;
	s18 =	sadd.s32 s1, s15  }
0x10: {  	[tilespmem:s16], [sflag:$0x1] =	stream.linear.gather [hbm4b:s18+s16], $0x2400, $0x38;
	[tilespmem:$0xA800] =	vst v63  }
0x11: {  	_ =	swait.ge [sflag:s9], $0x2400  }
0x12: {  	[sflag:s9] =	ssyncset.done $0x0  }
0x13: {  	s31 =	sadd.s32 s4, s15;
	[sflag:s9] =	ssyncadd.s32 $0xFFFFDC00  }
0x14: {  	[tilespmem:s10], [sflag:$0x1] =	stream.linear.gather [hbm4b:s31+s16], $0x2400, $0x38;
	[tilespmem:$0xA800] =	vst v63  }
0x15: {  	s17 =	smul.u32 $0x3C, s17;
	_ =	swait.ge [sflag:s9], $0x2400  }
0x16: {  	[sflag:s9] =	ssyncset.done $0x0  }
0x17: {  	s17 =	sadd.s32 s5, s17;
	[sflag:s9] =	ssyncadd.s32 $0xFFFFDC00  }
0x18: {  	[tilespmem:s11], [sflag:$0x1] =	stream.linear.gather [hbm4b:s17+s16], $0x3C00, $0x38;
	[tilespmem:$0xA800] =	vst v63  }
0x19: {  	_ =	swait.ge [sflag:s9], $0x3C00  }
0x1a: {  	[sflag:s9] =	ssyncset.done $0x0  }
0x1b: {  	s17 =	simm.s32 $0x48F0;
	[sflag:s9] =	ssyncadd.s32 $0xFFFFC400  }
.LBB2_3:
0x1c: {  	s18 =	sshra.s32 s16, $0x2  }
0x1d: {  	v15 =	vld [tilespmem:s18+$0x0]  }
0x1e: {  	v34 =	vld [tilespmem:s18+$0x20]  }
0x1f: {  	v30 =	vld [tilespmem:s18+$0x60]  }
0x20: {  	v35 =	vld [tilespmem:s18+$0x80]  }
0x21: {  	v29 =	vld [tilespmem:s18+$0x2420]  }
0x22: {  	v28 =	vld [tilespmem:s18+$0x2460]  }
0x23: {  	v12 =	vld [tilespmem:s18+$0xA0]  }
0x24: {  	v24 =	vld [tilespmem:s18+$0x2400]  }
0x25: {  	v25 =	vld [tilespmem:s18+$0x2480]  }
0x26: {  	v19 =	vld [tilespmem:s18+$0x24A0]  }
0x27: {  	v23 =	vld [tilespmem:s18+$0x24C0];
	_ =	sdelay $0x1  }
0x28: {  	v8 =	vld [tilespmem:s17+$0xFFFFFF10];
	v38 =	vmul.f32 v29, v34;
	v27 =	vmul.f32 v28, v30  }
0x29: {  	v42 =	vld [tilespmem:s17+$0xFFFFFF70];
	v11 =	vmul.f32 v24, v15;
	v48 =	vmul.f32 v25, v35  }
0x2a: {  	v44 =	vld [tilespmem:s17+$0xFFFFFF90];
	v33 =	vmul.f32 v19, v12;
	v1 =	vmul.f32 v25, v34  }
0x2b: {  	v9 =	vld [tilespmem:s17+$0xFFFFFF30];
	v0 =	vmul.f32 v23, v34;
	v54 =	vmul.f32 v25, v30  }
0x2c: {  	v7 =	vld [tilespmem:s18+$0xE0];
	v36 =	vmul.f32 v29, v15;
	v58 =	vmul.f32 v24, v34  }
0x2d: {  	v40 =	vld [tilespmem:s18+$0x100];
	v6 =	vmul.f32 $5.773502590e-01, v38;
	v10 =	vmul.f32 $5.773502590e-01, v27  }
0x2e: {  	v11 =	vmul.f32 v8, v11;
	v49 =	vmul.f32 $4.472135900e-01, v48;
	v8 =	vld [tilespmem:s18+$0x2440]  }
0x2f: {  	v36 =	vmul.f32 v42, v36;
	v41 =	vmul.f32 v44, v58;
	v13 =	vsub.f32 v6, v10;
	v6 =	vld [tilespmem:s18+$0x2500]  }
0x30: {  	v16 =	vmul.f32 $4.472135900e-01, v33;
	v26 =	vmul.f32 $-2.738612890e-01, v1;
	v10 =	vld [tilespmem:s18+$0x24E0]  }
0x31: {  	v14 =	vmul.f32 $3.162277640e-01, v0;
	v36 =	vadd.f32 v41, v36;
	v41 =	vmul.f32 v25, v12  }
0x32: {  	v38 =	vmul.f32 $3.535533850e-01, v38;
	v21 =	vmul.f32 v9, v13  }
0x33: {  	v5 =	vmul.f32 $1.581138820e-01, v41;
	v31 =	vmul.f32 v8, v30  }
0x34: {  	v9 =	vld [tilespmem:s18+$0x40];
	v60 =	vmul.f32 v8, v12;
	v50 =	vmul.f32 v6, v34  }
0x35: {  	v51 =	vmul.f32 v10, v7;
	v17 =	vmul.f32 v6, v40  }
0x36: {  	v57 =	vmul.f32 $7.071067690e-01, v31;
	v31 =	vmul.f32 v29, v35  }
0x37: {  	v48 =	vmul.f32 $5.477225780e-01, v60;
	v43 =	vmul.f32 v10, v35  }
0x38: {  	[tilespmem:$0x1FF00] =	vst v60;
	v60 =	vmul.f32 v24, v30;
	v39 =	vmul.f32 $2.738612890e-01, v50  }
0x39: {  	v52 =	vmul.f32 v19, v9;
	v53 =	vmul.f32 $4.472135900e-01, v51  }
0x3a: {  	v17 =	vmul.f32 $4.472135900e-01, v17;
	v55 =	vmul.f32 v28, v9  }
0x3b: {  	v18 =	vsub.f32 v26, v14;
	[tilespmem:$0x1FEA0] =	vst v50;
	v50 =	vmul.f32 $2.738612890e-01, v54;
	v47 =	vmul.f32 $2.738612890e-01, v31  }
0x3c: {  	v13 =	vsub.f32 v16, v49;
	v4 =	vmul.f32 $1.581138820e-01, v43;
	v14 =	vmul.f32 v24, v9  }
0x3d: {  	v20 =	vld [tilespmem:s17+$0xFFFFFF50];
	v58 =	vmul.f32 v23, v9;
	v31 =	vmul.f32 $2.041241530e-01, v31  }
0x3e: {  	v49 =	vld [tilespmem:s17+$0xFFFFFFB0];
	v18 =	vadd.f32 v39, v18;
	v22 =	vmul.f32 $5.477225780e-01, v52;
	v13 =	vsub.f32 v13, v53  }
0x3f: {  	v56 =	vmul.f32 $7.071067690e-01, v55;
	v58 =	vmul.f32 $6.324555270e-01, v58  }
0x40: {  	v18 =	vadd.f32 v18, v22;
	v22 =	vmul.f32 v6, v30;
	v32 =	vadd.f32 v17, v13  }
0x41: {  	[tilespmem:$0x1FEE0] =	vst v57;
	v59 =	vsub.f32 v57, v56;
	v57 =	vmul.f32 v8, v15;
	v17 =	vmul.f32 v8, v34  }
0x42: {  	[tilespmem:$0x1FED0] =	vst v52;
	v52 =	vmul.f32 $-2.738612890e-01, v22;
	v37 =	vmul.f32 v20, v32  }
0x43: {  	v13 =	vld [tilespmem:s18+$0xC0];
	v18 =	vadd.f32 v18, v50;
	v45 =	vmul.f32 v49, v59;
	v32 =	vmul.f32 v28, v35  }
0x44: {  	v11 =	vadd.f32 v21, v11;
	[tilespmem:$0x1FE80] =	vst v51;
	v51 =	vld [tilespmem:s17+$0xFFFFFFD0];
	v20 =	vmul.f32 v19, v35;
	v57 =	vmul.f32 v42, v57  }
0x45: {  	v59 =	vmul.f32 v28, v15;
	v18 =	vadd.f32 v18, v52;
	v62 =	vmul.f32 $2.738612890e-01, v32  }
0x46: {  	v63 =	vadd.f32 v37, v11;
	v3 =	vmul.f32 $1.581138820e-01, v20;
	v37 =	vmul.f32 v6, v12  }
0x47: {  	v36 =	vadd.f32 v45, v36;
	v45 =	vmul.f32 $7.071067690e-01, v17;
	v17 =	vmul.f32 v42, v59  }
0x48: {  	v59 =	vmul.f32 v23, v12;
	v61 =	vmul.f32 v29, v13  }
0x49: {  	v21 =	vmul.f32 v10, v13;
	v46 =	vmul.f32 v51, v18  }
0x4a: {  	[tilespmem:$0x1FF20] =	vst v63;
	v55 =	vmul.f32 $-1.581138820e-01, v37;
	v63 =	vmul.f32 v44, v14  }
0x4b: {  	[tilespmem:$0x1FEB0] =	vst v54;
	v54 =	vsub.f32 v62, v47;
	v18 =	vmul.f32 v29, v9;
	v47 =	vmul.f32 v23, v30  }
0x4c: {  	v11 =	vsub.f32 v4, v3;
	v3 =	vmul.f32 $5.477225780e-01, v59;
	v14 =	vmul.f32 v51, v58  }
0x4d: {  	v58 =	vmul.f32 v19, v40;
	v53 =	vmul.f32 $3.162277640e-01, v61;
	v48 =	vadd.f32 v54, v48  }
0x4e: {  	[tilespmem:$0x1FEF0] =	vst v56;
	v56 =	vmul.f32 $5.477225780e-01, v21;
	v62 =	vadd.f32 v46, v36;
	v11 =	vadd.f32 v11, v5  }
0x4f: {  	[tilespmem:$0x1FE90] =	vst v1;
	v46 =	vmul.f32 $7.071067690e-01, v18;
	v53 =	vsub.f32 v48, v53;
	v48 =	vmul.f32 v10, v9  }
0x50: {  	[tilespmem:$0x1FEC0] =	vst v0;
	v26 =	vadd.f32 v39, v26;
	v36 =	vmul.f32 v25, v7;
	v0 =	vmul.f32 $3.162277640e-01, v47  }
0x51: {  	[tilespmem:$0x1FF10] =	vst v61;
	v61 =	vadd.f32 v11, v55;
	v1 =	vsub.f32 v45, v46;
	v16 =	vmul.f32 $5.477225780e-01, v48  }
0x52: {  	v63 =	vadd.f32 v63, v57;
	v57 =	vmul.f32 v19, v30;
	v11 =	vadd.f32 v11, v3  }
0x53: {  	v39 =	vsub.f32 v61, v56;
	v56 =	vmul.f32 v49, v1;
	v26 =	vadd.f32 v26, v16  }
0x54: {  	v61 =	vmul.f32 $-1.581138820e-01, v36;
	v49 =	vmul.f32 v29, v40  }
0x55: {  	v11 =	vadd.f32 v11, v55;
	v55 =	vmul.f32 v6, v7;
	v26 =	vadd.f32 v26, v50  }
0x56: {  	v16 =	vmul.f32 v44, v60;
	v44 =	vmul.f32 v28, v13  }
0x57: {  	v1 =	vmul.f32 $1.581138820e-01, v58;
	v60 =	vmul.f32 v19, v13;
	v26 =	vsub.f32 v26, v0  }
0x58: {  	v39 =	vadd.f32 v39, v61;
	v2 =	vmul.f32 $3.162277640e-01, v44;
	v50 =	vmul.f32 v8, v7  }
0x59: {  	v18 =	vmul.f32 $5.477225780e-01, v60;
	v52 =	vadd.f32 v26, v52;
	v26 =	vmul.f32 v23, v7  }
0x5a: {  	v16 =	vadd.f32 v16, v17;
	v42 =	vsub.f32 v54, v2;
	v5 =	vmul.f32 $5.477225780e-01, v50  }
0x5b: {  	v0 =	vsub.f32 v11, v18;
	v2 =	vmul.f32 v28, v34;
	v4 =	vmul.f32 $5.477225780e-01, v26  }
0x5c: {  	v16 =	vadd.f32 v56, v16;
	v42 =	vadd.f32 v42, v5;
	v51 =	vmul.f32 v51, v52  }
0x5d: {  	v52 =	vmul.f32 v28, v40;
	v39 =	vadd.f32 v39, v4;
	v4 =	vmul.f32 $2.738612890e-01, v49  }
0x5e: {  	v5 =	vmul.f32 $1.581138820e-01, v55;
	v0 =	vadd.f32 v0, v61;
	v61 =	vmul.f32 v10, v40  }
0x5f: {  	v54 =	vmul.f32 $-2.738612890e-01, v52;
	v16 =	vadd.f32 v51, v16;
	v18 =	vadd.f32 v53, v4  }
0x60: {  	v51 =	vmul.f32 v28, v7;
	v42 =	vadd.f32 v42, v4;
	v39 =	vadd.f32 v39, v5  }
0x61: {  	v5 =	vadd.f32 v0, v5;
	v53 =	vld [tilespmem:s17+$0xFFFFFFF0];
	v4 =	vmul.f32 $3.535533850e-01, v2;
	v0 =	vmul.f32 $-1.581138820e-01, v61  }
0x62: {  	v11 =	vadd.f32 v18, v54;
	v39 =	vadd.f32 v39, v1;
	v18 =	vmul.f32 v29, v30  }
0x63: {  	v3 =	vld [tilespmem:s17+$0x10];
	v42 =	vadd.f32 v42, v54;
	v54 =	vmul.f32 v8, v13;
	v30 =	vmul.f32 v10, v30  }
0x64: {  	v1 =	vadd.f32 v5, v1;
	v4 =	vsub.f32 v38, v4;
	v2 =	vmul.f32 $3.535533850e-01, v18  }
0x65: {  	v39 =	vadd.f32 v39, v0;
	v5 =	vmul.f32 $6.324555270e-01, v54;
	v56 =	vmul.f32 $-2.041241530e-01, v30  }
0x66: {  	v0 =	vadd.f32 v1, v0;
	v30 =	vmul.f32 v10, v12;
	v18 =	vmul.f32 v53, v11  }
0x67: {  	v38 =	vld [tilespmem:s17+$0x30];
	v11 =	vmul.f32 $3.535533850e-01, v27;
	v27 =	vmul.f32 v6, v9;
	v2 =	vsub.f32 v4, v2  }
0x68: {  	v4 =	vmul.f32 v39, v3;
	v5 =	vmul.f32 v53, v5;
	v1 =	vadd.f32 v18, v62  }
0x69: {  	v39 =	vmul.f32 v53, v42;
	v62 =	vmul.f32 v25, v15  }
0x6a: {  	v54 =	vld [tilespmem:s17+$0x50];
	v18 =	vmul.f32 v0, v3;
	v17 =	vmul.f32 $8.164966110e-01, v27;
	v1 =	vadd.f32 v4, v1  }
0x6b: {  	v27 =	vmul.f32 v8, v40;
	v4 =	vmul.f32 v10, v34  }
0x6c: {  	v53 =	vadd.f32 v2, v11;
	[tilespmem:$0x1FF30] =	vst v1;
	v1 =	vmul.f32 v38, v62;
	v62 =	vmul.f32 v19, v34  }
0x6d: {  	v11 =	vadd.f32 v14, v63;
	v27 =	vmul.f32 $8.164966110e-01, v27;
	v34 =	vmul.f32 $2.041241530e-01, v4  }
0x6e: {  	v2 =	vmul.f32 $2.041241530e-01, v62;
	v62 =	vmul.f32 v29, v12  }
0x6f: {  	v42 =	vmul.f32 v54, v53;
	v63 =	vadd.f32 v5, v11;
	v5 =	vmul.f32 v28, v12  }
0x70: {  	v29 =	vmul.f32 v29, v7;
	v53 =	vmul.f32 $2.041241530e-01, v62;
	v62 =	vsub.f32 v34, v2  }
0x71: {  	v4 =	vmul.f32 $2.041241530e-01, v57;
	[tilespmem:$0x1FF40] =	vst v63;
	v63 =	vmul.f32 v23, v35  }
0x72: {  	v34 =	vmul.f32 $-2.041241530e-01, v5;
	v29 =	vmul.f32 $-2.041241530e-01, v29;
	v17 =	vadd.f32 v17, v62  }
0x73: {  	v14 =	vadd.f32 v39, v16;
	v57 =	vld [tilespmem:s17+$0x70];
	v2 =	vmul.f32 $5.345224740e-01, v63;
	v63 =	vmul.f32 $2.314550280e-01, v33  }
0x74: {  	v5 =	vmul.f32 $2.041241530e-01, v51;
	v33 =	vld [tilespmem:s17+$0x90];
	v0 =	vadd.f32 v34, v53;
	v3 =	vadd.f32 v17, v4  }
0x75: {  	v51 =	vmul.f32 v25, v13;
	v2 =	vsub.f32 v63, v2;
	v17 =	vmul.f32 $-2.314550280e-01, v30  }
0x76: {  	v28 =	vmul.f32 v19, v7;
	v11 =	vadd.f32 v0, v29;
	v16 =	vadd.f32 v3, v56  }
0x77: {  	v39 =	vmul.f32 $5.345224740e-01, v51;
	v51 =	vmul.f32 v24, v35;
	v2 =	vadd.f32 v17, v2  }
0x78: {  	v1 =	vadd.f32 v42, v1;
	v30 =	vld [tilespmem:s17+$0xB0];
	v11 =	vadd.f32 v11, v5;
	v16 =	vmul.f32 v57, v16  }
0x79: {  	v2 =	vsub.f32 v2, v39;
	v39 =	vmul.f32 v33, v51;
	v51 =	vmul.f32 $-2.314550280e-01, v28;
	v28 =	vld [tilespmem:$0x1FEA0]  }
0x7a: {  	v22 =	vmul.f32 $-2.041241530e-01, v22;
	v20 =	vmul.f32 $2.314550280e-01, v20;
	v0 =	vadd.f32 v16, v1;
	v16 =	vld [tilespmem:$0x1FE90]  }
0x7b: {  	v32 =	vmul.f32 $2.041241530e-01, v32;
	v37 =	vmul.f32 $2.314550280e-01, v37;
	v11 =	vsub.f32 v11, v27  }
0x7c: {  	v21 =	vmul.f32 $2.672612370e-01, v21;
	v45 =	vadd.f32 v45, v46;
	v46 =	vmul.f32 $2.672612370e-01, v60  }
0x7d: {  	v50 =	vmul.f32 $4.082483050e-01, v50;
	v1 =	vmul.f32 v30, v11;
	v11 =	vld [tilespmem:$0x1FE80]  }
0x7e: {  	v26 =	vmul.f32 $2.672612370e-01, v26;
	v12 =	vmul.f32 v24, v12  }
0x7f: {  	v3 =	vmul.f32 $2.041241530e-01, v28;
	v16 =	vmul.f32 $-2.041241530e-01, v16  }
0x80: {  	v10 =	vmul.f32 v10, v15;
	v12 =	vmul.f32 v33, v12;
	v0 =	vadd.f32 v39, v0  }
0x81: {  	v28 =	vmul.f32 $2.314550280e-01, v43;
	v43 =	vmul.f32 $4.082483050e-01, v48;
	v48 =	vadd.f32 v3, v16  }
0x82: {  	v27 =	vld [tilespmem:s17+$0xD0];
	v2 =	vadd.f32 v2, v51;
	v0 =	vadd.f32 v1, v0;
	v11 =	vmul.f32 $2.314550280e-01, v11  }
0x83: {  	v1 =	vsub.f32 v28, v20;
	v28 =	vmul.f32 $2.314550280e-01, v41;
	v39 =	vsub.f32 v48, v43;
	v48 =	vld [tilespmem:$0x1FEB0]  }
0x84: {  	v20 =	vmul.f32 $2.314550280e-01, v36;
	v36 =	vmul.f32 $-2.041241530e-01, v49;
	v2 =	vadd.f32 v2, v11  }
0x85: {  	v1 =	vsub.f32 v1, v28;
	v28 =	vmul.f32 $2.672612370e-01, v59;
	v59 =	vmul.f32 $7.071067690e-01, v47  }
0x86: {  	v31 =	vsub.f32 v31, v32;
	v47 =	vmul.f32 $7.071067690e-01, v44;
	v44 =	vmul.f32 v24, v40  }
0x87: {  	v41 =	vmul.f32 v27, v2;
	v2 =	vadd.f32 v18, v14;
	v18 =	vadd.f32 v1, v28  }
0x88: {  	v32 =	vsub.f32 v31, v47;
	v28 =	vmul.f32 v23, v15;
	v43 =	vmul.f32 $2.041241530e-01, v48  }
0x89: {  	v14 =	vadd.f32 v41, v0;
	v0 =	vmul.f32 v19, v15;
	v18 =	vadd.f32 v18, v37  }
0x8a: {  	v1 =	vadd.f32 v1, v37;
	v48 =	vadd.f32 v39, v43;
	v39 =	vmul.f32 $2.314550280e-01, v58;
	v58 =	vld [tilespmem:$0x1FEC0]  }
0x8b: {  	v0 =	vmul.f32 v38, v0;
	v18 =	vadd.f32 v18, v46;
	v46 =	vmul.f32 $-2.314550280e-01, v61  }
0x8c: {  	v61 =	vmul.f32 v8, v9;
	v19 =	vadd.f32 v48, v59;
	v48 =	vmul.f32 v54, v45  }
0x8d: {  	v41 =	vmul.f32 $-2.314550280e-01, v55;
	v32 =	vadd.f32 v32, v50;
	v9 =	vmul.f32 v25, v9  }
0x8e: {  	v18 =	vadd.f32 v18, v20;
	v50 =	vmul.f32 $8.164966110e-01, v61;
	v0 =	vadd.f32 v48, v0;
	v48 =	vld [tilespmem:$0x1FED0]  }
0x8f: {  	v32 =	vadd.f32 v32, v36;
	v8 =	vmul.f32 v8, v35;
	v59 =	vmul.f32 $7.071067690e-01, v58  }
0x90: {  	v18 =	vadd.f32 v18, v41;
	v55 =	vmul.f32 v54, v50;
	v50 =	vld [tilespmem:$0x1FF00];
	v19 =	vadd.f32 v19, v22  }
0x91: {  	v61 =	vmul.f32 v23, v13;
	v45 =	vmul.f32 $2.041241530e-01, v52;
	v58 =	vld [tilespmem:$0x1FEE0];
	v16 =	vadd.f32 v59, v16  }
0x92: {  	v8 =	vmul.f32 $8.164966110e-01, v8;
	v18 =	vadd.f32 v18, v39;
	v19 =	vmul.f32 v57, v19;
	v59 =	vld [tilespmem:$0x1FEF0]  }
0x93: {  	v60 =	vadd.f32 v32, v45;
	v3 =	vadd.f32 v3, v16;
	v16 =	vmul.f32 $4.082483050e-01, v48  }
0x94: {  	v52 =	vmul.f32 v38, v28;
	v18 =	vadd.f32 v18, v46;
	v0 =	vadd.f32 v19, v0  }
0x95: {  	v28 =	vmul.f32 v38, v10;
	v49 =	vmul.f32 v30, v60;
	v3 =	vsub.f32 v3, v16  }
0x96: {  	v60 =	vmul.f32 v24, v13;
	v18 =	vmul.f32 v27, v18;
	v0 =	vadd.f32 v12, v0  }
0x97: {  	v16 =	vmul.f32 $4.082483050e-01, v50;
	v19 =	vadd.f32 v59, v58;
	v58 =	vld [tilespmem:$0x1FF10];
	v3 =	vadd.f32 v3, v43  }
0x98: {  	v43 =	vadd.f32 v49, v0;
	v49 =	vadd.f32 v55, v52;
	v52 =	vmul.f32 v33, v60  }
0x99: {  	v55 =	vadd.f32 v31, v16;
	v48 =	vmul.f32 v54, v19;
	v54 =	vmul.f32 $5.345224740e-01, v61  }
0x9a: {  	v12 =	vld [tilespmem:s18+$0xB0];
	v61 =	vadd.f32 v1, v21;
	v21 =	vmul.f32 v24, v7;
	v3 =	vadd.f32 v3, v22  }
0x9b: {  	v19 =	vadd.f32 v52, v49;
	v52 =	vld [tilespmem:$0x1FF40];
	v0 =	vadd.f32 v48, v28;
	v28 =	vmul.f32 v6, v13  }
0x9c: {  	v31 =	vsub.f32 v53, v8;
	v6 =	vmul.f32 v6, v15;
	v48 =	vld [tilespmem:$0x1FF20];
	v16 =	vmul.f32 $7.071067690e-01, v58  }
0x9d: {  	v32 =	vadd.f32 v17, v63;
	v37 =	vmul.f32 v33, v21;
	v15 =	vld [tilespmem:s18+$0x24B0];
	v3 =	vmul.f32 v57, v3  }
0x9e: {  	v21 =	vld [tilespmem:s18+$0x2450];
	v6 =	vmul.f32 v38, v6;
	v38 =	vadd.f32 v34, v31;
	v10 =	vsub.f32 v55, v16  }
0x9f: {  	v35 =	vmul.f32 $5.345224740e-01, v28;
	v34 =	vld [tilespmem:s18+$0x30];
	v60 =	vadd.f32 v3, v0;
	v0 =	vadd.f32 v61, v20  }
0xa0: {  	v28 =	vld [tilespmem:s18+$0x50];
	v16 =	vmul.f32 $8.164966110e-01, v9;
	v55 =	vadd.f32 v18, v43;
	v6 =	vadd.f32 v42, v6  }
0xa1: {  	v31 =	vld [tilespmem:s18+$0x2510];
	v3 =	vadd.f32 v38, v29;
	v22 =	vadd.f32 v10, v36  }
0xa2: {  	v47 =	vmul.f32 v33, v44;
	v29 =	vld [tilespmem:s18+$0x70];
	v1 =	vadd.f32 v62, v16;
	v0 =	vadd.f32 v0, v26  }
0xa3: {  	v59 =	vmul.f32 v27, v54;
	v13 =	vadd.f32 v37, v60;
	v37 =	vld [tilespmem:s18+$0x2470];
	v49 =	vadd.f32 v3, v5  }
0xa4: {  	v26 =	vld [tilespmem:s18+$0x2410];
	v62 =	vmul.f32 v15, v12;
	v7 =	vadd.f32 v22, v45;
	v1 =	vadd.f32 v1, v4  }
0xa5: {  	v36 =	vadd.f32 v0, v41;
	v41 =	vsub.f32 v32, v35;
	v32 =	vld [tilespmem:s18+$0x10];
	v45 =	vmul.f32 v23, v40  }
0xa6: {  	v22 =	vld [tilespmem:s18+$0xF0];
	v63 =	vmul.f32 $4.472135900e-01, v62;
	v43 =	vmul.f32 v31, v34;
	v1 =	vadd.f32 v1, v56  }
0xa7: {  	v33 =	vld [tilespmem:s18+$0x90];
	[tilespmem:$0x1FF50] =	vst v62;
	v62 =	vmul.f32 v15, v28;
	v54 =	vmul.f32 v30, v49;
	v4 =	vadd.f32 v41, v51  }
0xa8: {  	v49 =	vmul.f32 v21, v12;
	v10 =	vadd.f32 v36, v39;
	v36 =	vld [tilespmem:s18+$0x2430];
	v42 =	vmul.f32 v57, v1  }
0xa9: {  	v50 =	vmul.f32 $5.345224740e-01, v45;
	v7 =	vmul.f32 v30, v7;
	v30 =	vld [tilespmem:s18+$0x2490];
	v4 =	vadd.f32 v4, v11  }
0xaa: {  	[tilespmem:s18+$0x8460] =	vst v2;
	v10 =	vadd.f32 v10, v46;
	v46 =	vmul.f32 v37, v29;
	v6 =	vadd.f32 v42, v6  }
0xab: {  	[tilespmem:s18+$0x8480] =	vst v14;
	v51 =	vld [tilespmem:$0x1FF30];
	v7 =	vadd.f32 v7, v13;
	v60 =	vmul.f32 v26, v32;
	v24 =	vmul.f32 v31, v22  }
0xac: {  	[tilespmem:s18+$0x8440] =	vst v52;
	v4 =	vsub.f32 v4, v50;
	v56 =	vmul.f32 v27, v10;
	v53 =	vadd.f32 v47, v6  }
0xad: {  	[tilespmem:s18+$0x8400] =	vst v48;
	v57 =	vadd.f32 v59, v19;
	v59 =	vmul.f32 $5.773502590e-01, v46;
	v40 =	vmul.f32 v36, v34  }
0xae: {  	[tilespmem:s18+$0x84A0] =	vst v55;
	v11 =	vld [tilespmem:s18+$0x24F0];
	v61 =	vmul.f32 v30, v33;
	v4 =	vmul.f32 v27, v4;
	v5 =	vadd.f32 v54, v53  }
0xaf: {  	v35 =	vld [tilespmem:s18+$0x110];
	[tilespmem:s18+$0x84C0] =	vst v57;
	v8 =	vmul.f32 v36, v32;
	v41 =	vmul.f32 v30, v34;
	v7 =	vadd.f32 v56, v7  }
0xb0: {  	[tilespmem:s18+$0x8420] =	vst v51;
	v42 =	vmul.f32 v30, v29;
	v23 =	vmul.f32 v30, v12;
	v5 =	vadd.f32 v4, v5  }
0xb1: {  	v18 =	vmul.f32 v30, v22;
	v6 =	vmul.f32 v21, v29;
	[tilespmem:s18+$0x84E0] =	vst v7  }
0xb2: {  	v56 =	vmul.f32 v26, v34;
	v58 =	vmul.f32 $5.773502590e-01, v40;
	[tilespmem:s18+$0x8500] =	vst v5  }
0xb3: {  	v20 =	vmul.f32 v11, v33;
	v40 =	vmul.f32 $3.535533850e-01, v40;
	v5 =	vld [tilespmem:s17+$0xFFFFFF20]  }
0xb4: {  	v7 =	vmul.f32 v31, v35;
	v53 =	vmul.f32 $-2.738612890e-01, v41;
	v10 =	vld [tilespmem:s17+$0xFFFFFF40]  }
0xb5: {  	v16 =	vld [tilespmem:s18+$0x24D0];
	v54 =	vmul.f32 $2.738612890e-01, v43;
	v4 =	vmul.f32 v11, v22  }
0xb6: {  	v47 =	vmul.f32 $4.472135900e-01, v7;
	v7 =	vmul.f32 $1.581138820e-01, v23;
	v51 =	vld [tilespmem:s17+$0xFFFFFF80]  }
0xb7: {  	[tilespmem:$0x1FF90] =	vst v62;
	v13 =	vsub.f32 v58, v59;
	v23 =	vmul.f32 $2.314550280e-01, v23;
	v14 =	vmul.f32 $4.472135900e-01, v4;
	v52 =	vld [tilespmem:s17+$0xFFFFFFA0]  }
0xb8: {  	[tilespmem:$0x1FF70] =	vst v4;
	v4 =	vmul.f32 $5.477225780e-01, v62;
	v62 =	vmul.f32 v37, v35  }
0xb9: {  	v39 =	vmul.f32 v5, v60;
	v38 =	vmul.f32 v10, v13  }
0xba: {  	v10 =	vmul.f32 $4.472135900e-01, v61;
	v5 =	vmul.f32 v37, v28  }
0xbb: {  	v13 =	vmul.f32 $7.071067690e-01, v6;
	v57 =	vmul.f32 v51, v8  }
0xbc: {  	v59 =	vmul.f32 v52, v56;
	v60 =	vmul.f32 v16, v34  }
0xbd: {  	v6 =	vmul.f32 $1.581138820e-01, v20;
	v8 =	vmul.f32 v31, v12  }
0xbe: {  	v50 =	vld [tilespmem:s17+$0xFFFFFFC0];
	v9 =	vmul.f32 $7.071067690e-01, v5;
	v17 =	vsub.f32 v63, v10;
	v63 =	vmul.f32 v15, v33  }
0xbf: {  	v20 =	vmul.f32 $2.314550280e-01, v20;
	v61 =	vmul.f32 $3.162277640e-01, v60;
	v10 =	vld [tilespmem:s18+$0xD0];
	v56 =	vadd.f32 v59, v57  }
0xc0: {  	v57 =	vmul.f32 $2.738612890e-01, v42;
	v58 =	vsub.f32 v13, v9;
	v5 =	vmul.f32 $1.581138820e-01, v63  }
0xc1: {  	v59 =	vmul.f32 $-1.581138820e-01, v8;
	v55 =	vsub.f32 v17, v14;
	v19 =	vsub.f32 v53, v61  }
0xc2: {  	[tilespmem:$0x1FFB0] =	vst v13;
	v14 =	vmul.f32 v36, v33;
	v13 =	vmul.f32 v37, v33;
	v17 =	vsub.f32 v6, v5  }
0xc3: {  	v61 =	vmul.f32 $-1.581138820e-01, v18;
	v48 =	vmul.f32 v50, v58  }
0xc4: {  	v19 =	vadd.f32 v54, v19;
	v44 =	vmul.f32 v11, v10;
	v58 =	vadd.f32 v17, v7  }
0xc5: {  	[tilespmem:$0x1FFC0] =	vst v9;
	v9 =	vmul.f32 $2.738612890e-01, v14;
	v45 =	vmul.f32 $2.738612890e-01, v13  }
0xc6: {  	[tilespmem:$0x1FFD0] =	vst v49;
	v27 =	vadd.f32 v19, v4;
	v4 =	vmul.f32 $5.477225780e-01, v44;
	v3 =	vadd.f32 v58, v59  }
0xc7: {  	[tilespmem:$0x1FF80] =	vst v60;
	v5 =	vmul.f32 $5.477225780e-01, v49;
	v60 =	vsub.f32 v45, v9;
	v17 =	vmul.f32 v36, v10  }
0xc8: {  	[tilespmem:$0x1FFA0] =	vst v8;
	v49 =	vmul.f32 v31, v29;
	v19 =	vmul.f32 v16, v22;
	v25 =	vsub.f32 v3, v4  }
0xc9: {  	[tilespmem:$0x1FFE0] =	vst v44;
	v44 =	vmul.f32 v36, v35;
	v6 =	vadd.f32 v60, v5;
	v7 =	vmul.f32 $3.162277640e-01, v17  }
0xca: {  	[tilespmem:$0x1FF60] =	vst v63;
	v63 =	vmul.f32 $-2.738612890e-01, v49;
	v8 =	vmul.f32 $5.477225780e-01, v19;
	v25 =	vadd.f32 v25, v61  }
0xcb: {  	v9 =	vadd.f32 v27, v57;
	v45 =	vsub.f32 v6, v7;
	v4 =	vld [tilespmem:s17+$0xFFFFFFE0];
	v7 =	vmul.f32 $2.738612890e-01, v44  }
0xcc: {  	v2 =	vld [tilespmem:s17+$0xFFFFFF60];
	v0 =	vadd.f32 v25, v8;
	v8 =	vmul.f32 $1.581138820e-01, v24;
	v25 =	vmul.f32 v15, v35  }
0xcd: {  	v27 =	vmul.f32 v11, v35;
	v5 =	vmul.f32 $-2.738612890e-01, v62;
	v3 =	vld [tilespmem:s17+$0x0];
	v1 =	vadd.f32 v9, v63  }
0xce: {  	v45 =	vadd.f32 v45, v7;
	v0 =	vadd.f32 v0, v8;
	v6 =	vmul.f32 $1.581138820e-01, v25  }
0xcf: {  	v47 =	vadd.f32 v47, v55;
	v48 =	vadd.f32 v48, v56;
	v9 =	vld [tilespmem:s17+$0x20];
	v55 =	vmul.f32 $-1.581138820e-01, v27  }
0xd0: {  	v45 =	vadd.f32 v45, v5;
	v1 =	vmul.f32 v4, v1;
	v0 =	vadd.f32 v0, v6  }
0xd1: {  	v2 =	vmul.f32 v2, v47;
	v47 =	vmul.f32 v21, v32  }
0xd2: {  	v45 =	vmul.f32 v3, v45;
	v1 =	vadd.f32 v1, v48;
	v0 =	vadd.f32 v0, v55  }
0xd3: {  	v38 =	vadd.f32 v38, v39;
	v13 =	vmul.f32 $2.041241530e-01, v13;
	v56 =	vmul.f32 v26, v28  }
0xd4: {  	v39 =	vmul.f32 v51, v47;
	v45 =	vadd.f32 v45, v1;
	v0 =	vmul.f32 v0, v9  }
0xd5: {  	v56 =	vmul.f32 v52, v56;
	v47 =	vmul.f32 v15, v10  }
0xd6: {  	v48 =	vmul.f32 v16, v12;
	v1 =	vadd.f32 v2, v38;
	v0 =	vadd.f32 v0, v45  }
0xd7: {  	v2 =	vmul.f32 v11, v28;
	v38 =	vadd.f32 v56, v39;
	v56 =	vmul.f32 v36, v28  }
0xd8: {  	v45 =	vadd.f32 v54, v53;
	v53 =	vmul.f32 v37, v32;
	[tilespmem:$0x1FFF0] =	vst v0;
	v0 =	vmul.f32 $5.477225780e-01, v48  }
0xd9: {  	v54 =	vmul.f32 $5.477225780e-01, v2;
	v2 =	vmul.f32 $4.082483050e-01, v2  }
0xda: {  	v51 =	vmul.f32 v51, v53;
	v39 =	vadd.f32 v58, v0;
	v0 =	vmul.f32 v26, v29  }
0xdb: {  	v45 =	vadd.f32 v45, v54;
	v53 =	vmul.f32 v21, v34;
	v58 =	vmul.f32 v37, v10  }
0xdc: {  	v52 =	vmul.f32 v52, v0;
	v39 =	vadd.f32 v39, v59;
	v0 =	vmul.f32 $5.477225780e-01, v47  }
0xdd: {  	v54 =	vmul.f32 $3.162277640e-01, v58;
	v59 =	vmul.f32 v21, v22  }
0xde: {  	v45 =	vadd.f32 v45, v57;
	v39 =	vsub.f32 v39, v0;
	v0 =	vmul.f32 v16, v29  }
0xdf: {  	v54 =	vsub.f32 v60, v54;
	v57 =	vmul.f32 $5.477225780e-01, v59;
	v60 =	vmul.f32 $7.071067690e-01, v53  }
0xe0: {  	v39 =	vadd.f32 v39, v61;
	v53 =	vmul.f32 $3.162277640e-01, v0;
	v61 =	vmul.f32 $7.071067690e-01, v56  }
0xe1: {  	v54 =	vadd.f32 v54, v57;
	v56 =	vmul.f32 v16, v28;
	v0 =	vmul.f32 $7.071067690e-01, v0  }
0xe2: {  	v45 =	vsub.f32 v45, v53;
	v8 =	vadd.f32 v39, v8;
	v39 =	vmul.f32 v21, v10  }
0xe3: {  	v7 =	vadd.f32 v54, v7;
	v53 =	vmul.f32 $6.324555270e-01, v56;
	v57 =	vsub.f32 v60, v61  }
0xe4: {  	v54 =	vadd.f32 v52, v51;
	v56 =	vmul.f32 v36, v29;
	v51 =	vmul.f32 v36, v12  }
0xe5: {  	v36 =	vmul.f32 v36, v22;
	v61 =	vadd.f32 v60, v61;
	v60 =	vmul.f32 $2.041241530e-01, v14  }
0xe6: {  	v45 =	vadd.f32 v45, v63;
	v63 =	vmul.f32 $6.324555270e-01, v39;
	v50 =	vmul.f32 v50, v57  }
0xe7: {  	v5 =	vadd.f32 v7, v5;
	v53 =	vmul.f32 v4, v53;
	v57 =	vmul.f32 $3.535533850e-01, v56  }
0xe8: {  	v6 =	vadd.f32 v8, v6;
	v51 =	vmul.f32 $2.041241530e-01, v51;
	v4 =	vmul.f32 v4, v45  }
0xe9: {  	v8 =	vmul.f32 v3, v63;
	v3 =	vmul.f32 v3, v5  }
0xea: {  	v6 =	vadd.f32 v6, v55;
	v55 =	vmul.f32 v37, v34;
	v63 =	vmul.f32 v15, v34  }
0xeb: {  	v7 =	vadd.f32 v53, v38;
	v45 =	vmul.f32 $3.535533850e-01, v46;
	v34 =	vmul.f32 v11, v34  }
0xec: {  	v39 =	vadd.f32 v50, v54;
	v46 =	vmul.f32 v31, v28;
	v6 =	vmul.f32 v6, v9  }
0xed: {  	v5 =	vmul.f32 $3.535533850e-01, v55;
	v38 =	vadd.f32 v8, v7;
	v8 =	vmul.f32 $2.041241530e-01, v63  }
0xee: {  	v50 =	vmul.f32 $2.041241530e-01, v34;
	v63 =	vmul.f32 v15, v29  }
0xef: {  	v4 =	vadd.f32 v4, v39;
	v7 =	vmul.f32 $8.164966110e-01, v46;
	v5 =	vsub.f32 v40, v5  }
0xf0: {  	v39 =	vmul.f32 v11, v29;
	v54 =	vsub.f32 v50, v8;
	v55 =	vmul.f32 $2.041241530e-01, v63  }
0xf1: {  	v50 =	vmul.f32 $-2.041241530e-01, v36;
	v5 =	vsub.f32 v5, v57;
	v57 =	vmul.f32 v37, v12  }
0xf2: {  	v52 =	vld [tilespmem:s17+$0xA0];
	v40 =	vmul.f32 v37, v22;
	v56 =	vmul.f32 $-2.041241530e-01, v39  }
0xf3: {  	v34 =	vld [tilespmem:s17+$0x40];
	v3 =	vadd.f32 v3, v4;
	v39 =	vmul.f32 $-2.041241530e-01, v41;
	v46 =	vmul.f32 $-2.041241530e-01, v57  }
0xf4: {  	v8 =	vld [tilespmem:s17+$0x60];
	v41 =	vmul.f32 $-2.041241530e-01, v49;
	v49 =	vmul.f32 $7.071067690e-01, v58;
	v7 =	vadd.f32 v7, v54  }
0xf5: {  	v53 =	vld [tilespmem:s17+$0x80];
	v37 =	vmul.f32 $2.041241530e-01, v40;
	v5 =	vadd.f32 v5, v45;
	v45 =	vadd.f32 v46, v51  }
0xf6: {  	v40 =	vmul.f32 v21, v35;
	v36 =	vadd.f32 v6, v3;
	v7 =	vadd.f32 v7, v55  }
0xf7: {  	v3 =	vmul.f32 $2.041241530e-01, v43;
	v57 =	vmul.f32 v30, v32;
	v63 =	vadd.f32 v45, v50  }
0xf8: {  	v29 =	vld [tilespmem:s17+$0xC0];
	v43 =	vmul.f32 v26, v33;
	v9 =	vmul.f32 $8.164966110e-01, v40;
	v45 =	vadd.f32 v7, v56  }
0xf9: {  	v4 =	vmul.f32 v34, v57;
	v57 =	vmul.f32 v8, v5;
	v63 =	vadd.f32 v63, v37  }
0xfa: {  	v6 =	vmul.f32 v52, v43;
	v5 =	vmul.f32 v53, v45;
	v45 =	vadd.f32 v3, v39  }
0xfb: {  	v4 =	vadd.f32 v57, v4;
	v7 =	vsub.f32 v63, v9;
	v63 =	vmul.f32 v16, v33  }
0xfc: {  	v2 =	vsub.f32 v45, v2;
	v9 =	vmul.f32 $2.041241530e-01, v42;
	v45 =	vmul.f32 v15, v32  }
0xfd: {  	v4 =	vadd.f32 v5, v4;
	v15 =	vmul.f32 v15, v22;
	v5 =	vmul.f32 v29, v7  }
0xfe: {  	v7 =	vmul.f32 $5.345224740e-01, v63;
	v63 =	vld [tilespmem:$0x1FF50];
	v40 =	vmul.f32 v34, v45  }
0xff: {  	v2 =	vadd.f32 v2, v9;
	v45 =	vmul.f32 v8, v61;
	v61 =	vmul.f32 v11, v12  }
0x100: {  	v4 =	vadd.f32 v6, v4;
	v12 =	vmul.f32 v26, v12;
	v11 =	vmul.f32 v11, v32  }
0x101: {  	v0 =	vadd.f32 v2, v0;
	v14 =	vmul.f32 $-2.314550280e-01, v61;
	v2 =	vsub.f32 v60, v13  }
0x102: {  	v4 =	vadd.f32 v5, v4;
	v60 =	vmul.f32 $4.082483050e-01, v59;
	v13 =	vmul.f32 $-2.041241530e-01, v44  }
0x103: {  	v61 =	vld [tilespmem:$0x1FF60];
	v44 =	vmul.f32 $2.041241530e-01, v62;
	v58 =	vsub.f32 v2, v49;
	v42 =	vmul.f32 $2.314550280e-01, v63  }
0x104: {  	v12 =	vmul.f32 v52, v12;
	v0 =	vadd.f32 v0, v41;
	v63 =	vmul.f32 v30, v10  }
0x105: {  	v11 =	vmul.f32 v34, v11;
	v5 =	vadd.f32 v58, v60;
	v7 =	vsub.f32 v42, v7  }
0x106: {  	v6 =	vadd.f32 v45, v40;
	v0 =	vmul.f32 v53, v0;
	v45 =	vmul.f32 $5.345224740e-01, v63;
	v63 =	vld [tilespmem:$0x1FF70]  }
0x107: {  	v62 =	vld [tilespmem:$0x1FFA0];
	v58 =	vmul.f32 $2.672612370e-01, v48;
	v5 =	vadd.f32 v5, v13;
	v7 =	vadd.f32 v14, v7  }
0x108: {  	v59 =	vld [tilespmem:$0x1FF90];
	v60 =	vmul.f32 v21, v28;
	v40 =	vmul.f32 $2.314550280e-01, v61;
	v0 =	vadd.f32 v0, v6  }
0x109: {  	v6 =	vmul.f32 $-2.314550280e-01, v15;
	v5 =	vadd.f32 v5, v44;
	v7 =	vsub.f32 v7, v45;
	v45 =	vld [tilespmem:$0x1FF80]  }
0x10a: {  	v48 =	vmul.f32 v16, v32;
	v15 =	vld [tilespmem:s17+$0xE0];
	v20 =	vsub.f32 v20, v40;
	v0 =	vadd.f32 v12, v0  }
0x10b: {  	v43 =	vmul.f32 $2.314550280e-01, v63;
	v5 =	vmul.f32 v29, v5;
	v7 =	vadd.f32 v7, v6  }
0x10c: {  	v12 =	vmul.f32 $2.314550280e-01, v62;
	v62 =	vmul.f32 v26, v10;
	v20 =	vsub.f32 v20, v23  }
0x10d: {  	v0 =	vadd.f32 v5, v0;
	v5 =	vmul.f32 $8.164966110e-01, v60;
	v60 =	vld [tilespmem:$0x1FFD0];
	v7 =	vadd.f32 v7, v43  }
0x10e: {  	v23 =	vmul.f32 $4.082483050e-01, v59;
	v40 =	vmul.f32 $7.071067690e-01, v45  }
0x10f: {  	v63 =	vld [tilespmem:$0x1FFB0];
	v61 =	vadd.f32 v20, v58;
	v58 =	vmul.f32 $2.314550280e-01, v18;
	v7 =	vmul.f32 v15, v7  }
0x110: {  	v59 =	vadd.f32 v20, v12;
	v45 =	vld [tilespmem:$0x1FFC0];
	v5 =	vmul.f32 v8, v5;
	v49 =	vadd.f32 v40, v39  }
0x111: {  	v39 =	vmul.f32 v34, v48;
	v40 =	vmul.f32 v30, v28;
	v4 =	vadd.f32 v7, v4  }
0x112: {  	v7 =	vadd.f32 v61, v12;
	v12 =	vmul.f32 $4.082483050e-01, v60;
	v61 =	vld [tilespmem:$0x1FFE0];
	v3 =	vadd.f32 v3, v49  }
0x113: {  	v48 =	vmul.f32 v31, v32;
	v49 =	vmul.f32 $2.672612370e-01, v47;
	v5 =	vadd.f32 v5, v39  }
0x114: {  	v39 =	vmul.f32 $-2.314550280e-01, v24;
	v2 =	vadd.f32 v2, v12;
	v3 =	vsub.f32 v3, v23  }
0x115: {  	v12 =	vmul.f32 v34, v48;
	v23 =	vadd.f32 v45, v63;
	v7 =	vadd.f32 v7, v49  }
0x116: {  	v63 =	vmul.f32 v26, v22;
	v22 =	vmul.f32 $7.071067690e-01, v17;
	v3 =	vadd.f32 v3, v9  }
0x117: {  	v14 =	vadd.f32 v14, v42;
	v8 =	vmul.f32 v8, v23;
	v18 =	vmul.f32 $2.672612370e-01, v61  }
0x118: {  	v45 =	vmul.f32 v21, v33;
	v7 =	vadd.f32 v7, v58;
	v3 =	vadd.f32 v3, v41  }
0x119: {  	v49 =	vmul.f32 v31, v10;
	v8 =	vadd.f32 v8, v11;
	v11 =	vadd.f32 v59, v18  }
0x11a: {  	v12 =	vadd.f32 v57, v12;
	v23 =	vmul.f32 $2.672612370e-01, v19;
	v2 =	vsub.f32 v2, v22  }
0x11b: {  	v7 =	vadd.f32 v7, v39;
	v3 =	vmul.f32 v53, v3;
	v9 =	vadd.f32 v11, v58  }
0x11c: {  	v41 =	vmul.f32 $2.314550280e-01, v25;
	v2 =	vadd.f32 v2, v13;
	v11 =	vmul.f32 $8.164966110e-01, v40  }
0x11d: {  	v3 =	vadd.f32 v3, v8;
	v8 =	vmul.f32 v52, v62;
	v9 =	vadd.f32 v9, v23  }
0x11e: {  	v13 =	vmul.f32 $5.345224740e-01, v49;
	v7 =	vadd.f32 v7, v41;
	v11 =	vadd.f32 v54, v11  }
0x11f: {  	v5 =	vadd.f32 v8, v5;
	v8 =	vadd.f32 v9, v39;
	v9 =	vmul.f32 $8.164966110e-01, v45  }
0x120: {  	v47 =	vmul.f32 $-2.314550280e-01, v27;
	v2 =	vadd.f32 v2, v44;
	v13 =	vsub.f32 v14, v13  }
0x121: {  	v10 =	vmul.f32 v16, v10;
	v11 =	vadd.f32 v11, v55;
	v9 =	vsub.f32 v51, v9  }
0x122: {  	v20 =	vmul.f32 v52, v63;
	v7 =	vadd.f32 v7, v47;
	v6 =	vadd.f32 v13, v6  }
0x123: {  	v57 =	vmul.f32 $5.345224740e-01, v10;
	v11 =	vadd.f32 v11, v56;
	v9 =	vadd.f32 v46, v9  }
0x124: {  	v54 =	vmul.f32 v16, v35;
	v2 =	vmul.f32 v29, v2;
	v3 =	vadd.f32 v20, v3  }
0x125: {  	v11 =	vmul.f32 v53, v11;
	v53 =	vmul.f32 v26, v35;
	v9 =	vadd.f32 v9, v50  }
0x126: {  	v59 =	vld [tilespmem:$0x1FFF0];
	v58 =	vmul.f32 $5.345224740e-01, v54;
	v8 =	vadd.f32 v8, v41;
	v56 =	vadd.f32 v6, v43  }
0x127: {  	[tilespmem:s18+$0x8410] =	vst v1;
	v11 =	vadd.f32 v11, v12;
	v55 =	vmul.f32 v52, v53;
	v9 =	vadd.f32 v9, v37  }
0x128: {  	[tilespmem:s18+$0x8450] =	vst v38;
	v7 =	vmul.f32 v15, v7;
	v6 =	vmul.f32 v15, v57;
	v8 =	vadd.f32 v8, v47  }
0x129: {  	[tilespmem:s18+$0x8470] =	vst v36;
	v1 =	vsub.f32 v56, v58;
	v11 =	vadd.f32 v55, v11;
	v9 =	vmul.f32 v29, v9  }
0x12a: {  	p0 =	sne.s32 s16, $0x8B80;
	[tilespmem:s18+$0x8490] =	vst v4;
	v0 =	vadd.f32 v7, v0;
	v2 =	vadd.f32 v2, v3;
	v60 =	vmul.f32 v15, v8  }
.Ltmp0:
0x12b: {  	[tilespmem:s18+$0x8430] =	vst v59;
	v61 =	vadd.f32 v6, v5;
	v1 =	vmul.f32 v15, v1;
	v62 =	vadd.f32 v9, v11;
	(pc) =	sbr.rel @p0 .LBB2_3-.Ltmp0, $4  }
0x12c: {  	[tilespmem:s18+$0x84B0] =	vst v0;
	v63 =	vadd.f32 v60, v2  }
0x12d: {  	[tilespmem:s18+$0x84D0] =	vst v61;
	v1 =	vadd.f32 v1, v62  }
0x12e: {  	[tilespmem:s18+$0x84F0] =	vst v63  }
0x12f: {  	s16 =	sadd.s32 $0x480, s16;
	s17 =	sadd.s32 $0x1E0, s17;
	[tilespmem:s18+$0x8510] =	vst v1  }
0x130: {  	s14 =	sadd.s32 $0x1, s14  }
0x131: {  	p0 =	sne.s32 s14, $0x8  }
.Ltmp1:
0x132: {  	s15 =	sadd.s32 s6, s15;
	(pc) =	sbr.rel @p0 .LBB2_2-.Ltmp1, $4  }
0x133: {  	[hbm4b:s15+s2] =	stream.linear.scatter [tilespmem:s12], [sflag:$0x1], $0x2400, $0x38;
	[tilespmem:$0xA800] =	vst v63  }
0x134: {  	_ =	swait.ge [sflag:s9], $0x2400  }
0x135: {  	[sflag:s9] =	ssyncset.done $0x0  }
0x136: {  	[sflag:s9] =	ssyncadd.s32 $0xFFFFDC00  }
0x137: {  	s13 =	sadd.s32 $0x1, s13  }
0x138: {  	p0 =	sne.s32 s13, s8  }
.Ltmp2:
0x139: {  	_ = 	snop;
	(pc) =	sbr.rel @p0 .LBB2_1-.Ltmp2, $1  }
0x13a: {  	_ =	sdelay $0x3  }
0x13b: {  	_ =	sfence.sel $0x180000  }
0x13c: {  	[bflag:$0x0] =	sbarrier.arrive $0xFFFF  }
0x13d: {  	p0 =	sne.s32 s3, $0x0;
	_ =	strace $0x90000047  }
0x13e: {  	s0 =	sadd.s32 @!p0 $0x100000, s0;
	[bflag:$0x2] =	sbarrier.arrive $0xFFFF  }
0x13f: {  	[sflag:s0] =	ssyncadd.tile.s32 @!p0 $0x1;
	_ =	shalt  }
.Lfunc_end2:
_tile_overlayer_lowered:
.L_overlay_start_2:
0x140: {  	(tag) =	ssettag $0x2  }
0x141: {  	s0 =	rddreg [dreg:$0x0];
	s2 =	stileid.u32  }
0x142: {  	s1 =	rddreg [dreg:$0x1];
	p0 =	sne.s32 s2, $0x0  }
0x143: {  	s3 =	rddreg [dreg:$0x2];
	[bflag:$0x3] =	sbarrier.arrive $0xFFFF;
	s2 =	simm.s32 @!p0 $0x1C01  }
0x144: {  	[timem:s3], [sflag:s2] =	dma.local @!p0 [hbm:s0], s1  }
0x145: {  	s0 =	simm.s32 @!p0 $0x1  }
0x146: {  	_ =	swait.ge @!p0 [sflag:s0], s1  }
0x147: {  	s1 =	ssub.s32 @!p0 $0x0, s1;
	[sflag:s0] =	ssyncset.done @!p0 $0x0  }
0x148: {  	[sflag:s0] =	ssyncadd.s32 @!p0 s1  }
0x149: {  	[bflag:$0x3] =	sbarrier.arrive $0xFFFF  }
0x14a: {  	_ =	shalt  }

</sc_bundles>
